<compile_context>
chip_gen: v7x
topology: tpu7x:2x2x1
jax: 0.10.2.dev20260603
libtpu: 0.0.44.dev20260713+nightly
codegen_flags: <defaults>
</compile_context>

<pallas_src>
import functools

import jax
import jax.numpy as jnp
from jax import lax
from jax.experimental import pallas as pl
from jax.experimental.pallas import tpu as pltpu
from jax.experimental.pallas import tpu_sc as plsc

B = 10000
N = 100000
D = 128
H1 = 128
H2 = 64
C = 64
T = 3
S0, S1 = 5, 2

_NC, _NS = 2, 16
_NW = _NC * _NS

BP = 10240
BS = 400
G = B // BS

STEPS = [(0, 0, 0), (0, 1, 0), (1, 0, 1), (2, 0, 2), (2, 1, 1), (2, 2, 0)]



def _mk_gather(rows, nch, ch, nb):
    per_w = nch * ch
    assert rows == _NW * per_w and nch % nb == 0
    mesh = plsc.VectorSubcoreMesh(core_axis_name="c", subcore_axis_name="s")

    @functools.partial(
        pl.kernel,
        out_type=jax.ShapeDtypeStruct((rows, D), jnp.float32),
        mesh=mesh,
        scratch_types=(
            [pltpu.VMEM((nch, ch), jnp.int32)]
            + [pltpu.VMEM((ch, D), jnp.float32) for _ in range(nb)]
            + [pltpu.SemaphoreType.DMA for _ in range(2 * nb)]
        ),
    )
    def k(x_hbm, idx_hbm, out_hbm, idx_v, *rest):
        bufs = rest[:nb]
        sems = rest[nb:2 * nb]
        wsems = rest[2 * nb:]
        wid = lax.axis_index("s") * _NC + lax.axis_index("c")
        base = wid * per_w
        pltpu.sync_copy(idx_hbm.at[wid], idx_v)

        @pl.loop(0, nch // nb)
        def _grp(i):
            j0 = i * nb
            cps = [None] * nb
            for b in range(nb):
                @pl.when(i > 0)
                def _(b=b):
                    pltpu.make_async_copy(
                        bufs[b], out_hbm.at[pl.ds(0, ch)], wsems[b]).wait()
                cps[b] = pltpu.async_copy(x_hbm.at[idx_v.at[j0 + b]],
                                          bufs[b], sems[b])
            for b in range(nb):
                cps[b].wait()
                pltpu.async_copy(
                    bufs[b], out_hbm.at[pl.ds(base + (j0 + b) * ch, ch)],
                    wsems[b])
        for b in range(nb):
            pltpu.make_async_copy(
                bufs[b], out_hbm.at[pl.ds(0, ch)], wsems[b]).wait()

    return k


def _mk_gather_pairsum(rows, nch, ch, nb):
    per_w = nch * ch
    assert rows == _NW * per_w and nch % nb == 0
    mesh = plsc.VectorSubcoreMesh(core_axis_name="c", subcore_axis_name="s")

    @functools.partial(
        pl.kernel,
        out_type=jax.ShapeDtypeStruct((rows, D), jnp.float32),
        mesh=mesh,
        scratch_types=(
            [pltpu.VMEM((nch, ch), jnp.int32) for _ in range(2)]
            + [pltpu.VMEM((ch, D), jnp.float32) for _ in range(nb)]
            + [pltpu.SemaphoreType.DMA for _ in range(3 * nb)]
        ),
    )
    def k(x_hbm, idxe_hbm, idxo_hbm, out_hbm, idxe_v, idxo_v, *rest):
        bufs = rest[:nb]
        esems = rest[nb:2 * nb]
        osems = rest[2 * nb:3 * nb]
        wsems = rest[3 * nb:]
        wid = lax.axis_index("s") * _NC + lax.axis_index("c")
        base = wid * per_w
        pltpu.sync_copy(idxe_hbm.at[wid], idxe_v)
        pltpu.sync_copy(idxo_hbm.at[wid], idxo_v)

        @pl.loop(0, nch // nb)
        def _grp(i):
            j0 = i * nb
            ecps = [None] * nb
            for b in range(nb):
                @pl.when(i > 0)
                def _(b=b):
                    pltpu.make_async_copy(
                        bufs[b], out_hbm.at[pl.ds(0, ch)], wsems[b]).wait()
                ecps[b] = pltpu.async_copy(x_hbm.at[idxe_v.at[j0 + b]],
                                           bufs[b], esems[b])
            ocps = [None] * nb
            for b in range(nb):
                ecps[b].wait()
                ocps[b] = pltpu.async_copy(x_hbm.at[idxo_v.at[j0 + b]],
                                           bufs[b], osems[b], add=True)
            for b in range(nb):
                ocps[b].wait()
                pltpu.async_copy(
                    bufs[b], out_hbm.at[pl.ds(base + (j0 + b) * ch, ch)],
                    wsems[b])
        for b in range(nb):
            pltpu.make_async_copy(
                bufs[b], out_hbm.at[pl.ds(0, ch)], wsems[b]).wait()

    return k


_gather_h0 = _mk_gather(BP, 4, 80, 4)
_gather_h1 = _mk_gather(T * S0 * BP, 40, 120, 8)
_gather_n2 = _mk_gather_pairsum(T * S0 * BP, 40, 120, 5)



def _dense_body(h0_ref, h1_ref, n2_ref,
                w1l_ref, w1r_ref, b1_ref,
                w2l_ref, w2r_ref, b2_ref,
                pw_ref, mtg_ref, cb_ref, out_ref):
    f32 = jnp.float32
    bf16 = jnp.bfloat16
    h0 = h0_ref[...].astype(bf16)
    acc = jnp.zeros((BS, C), f32)
    v1 = {}
    v2 = {}
    feats = {}

    def get_feats(t):
        if t not in feats:
            h1 = h1_ref[t]
            n1 = (h1[0] + h1[1] + h1[2] + h1[3] + h1[4]) * (1.0 / S0)
            n2 = n2_ref[t] * (1.0 / S1)
            xcat = jnp.concatenate(
                [h0, h1.astype(bf16).reshape(S0 * BS, D)], axis=0)
            ncat = jnp.concatenate(
                [n1.astype(bf16), n2.astype(bf16).reshape(S0 * BS, D)],
                axis=0)
            feats[t] = (xcat, ncat)
        return feats[t]

    for si, (t, c, _k) in enumerate(STEPS):
        xcat, ncat = get_feats(t)
        u = (jnp.dot(xcat, w1l_ref[c], preferred_element_type=f32)
             + jnp.dot(ncat, w1r_ref[c], preferred_element_type=f32)
             + b1_ref[c][None, :])
        ux = u[:, :H1]
        ut = u[:, H1:]
        v = v1.get(c, 0.0) + ut
        spk = (v >= 1.0).astype(f32)
        v1[c] = v * (1.0 - spk)
        outs = (jax.nn.sigmoid(ux) * spk).astype(bf16)
        h0n = outs[:BS]
        nb_ = outs[BS:].reshape(S0, BS, H1).astype(f32)
        nb_ = ((nb_[0] + nb_[1] + nb_[2] + nb_[3] + nb_[4])
               * (1.0 / S0)).astype(bf16)
        u2 = (jnp.dot(h0n, w2l_ref[c], preferred_element_type=f32)
              + jnp.dot(nb_, w2r_ref[c], preferred_element_type=f32)
              + b2_ref[c][None, :])
        ux2 = u2[:, :H2]
        ut2 = u2[:, H2:]
        v_ = v2.get(c, 0.0) + ut2
        spk2 = (v_ >= 1.0).astype(f32)
        v2[c] = v_ * (1.0 - spk2)
        o = jax.nn.sigmoid(ux2) * spk2
        acc = acc + o * pw_ref[si][None, :]
    out_ref[...] = jnp.dot(acc, mtg_ref[...], preferred_element_type=f32) \
        + cb_ref[...][None, :]


def _dense(h0, h1, n2s, w1l, w1r, b1, w2l, w2r, b2, pw, mtg, cb):
    return pl.pallas_call(
        _dense_body,
        grid=(G,),
        in_specs=[
            pl.BlockSpec((BS, D), lambda i: (i, 0)),
            pl.BlockSpec((T, S0, BS, D), lambda i: (0, 0, i, 0)),
            pl.BlockSpec((T, S0, BS, D), lambda i: (0, 0, i, 0)),
            pl.BlockSpec((T, D, 2 * H1), lambda i: (0, 0, 0)),
            pl.BlockSpec((T, D, 2 * H1), lambda i: (0, 0, 0)),
            pl.BlockSpec((T, 2 * H1), lambda i: (0, 0)),
            pl.BlockSpec((T, H1, 2 * H2), lambda i: (0, 0, 0)),
            pl.BlockSpec((T, H1, 2 * H2), lambda i: (0, 0, 0)),
            pl.BlockSpec((T, 2 * H2), lambda i: (0, 0)),
            pl.BlockSpec((len(STEPS), H2), lambda i: (0, 0)),
            pl.BlockSpec((H2, C), lambda i: (0, 0)),
            pl.BlockSpec((C,), lambda i: (0,)),
        ],
        out_specs=pl.BlockSpec((BS, C), lambda i: (i, 0)),
        out_shape=jax.ShapeDtypeStruct((B, C), jnp.float32),
        compiler_params=pltpu.CompilerParams(
            dimension_semantics=("arbitrary",),
        ),
    )(h0, h1, n2s, w1l, w1r, b1, w2l, w2r, b2, pw, mtg, cb)


def kernel(x, nodes, nbr1, nbr2,
           A1_Wl, A1_Wr, A1_Wlt, A1_Wrt, A1_bl, A1_br, A1_blt, A1_brt,
           A2_Wl, A2_Wr, A2_Wlt, A2_Wrt, A2_bl, A2_br, A2_blt, A2_brt,
           MTG_W, MTG_b, pw1, pb1, pw2, pb2, pw3, pb3):
    nodes = nodes.astype(jnp.int32)
    nbr1 = nbr1.astype(jnp.int32)
    nbr2 = nbr2.astype(jnp.int32)
    pad = BP - B

    idx0 = jnp.pad(nodes, (0, pad)).reshape(_NW, 4, 80)
    idx1 = nbr1.reshape(T, B, S0).transpose(0, 2, 1)
    idx1 = jnp.pad(idx1, ((0, 0), (0, 0), (0, pad))).reshape(_NW, 40, 120)
    idx2 = nbr2.reshape(T, B, S0, S1).transpose(0, 2, 1, 3)
    idxe = jnp.pad(idx2[..., 0], ((0, 0), (0, 0), (0, pad))).reshape(_NW, 40, 120)
    idxo = jnp.pad(idx2[..., 1], ((0, 0), (0, 0), (0, pad))).reshape(_NW, 40, 120)

    h0 = _gather_h0(x, idx0)
    h1 = _gather_h1(x, idx1).reshape(T, S0, BP, D)
    n2s = _gather_n2(x, idxe, idxo).reshape(T, S0, BP, D)

    bf16 = jnp.bfloat16
    w1l = jnp.concatenate([A1_Wl.transpose(0, 2, 1),
                           A1_Wlt.transpose(0, 2, 1)], axis=2).astype(bf16)
    w1r = jnp.concatenate([A1_Wr.transpose(0, 2, 1),
                           A1_Wrt.transpose(0, 2, 1)], axis=2).astype(bf16)
    b1 = jnp.concatenate([A1_bl + A1_br, A1_blt + A1_brt], axis=1)
    w2l = jnp.concatenate([A2_Wl.transpose(0, 2, 1),
                           A2_Wlt.transpose(0, 2, 1)], axis=2).astype(bf16)
    w2r = jnp.concatenate([A2_Wr.transpose(0, 2, 1),
                           A2_Wrt.transpose(0, 2, 1)], axis=2).astype(bf16)
    b2 = jnp.concatenate([A2_bl + A2_br, A2_blt + A2_brt], axis=1)

    pw = jnp.stack([pw1[:, 0], pw2[:, 0], pw1[:, 1],
                    pw1[:, 2], pw2[:, 1], pw3[:, 0]], axis=0)
    mtg = MTG_W.T * (1.0 / 3.0)
    cb = ((pb1 + pb2 + pb3) * (1.0 / 3.0)) @ MTG_W.T + MTG_b

    return _dense(h0, h1, n2s, w1l, w1r, b1, w2l, w2r, b2, pw, mtg, cb)

# --- scband reference (transcript-rebuilt; emitter-appended) ---
"""Pipeline reference for scband-si-gnn-89687507076358 (READ-ONLY COPY).

The authoritative reference and input builder live on the scoring server;
editing this copy changes nothing except your own understanding.
"""

import jax, jax.numpy as jnp
import numpy as np

B = 10000
N = 100000
D = 128
H1 = 128
H2 = 64
C = 64
T = 3
S0, S1 = 5, 2
TH = 1.0
ALPHA = 1.0

PARAM_SHAPES = [
    ("A1_Wl", (3, H1, D)), ("A1_Wr", (3, H1, D)), ("A1_Wlt", (3, H1, D)), ("A1_Wrt", (3, H1, D)),
    ("A1_bl", (3, H1)), ("A1_br", (3, H1)), ("A1_blt", (3, H1)), ("A1_brt", (3, H1)),
    ("A2_Wl", (3, H2, H1)), ("A2_Wr", (3, H2, H1)), ("A2_Wlt", (3, H2, H1)), ("A2_Wrt", (3, H2, H1)),
    ("A2_bl", (3, H2)), ("A2_br", (3, H2)), ("A2_blt", (3, H2)), ("A2_brt", (3, H2)),
    ("MTG_W", (C, H2)), ("MTG_b", (C,)),
    ("pw1", (H2, 3)), ("pb1", (H2,)),
    ("pw2", (H2, 2)), ("pb2", (H2,)),
    ("pw3", (H2, 1)), ("pb3", (H2,)),
]

def setup_inputs(seed: int = 0):
    key = jax.random.key(seed)
    inp = {}
    k, key = jax.random.split(key)
    inp["x"] = jax.random.normal(k, (N, D), dtype=jnp.float32)
    k, key = jax.random.split(key)
    inp["nodes"] = jax.random.randint(k, (B,), 0, N)
    k, key = jax.random.split(key)
    inp["nbr1"] = jax.random.randint(k, (T, B * S0), 0, N)
    k, key = jax.random.split(key)
    inp["nbr2"] = jax.random.randint(k, (T, B * S0 * S1), 0, N)
    for name, shape in PARAM_SHAPES:
        k, key = jax.random.split(key)
        inp[name] = jax.random.normal(k, shape, dtype=jnp.float32) * 0.05
    return inp

def _agg(x_cat, neigh_cat, Wl, bl, Wr, br, Wlt, blt, Wrt, brt):
    self_x = x_cat @ Wl.T + bl
    self_s = x_cat @ Wlt.T + blt
    neigh_x = neigh_cat @ Wr.T + br
    neigh_s = neigh_cat @ Wrt.T + brt
    out_t = self_s + neigh_s
    out_x = jax.nn.sigmoid(self_x + neigh_x)
    return out_t, out_x

def _blif(v, u):
    v = ALPHA * v + u
    spk = (v >= TH).astype(u.dtype)
    return v * (1.0 - spk), spk

def _ta_step(h0, h1, h2, p, v1, v2):
    self_cat = jnp.concatenate([h0, h1], axis=0)
    n1 = h1.reshape(-1, S0, h1.shape[-1]).mean(axis=1)
    n2 = h2.reshape(-1, S1, h2.shape[-1]).mean(axis=1)
    neigh_cat = jnp.concatenate([n1, n2], axis=0)
    out_t, out_x = _agg(self_cat, neigh_cat, p["A1_Wl"], p["A1_bl"], p["A1_Wr"], p["A1_br"], p["A1_Wlt"], p["A1_blt"], p["A1_Wrt"], p["A1_brt"])
    v1, spk = _blif(v1, out_t)
    out_s = out_x * spk
    h0n = out_s[:B]
    h1n = out_s[B:]
    neigh = h1n.reshape(-1, S0, h1n.shape[-1]).mean(axis=1)
    out_t2, out_x2 = _agg(h0n, neigh, p["A2_Wl"], p["A2_bl"], p["A2_Wr"], p["A2_br"], p["A2_Wlt"], p["A2_blt"], p["A2_Wrt"], p["A2_brt"])
    v2, spk2 = _blif(v2, out_t2)
    return out_x2 * spk2, v1, v2

def _forward(x, params, nodes, nbr1, nbr2):
    def chan(c):
        return {k: params[k][c] for k in params if k.startswith("A")}
    v1 = [jnp.zeros((B + B * S0, H1), jnp.float32) for _ in range(3)]
    v2 = [jnp.zeros((B, H2), jnp.float32) for _ in range(3)]
    embs = [[], [], []]
    for t in range(T):
        h0 = x[nodes]
        h1 = x[nbr1[t]]
        h2 = x[nbr2[t]]
        o, v1[0], v2[0] = _ta_step(h0, h1, h2, chan(0), v1[0], v2[0])
        embs[0].append(o)
        if t % 2 == 0:
            o, v1[1], v2[1] = _ta_step(h0, h1, h2, chan(1), v1[1], v2[1])
            embs[1].append(o)
        if (t + 1) % 3 == 0:
            o, v1[2], v2[2] = _ta_step(h0, h1, h2, chan(2), v1[2], v2[2])
            embs[2].append(o)
    pooled = []
    for i, (pw, pb) in enumerate([(params["pw1"], params["pb1"]), (params["pw2"], params["pb2"]), (params["pw3"], params["pb3"])]):
        e = jnp.stack(embs[i], axis=-1)
        pooled.append((e * pw[None, :, :]).sum(-1) + pb[None, :])
    emb = (pooled[0] + pooled[1] + pooled[2]) / 3.0
    return emb @ params["MTG_W"].T + params["MTG_b"]

def reference(x, nodes, nbr1, nbr2,
              A1_Wl, A1_Wr, A1_Wlt, A1_Wrt, A1_bl, A1_br, A1_blt, A1_brt,
              A2_Wl, A2_Wr, A2_Wlt, A2_Wrt, A2_bl, A2_br, A2_blt, A2_brt,
              MTG_W, MTG_b, pw1, pb1, pw2, pb2, pw3, pb3):
    params = {
        "A1_Wl": A1_Wl, "A1_Wr": A1_Wr, "A1_Wlt": A1_Wlt, "A1_Wrt": A1_Wrt,
        "A1_bl": A1_bl, "A1_br": A1_br, "A1_blt": A1_blt, "A1_brt": A1_brt,
        "A2_Wl": A2_Wl, "A2_Wr": A2_Wr, "A2_Wlt": A2_Wlt, "A2_Wrt": A2_Wrt,
        "A2_bl": A2_bl, "A2_br": A2_br, "A2_blt": A2_blt, "A2_brt": A2_brt,
        "MTG_W": MTG_W, "MTG_b": MTG_b,
        "pw1": pw1, "pb1": pb1,
        "pw2": pw2, "pb2": pb2,
        "pw3": pw3, "pb3": pb3,
    }
    return _forward(x, params, nodes, nbr1, nbr2)

if __name__ == "__main__":
    import jax
    _d = setup_inputs()
    print(jax.jit(kernel)(*tuple(_d.values())))

</pallas_src>

<mosaic_0001>
#map = affine_map<(d0, d1) -> (0, 0)>
#map1 = affine_map<(d0, d1) -> (0, 0, 0)>
module attributes {stable_mosaic.version = 14 : i64} {
  func.func @k(%arg0: i32, %arg1: i32, %arg2: memref<100000x128xf32, #tpu.memory_space<hbm>>, %arg3: memref<32x4x80xi32, #tpu.memory_space<hbm>>, %arg4: memref<10240x128xf32, #tpu.memory_space<hbm>>, %arg5: memref<4x80xi32, #tpu.memory_space<vmem>>, %arg6: memref<80x128xf32, #tpu.memory_space<vmem>>, %arg7: memref<80x128xf32, #tpu.memory_space<vmem>>, %arg8: memref<80x128xf32, #tpu.memory_space<vmem>>, %arg9: memref<80x128xf32, #tpu.memory_space<vmem>>, %arg10: memref<!tpu.dma_semaphore, #tpu.memory_space<semaphore_mem>>, %arg11: memref<!tpu.dma_semaphore, #tpu.memory_space<semaphore_mem>>, %arg12: memref<!tpu.dma_semaphore, #tpu.memory_space<semaphore_mem>>, %arg13: memref<!tpu.dma_semaphore, #tpu.memory_space<semaphore_mem>>, %arg14: memref<!tpu.dma_semaphore, #tpu.memory_space<semaphore_mem>>, %arg15: memref<!tpu.dma_semaphore, #tpu.memory_space<semaphore_mem>>, %arg16: memref<!tpu.dma_semaphore, #tpu.memory_space<semaphore_mem>>, %arg17: memref<!tpu.dma_semaphore, #tpu.memory_space<semaphore_mem>>) attributes {dimension_semantics = [#tpu.dimension_semantics<core_parallel>, #tpu.dimension_semantics<subcore_parallel>], iteration_bounds = array<i64: 2, 16>, scalar_prefetch = 0 : i64, scratch_operands = 13 : i64, tpu.core_type = #tpu.core_type<sc_vector_subcore>, window_params = [{transform_indices = #map}, {transform_indices = #map1}, {transform_indices = #map}]} {
    %mul3A = arith.constant 2 : i32
    %mul3A_0 = arith.muli %arg1, %mul3A : i32
    %add3A = arith.addi %mul3A_0, %arg0 : i32
    %mul3A_1 = arith.constant 320 : i32
    %mul3A_2 = arith.muli %add3A, %mul3A_1 : i32
    "tpu.region"() ({
      %run_scoped3A = tpu.sem_alloc : memref<!tpu.dma_semaphore, #tpu.memory_space<semaphore_mem>>
      %dma_start3A_141 = arith.constant 0 : i32
      %dma_start3A_142 = arith.constant 0 : i32
      %dma_start3A_143 = tpu.memref_slice %arg3[%add3A, %dma_start3A_141, %dma_start3A_142] : memref<32x4x80xi32, #tpu.memory_space<hbm>> -> memref<1x4x80xi32, #tpu.memory_space<hbm>>
      %dma_start3A_144 = tpu.memref_squeeze %dma_start3A_143 : memref<1x4x80xi32, #tpu.memory_space<hbm>> -> memref<4x80xi32, #tpu.memory_space<hbm>>
      %dma_start3A_145 = arith.constant 0 : i32
      %dma_start3A_146 = arith.constant 0 : i32
      %dma_start3A_147 = tpu.memref_slice %arg3[%add3A, %dma_start3A_145, %dma_start3A_146] : memref<32x4x80xi32, #tpu.memory_space<hbm>> -> memref<1x4x80xi32, #tpu.memory_space<hbm>>
      %dma_start3A_148 = tpu.memref_squeeze %dma_start3A_147 : memref<1x4x80xi32, #tpu.memory_space<hbm>> -> memref<4x80xi32, #tpu.memory_space<hbm>>
      tpu.enqueue_dma source(%dma_start3A_148 : memref<4x80xi32, #tpu.memory_space<hbm>>) target(%arg5 : memref<4x80xi32, #tpu.memory_space<vmem>>) target_semaphore(%run_scoped3A : memref<!tpu.dma_semaphore, #tpu.memory_space<semaphore_mem>>)
      %dma_wait3A_149 = arith.constant 0 : i32
      %dma_wait3A_150 = arith.constant 0 : i32
      %dma_wait3A_151 = tpu.memref_slice %arg3[%add3A, %dma_wait3A_149, %dma_wait3A_150] : memref<32x4x80xi32, #tpu.memory_space<hbm>> -> memref<1x4x80xi32, #tpu.memory_space<hbm>>
      %dma_wait3A_152 = tpu.memref_squeeze %dma_wait3A_151 : memref<1x4x80xi32, #tpu.memory_space<hbm>> -> memref<4x80xi32, #tpu.memory_space<hbm>>
      %dma_wait3A_153 = arith.constant 0 : i32
      %dma_wait3A_154 = arith.constant 0 : i32
      %dma_wait3A_155 = tpu.memref_slice %arg3[%add3A, %dma_wait3A_153, %dma_wait3A_154] : memref<32x4x80xi32, #tpu.memory_space<hbm>> -> memref<1x4x80xi32, #tpu.memory_space<hbm>>
      %dma_wait3A_156 = tpu.memref_squeeze %dma_wait3A_155 : memref<1x4x80xi32, #tpu.memory_space<hbm>> -> memref<4x80xi32, #tpu.memory_space<hbm>>
      tpu.wait_dma2 semaphore(%run_scoped3A : memref<!tpu.dma_semaphore, #tpu.memory_space<semaphore_mem>>) src(%dma_wait3A_156 : memref<4x80xi32, #tpu.memory_space<hbm>>) dst(%arg5 : memref<4x80xi32, #tpu.memory_space<vmem>>)
      tpu.yield
    }) : () -> ()
    %scan3A = arith.constant 0 : i32
    %mul3A_3 = arith.constant 1 : i32
    %mul3A_4 = arith.muli %scan3A, %mul3A_3 : i32
    %add3A_5 = arith.constant 0 : i32
    %add3A_6 = arith.addi %add3A_5, %mul3A_4 : i32
    %mul3A_7 = arith.constant 4 : i32
    %mul3A_8 = arith.muli %add3A_6, %mul3A_7 : i32
    %gt3A = arith.constant 0 : i32
    %gt3A_9 = arith.cmpi sgt, %add3A_6, %gt3A : i32
    %convert_element_type3A = arith.extui %gt3A_9 : i1 to i32
    %cond3A = arith.constant 0 : i32
    %cond3A_10 = arith.cmpi ne, %convert_element_type3A, %cond3A : i32
    scf.if %cond3A_10 {
      %dma_wait3A_141 = arith.constant 0 : i32
      %dma_wait3A_142 = arith.constant 0 : i32
      %dma_wait3A_143 = tpu.memref_slice %arg4[%dma_wait3A_141, %dma_wait3A_142] : memref<10240x128xf32, #tpu.memory_space<hbm>> -> memref<80x128xf32, #tpu.memory_space<hbm>>
      %dma_wait3A_144 = arith.constant 0 : i32
      %dma_wait3A_145 = arith.constant 0 : i32
      %dma_wait3A_146 = tpu.memref_slice %arg4[%dma_wait3A_144, %dma_wait3A_145] : memref<10240x128xf32, #tpu.memory_space<hbm>> -> memref<80x128xf32, #tpu.memory_space<hbm>>
      tpu.wait_dma2 semaphore(%arg14 : memref<!tpu.dma_semaphore, #tpu.memory_space<semaphore_mem>>) src(%arg6 : memref<80x128xf32, #tpu.memory_space<vmem>>) dst(%dma_wait3A_146 : memref<80x128xf32, #tpu.memory_space<hbm>>)
    } else {
    }
    %add3A_11 = arith.constant 0 : i32
    %add3A_12 = arith.addi %mul3A_8, %add3A_11 : i32
    %dma_start3A = arith.constant 0 : i32
    %dma_start3A_13 = tpu.memref_slice %arg5[%add3A_12, %dma_start3A] : memref<4x80xi32, #tpu.memory_space<vmem>> -> memref<1x80xi32, #tpu.memory_space<vmem>>
    %dma_start3A_14 = tpu.memref_squeeze %dma_start3A_13 : memref<1x80xi32, #tpu.memory_space<vmem>> -> memref<80xi32, #tpu.memory_space<vmem>>
    %dma_start3A_15 = arith.constant 0 : i32
    %dma_start3A_16 = arith.constant 0 : i32
    %dma_start3A_17 = tpu.memref_slice %arg2[%dma_start3A_15, %dma_start3A_16] : memref<100000x128xf32, #tpu.memory_space<hbm>> -> memref<100000x128xf32, #tpu.memory_space<hbm>>
    tpu.enqueue_indirect_dma source(%dma_start3A_17 : memref<100000x128xf32, #tpu.memory_space<hbm>>) target(%arg6 : memref<80x128xf32, #tpu.memory_space<vmem>>) offsets(%dma_start3A_14 : memref<80xi32, #tpu.memory_space<vmem>>) semaphore(%arg10 : memref<!tpu.dma_semaphore, #tpu.memory_space<semaphore_mem>>)
    %gt3A_18 = arith.constant 0 : i32
    %gt3A_19 = arith.cmpi sgt, %add3A_6, %gt3A_18 : i32
    %convert_element_type3A_20 = arith.extui %gt3A_19 : i1 to i32
    %cond3A_21 = arith.constant 0 : i32
    %cond3A_22 = arith.cmpi ne, %convert_element_type3A_20, %cond3A_21 : i32
    scf.if %cond3A_22 {
      %dma_wait3A_141 = arith.constant 0 : i32
      %dma_wait3A_142 = arith.constant 0 : i32
      %dma_wait3A_143 = tpu.memref_slice %arg4[%dma_wait3A_141, %dma_wait3A_142] : memref<10240x128xf32, #tpu.memory_space<hbm>> -> memref<80x128xf32, #tpu.memory_space<hbm>>
      %dma_wait3A_144 = arith.constant 0 : i32
      %dma_wait3A_145 = arith.constant 0 : i32
      %dma_wait3A_146 = tpu.memref_slice %arg4[%dma_wait3A_144, %dma_wait3A_145] : memref<10240x128xf32, #tpu.memory_space<hbm>> -> memref<80x128xf32, #tpu.memory_space<hbm>>
      tpu.wait_dma2 semaphore(%arg15 : memref<!tpu.dma_semaphore, #tpu.memory_space<semaphore_mem>>) src(%arg7 : memref<80x128xf32, #tpu.memory_space<vmem>>) dst(%dma_wait3A_146 : memref<80x128xf32, #tpu.memory_space<hbm>>)
    } else {
    }
    %add3A_23 = arith.constant 1 : i32
    %add3A_24 = arith.addi %mul3A_8, %add3A_23 : i32
    %dma_start3A_25 = arith.constant 0 : i32
    %dma_start3A_26 = tpu.memref_slice %arg5[%add3A_24, %dma_start3A_25] : memref<4x80xi32, #tpu.memory_space<vmem>> -> memref<1x80xi32, #tpu.memory_space<vmem>>
    %dma_start3A_27 = tpu.memref_squeeze %dma_start3A_26 : memref<1x80xi32, #tpu.memory_space<vmem>> -> memref<80xi32, #tpu.memory_space<vmem>>
    %dma_start3A_28 = arith.constant 0 : i32
    %dma_start3A_29 = arith.constant 0 : i32
    %dma_start3A_30 = tpu.memref_slice %arg2[%dma_start3A_28, %dma_start3A_29] : memref<100000x128xf32, #tpu.memory_space<hbm>> -> memref<100000x128xf32, #tpu.memory_space<hbm>>
    tpu.enqueue_indirect_dma source(%dma_start3A_30 : memref<100000x128xf32, #tpu.memory_space<hbm>>) target(%arg7 : memref<80x128xf32, #tpu.memory_space<vmem>>) offsets(%dma_start3A_27 : memref<80xi32, #tpu.memory_space<vmem>>) semaphore(%arg11 : memref<!tpu.dma_semaphore, #tpu.memory_space<semaphore_mem>>)
    %gt3A_31 = arith.constant 0 : i32
    %gt3A_32 = arith.cmpi sgt, %add3A_6, %gt3A_31 : i32
    %convert_element_type3A_33 = arith.extui %gt3A_32 : i1 to i32
    %cond3A_34 = arith.constant 0 : i32
    %cond3A_35 = arith.cmpi ne, %convert_element_type3A_33, %cond3A_34 : i32
    scf.if %cond3A_35 {
      %dma_wait3A_141 = arith.constant 0 : i32
      %dma_wait3A_142 = arith.constant 0 : i32
      %dma_wait3A_143 = tpu.memref_slice %arg4[%dma_wait3A_141, %dma_wait3A_142] : memref<10240x128xf32, #tpu.memory_space<hbm>> -> memref<80x128xf32, #tpu.memory_space<hbm>>
      %dma_wait3A_144 = arith.constant 0 : i32
      %dma_wait3A_145 = arith.constant 0 : i32
      %dma_wait3A_146 = tpu.memref_slice %arg4[%dma_wait3A_144, %dma_wait3A_145] : memref<10240x128xf32, #tpu.memory_space<hbm>> -> memref<80x128xf32, #tpu.memory_space<hbm>>
      tpu.wait_dma2 semaphore(%arg16 : memref<!tpu.dma_semaphore, #tpu.memory_space<semaphore_mem>>) src(%arg8 : memref<80x128xf32, #tpu.memory_space<vmem>>) dst(%dma_wait3A_146 : memref<80x128xf32, #tpu.memory_space<hbm>>)
    } else {
    }
    %add3A_36 = arith.constant 2 : i32
    %add3A_37 = arith.addi %mul3A_8, %add3A_36 : i32
    %dma_start3A_38 = arith.constant 0 : i32
    %dma_start3A_39 = tpu.memref_slice %arg5[%add3A_37, %dma_start3A_38] : memref<4x80xi32, #tpu.memory_space<vmem>> -> memref<1x80xi32, #tpu.memory_space<vmem>>
    %dma_start3A_40 = tpu.memref_squeeze %dma_start3A_39 : memref<1x80xi32, #tpu.memory_space<vmem>> -> memref<80xi32, #tpu.memory_space<vmem>>
    %dma_start3A_41 = arith.constant 0 : i32
    %dma_start3A_42 = arith.constant 0 : i32
    %dma_start3A_43 = tpu.memref_slice %arg2[%dma_start3A_41, %dma_start3A_42] : memref<100000x128xf32, #tpu.memory_space<hbm>> -> memref<100000x128xf32, #tpu.memory_space<hbm>>
    tpu.enqueue_indirect_dma source(%dma_start3A_43 : memref<100000x128xf32, #tpu.memory_space<hbm>>) target(%arg8 : memref<80x128xf32, #tpu.memory_space<vmem>>) offsets(%dma_start3A_40 : memref<80xi32, #tpu.memory_space<vmem>>) semaphore(%arg12 : memref<!tpu.dma_semaphore, #tpu.memory_space<semaphore_mem>>)
    %gt3A_44 = arith.constant 0 : i32
    %gt3A_45 = arith.cmpi sgt, %add3A_6, %gt3A_44 : i32
    %convert_element_type3A_46 = arith.extui %gt3A_45 : i1 to i32
    %cond3A_47 = arith.constant 0 : i32
    %cond3A_48 = arith.cmpi ne, %convert_element_type3A_46, %cond3A_47 : i32
    scf.if %cond3A_48 {
      %dma_wait3A_141 = arith.constant 0 : i32
      %dma_wait3A_142 = arith.constant 0 : i32
      %dma_wait3A_143 = tpu.memref_slice %arg4[%dma_wait3A_141, %dma_wait3A_142] : memref<10240x128xf32, #tpu.memory_space<hbm>> -> memref<80x128xf32, #tpu.memory_space<hbm>>
      %dma_wait3A_144 = arith.constant 0 : i32
      %dma_wait3A_145 = arith.constant 0 : i32
      %dma_wait3A_146 = tpu.memref_slice %arg4[%dma_wait3A_144, %dma_wait3A_145] : memref<10240x128xf32, #tpu.memory_space<hbm>> -> memref<80x128xf32, #tpu.memory_space<hbm>>
      tpu.wait_dma2 semaphore(%arg17 : memref<!tpu.dma_semaphore, #tpu.memory_space<semaphore_mem>>) src(%arg9 : memref<80x128xf32, #tpu.memory_space<vmem>>) dst(%dma_wait3A_146 : memref<80x128xf32, #tpu.memory_space<hbm>>)
    } else {
    }
    %add3A_49 = arith.constant 3 : i32
    %add3A_50 = arith.addi %mul3A_8, %add3A_49 : i32
    %dma_start3A_51 = arith.constant 0 : i32
    %dma_start3A_52 = tpu.memref_slice %arg5[%add3A_50, %dma_start3A_51] : memref<4x80xi32, #tpu.memory_space<vmem>> -> memref<1x80xi32, #tpu.memory_space<vmem>>
    %dma_start3A_53 = tpu.memref_squeeze %dma_start3A_52 : memref<1x80xi32, #tpu.memory_space<vmem>> -> memref<80xi32, #tpu.memory_space<vmem>>
    %dma_start3A_54 = arith.constant 0 : i32
    %dma_start3A_55 = arith.constant 0 : i32
    %dma_start3A_56 = tpu.memref_slice %arg2[%dma_start3A_54, %dma_start3A_55] : memref<100000x128xf32, #tpu.memory_space<hbm>> -> memref<100000x128xf32, #tpu.memory_space<hbm>>
    tpu.enqueue_indirect_dma source(%dma_start3A_56 : memref<100000x128xf32, #tpu.memory_space<hbm>>) target(%arg9 : memref<80x128xf32, #tpu.memory_space<vmem>>) offsets(%dma_start3A_53 : memref<80xi32, #tpu.memory_space<vmem>>) semaphore(%arg13 : memref<!tpu.dma_semaphore, #tpu.memory_space<semaphore_mem>>)
    %dma_wait3A = arith.constant 0 : i32
    %dma_wait3A_57 = tpu.memref_slice %arg5[%add3A_12, %dma_wait3A] : memref<4x80xi32, #tpu.memory_space<vmem>> -> memref<1x80xi32, #tpu.memory_space<vmem>>
    %dma_wait3A_58 = tpu.memref_squeeze %dma_wait3A_57 : memref<1x80xi32, #tpu.memory_space<vmem>> -> memref<80xi32, #tpu.memory_space<vmem>>
    %dma_wait3A_59 = arith.constant 0 : i32
    %dma_wait3A_60 = arith.constant 0 : i32
    %dma_wait3A_61 = tpu.memref_slice %arg2[%dma_wait3A_59, %dma_wait3A_60] : memref<100000x128xf32, #tpu.memory_space<hbm>> -> memref<100000x128xf32, #tpu.memory_space<hbm>>
    tpu.wait_indirect_dma semaphore(%arg10 : memref<!tpu.dma_semaphore, #tpu.memory_space<semaphore_mem>>) src(%dma_wait3A_61 : memref<100000x128xf32, #tpu.memory_space<hbm>>) dst(%arg6 : memref<80x128xf32, #tpu.memory_space<vmem>>)
    %add3A_62 = arith.constant 0 : i32
    %add3A_63 = arith.addi %mul3A_8, %add3A_62 : i32
    %mul3A_64 = arith.constant 80 : i32
    %mul3A_65 = arith.muli %add3A_63, %mul3A_64 : i32
    %add3A_66 = arith.addi %mul3A_2, %mul3A_65 : i32
    %dma_start3A_67 = arith.constant 0 : i32
    %dma_start3A_68 = tpu.memref_slice %arg4[%add3A_66, %dma_start3A_67] : memref<10240x128xf32, #tpu.memory_space<hbm>> -> memref<80x128xf32, #tpu.memory_space<hbm>>
    %dma_start3A_69 = arith.constant 0 : i32
    %dma_start3A_70 = tpu.memref_slice %arg4[%add3A_66, %dma_start3A_69] : memref<10240x128xf32, #tpu.memory_space<hbm>> -> memref<80x128xf32, #tpu.memory_space<hbm>>
    tpu.enqueue_dma source(%arg6 : memref<80x128xf32, #tpu.memory_space<vmem>>) target(%dma_start3A_70 : memref<80x128xf32, #tpu.memory_space<hbm>>) target_semaphore(%arg14 : memref<!tpu.dma_semaphore, #tpu.memory_space<semaphore_mem>>)
    %dma_wait3A_71 = arith.constant 0 : i32
    %dma_wait3A_72 = tpu.memref_slice %arg5[%add3A_24, %dma_wait3A_71] : memref<4x80xi32, #tpu.memory_space<vmem>> -> memref<1x80xi32, #tpu.memory_space<vmem>>
    %dma_wait3A_73 = tpu.memref_squeeze %dma_wait3A_72 : memref<1x80xi32, #tpu.memory_space<vmem>> -> memref<80xi32, #tpu.memory_space<vmem>>
    %dma_wait3A_74 = arith.constant 0 : i32
    %dma_wait3A_75 = arith.constant 0 : i32
    %dma_wait3A_76 = tpu.memref_slice %arg2[%dma_wait3A_74, %dma_wait3A_75] : memref<100000x128xf32, #tpu.memory_space<hbm>> -> memref<100000x128xf32, #tpu.memory_space<hbm>>
    tpu.wait_indirect_dma semaphore(%arg11 : memref<!tpu.dma_semaphore, #tpu.memory_space<semaphore_mem>>) src(%dma_wait3A_76 : memref<100000x128xf32, #tpu.memory_space<hbm>>) dst(%arg7 : memref<80x128xf32, #tpu.memory_space<vmem>>)
    %add3A_77 = arith.constant 1 : i32
    %add3A_78 = arith.addi %mul3A_8, %add3A_77 : i32
    %mul3A_79 = arith.constant 80 : i32
    %mul3A_80 = arith.muli %add3A_78, %mul3A_79 : i32
    %add3A_81 = arith.addi %mul3A_2, %mul3A_80 : i32
    %dma_start3A_82 = arith.constant 0 : i32
    %dma_start3A_83 = tpu.memref_slice %arg4[%add3A_81, %dma_start3A_82] : memref<10240x128xf32, #tpu.memory_space<hbm>> -> memref<80x128xf32, #tpu.memory_space<hbm>>
    %dma_start3A_84 = arith.constant 0 : i32
    %dma_start3A_85 = tpu.memref_slice %arg4[%add3A_81, %dma_start3A_84] : memref<10240x128xf32, #tpu.memory_space<hbm>> -> memref<80x128xf32, #tpu.memory_space<hbm>>
    tpu.enqueue_dma source(%arg7 : memref<80x128xf32, #tpu.memory_space<vmem>>) target(%dma_start3A_85 : memref<80x128xf32, #tpu.memory_space<hbm>>) target_semaphore(%arg15 : memref<!tpu.dma_semaphore, #tpu.memory_space<semaphore_mem>>)
    %dma_wait3A_86 = arith.constant 0 : i32
    %dma_wait3A_87 = tpu.memref_slice %arg5[%add3A_37, %dma_wait3A_86] : memref<4x80xi32, #tpu.memory_space<vmem>> -> memref<1x80xi32, #tpu.memory_space<vmem>>
    %dma_wait3A_88 = tpu.memref_squeeze %dma_wait3A_87 : memref<1x80xi32, #tpu.memory_space<vmem>> -> memref<80xi32, #tpu.memory_space<vmem>>
    %dma_wait3A_89 = arith.constant 0 : i32
    %dma_wait3A_90 = arith.constant 0 : i32
    %dma_wait3A_91 = tpu.memref_slice %arg2[%dma_wait3A_89, %dma_wait3A_90] : memref<100000x128xf32, #tpu.memory_space<hbm>> -> memref<100000x128xf32, #tpu.memory_space<hbm>>
    tpu.wait_indirect_dma semaphore(%arg12 : memref<!tpu.dma_semaphore, #tpu.memory_space<semaphore_mem>>) src(%dma_wait3A_91 : memref<100000x128xf32, #tpu.memory_space<hbm>>) dst(%arg8 : memref<80x128xf32, #tpu.memory_space<vmem>>)
    %add3A_92 = arith.constant 2 : i32
    %add3A_93 = arith.addi %mul3A_8, %add3A_92 : i32
    %mul3A_94 = arith.constant 80 : i32
    %mul3A_95 = arith.muli %add3A_93, %mul3A_94 : i32
    %add3A_96 = arith.addi %mul3A_2, %mul3A_95 : i32
    %dma_start3A_97 = arith.constant 0 : i32
    %dma_start3A_98 = tpu.memref_slice %arg4[%add3A_96, %dma_start3A_97] : memref<10240x128xf32, #tpu.memory_space<hbm>> -> memref<80x128xf32, #tpu.memory_space<hbm>>
    %dma_start3A_99 = arith.constant 0 : i32
    %dma_start3A_100 = tpu.memref_slice %arg4[%add3A_96, %dma_start3A_99] : memref<10240x128xf32, #tpu.memory_space<hbm>> -> memref<80x128xf32, #tpu.memory_space<hbm>>
    tpu.enqueue_dma source(%arg8 : memref<80x128xf32, #tpu.memory_space<vmem>>) target(%dma_start3A_100 : memref<80x128xf32, #tpu.memory_space<hbm>>) target_semaphore(%arg16 : memref<!tpu.dma_semaphore, #tpu.memory_space<semaphore_mem>>)
    %dma_wait3A_101 = arith.constant 0 : i32
    %dma_wait3A_102 = tpu.memref_slice %arg5[%add3A_50, %dma_wait3A_101] : memref<4x80xi32, #tpu.memory_space<vmem>> -> memref<1x80xi32, #tpu.memory_space<vmem>>
    %dma_wait3A_103 = tpu.memref_squeeze %dma_wait3A_102 : memref<1x80xi32, #tpu.memory_space<vmem>> -> memref<80xi32, #tpu.memory_space<vmem>>
    %dma_wait3A_104 = arith.constant 0 : i32
    %dma_wait3A_105 = arith.constant 0 : i32
    %dma_wait3A_106 = tpu.memref_slice %arg2[%dma_wait3A_104, %dma_wait3A_105] : memref<100000x128xf32, #tpu.memory_space<hbm>> -> memref<100000x128xf32, #tpu.memory_space<hbm>>
    tpu.wait_indirect_dma semaphore(%arg13 : memref<!tpu.dma_semaphore, #tpu.memory_space<semaphore_mem>>) src(%dma_wait3A_106 : memref<100000x128xf32, #tpu.memory_space<hbm>>) dst(%arg9 : memref<80x128xf32, #tpu.memory_space<vmem>>)
    %add3A_107 = arith.constant 3 : i32
    %add3A_108 = arith.addi %mul3A_8, %add3A_107 : i32
    %mul3A_109 = arith.constant 80 : i32
    %mul3A_110 = arith.muli %add3A_108, %mul3A_109 : i32
    %add3A_111 = arith.addi %mul3A_2, %mul3A_110 : i32
    %dma_start3A_112 = arith.constant 0 : i32
    %dma_start3A_113 = tpu.memref_slice %arg4[%add3A_111, %dma_start3A_112] : memref<10240x128xf32, #tpu.memory_space<hbm>> -> memref<80x128xf32, #tpu.memory_space<hbm>>
    %dma_start3A_114 = arith.constant 0 : i32
    %dma_start3A_115 = tpu.memref_slice %arg4[%add3A_111, %dma_start3A_114] : memref<10240x128xf32, #tpu.memory_space<hbm>> -> memref<80x128xf32, #tpu.memory_space<hbm>>
    tpu.enqueue_dma source(%arg9 : memref<80x128xf32, #tpu.memory_space<vmem>>) target(%dma_start3A_115 : memref<80x128xf32, #tpu.memory_space<hbm>>) target_semaphore(%arg17 : memref<!tpu.dma_semaphore, #tpu.memory_space<semaphore_mem>>)
    %scan3A_116 = arith.constant 1 : i32
    %dma_wait3A_117 = arith.constant 0 : i32
    %dma_wait3A_118 = arith.constant 0 : i32
    %dma_wait3A_119 = tpu.memref_slice %arg4[%dma_wait3A_117, %dma_wait3A_118] : memref<10240x128xf32, #tpu.memory_space<hbm>> -> memref<80x128xf32, #tpu.memory_space<hbm>>
    %dma_wait3A_120 = arith.constant 0 : i32
    %dma_wait3A_121 = arith.constant 0 : i32
    %dma_wait3A_122 = tpu.memref_slice %arg4[%dma_wait3A_120, %dma_wait3A_121] : memref<10240x128xf32, #tpu.memory_space<hbm>> -> memref<80x128xf32, #tpu.memory_space<hbm>>
    tpu.wait_dma2 semaphore(%arg14 : memref<!tpu.dma_semaphore, #tpu.memory_space<semaphore_mem>>) src(%arg6 : memref<80x128xf32, #tpu.memory_space<vmem>>) dst(%dma_wait3A_122 : memref<80x128xf32, #tpu.memory_space<hbm>>)
    %dma_wait3A_123 = arith.constant 0 : i32
    %dma_wait3A_124 = arith.constant 0 : i32
    %dma_wait3A_125 = tpu.memref_slice %arg4[%dma_wait3A_123, %dma_wait3A_124] : memref<10240x128xf32, #tpu.memory_space<hbm>> -> memref<80x128xf32, #tpu.memory_space<hbm>>
    %dma_wait3A_126 = arith.constant 0 : i32
    %dma_wait3A_127 = arith.constant 0 : i32
    %dma_wait3A_128 = tpu.memref_slice %arg4[%dma_wait3A_126, %dma_wait3A_127] : memref<10240x128xf32, #tpu.memory_space<hbm>> -> memref<80x128xf32, #tpu.memory_space<hbm>>
    tpu.wait_dma2 semaphore(%arg15 : memref<!tpu.dma_semaphore, #tpu.memory_space<semaphore_mem>>) src(%arg7 : memref<80x128xf32, #tpu.memory_space<vmem>>) dst(%dma_wait3A_128 : memref<80x128xf32, #tpu.memory_space<hbm>>)
    %dma_wait3A_129 = arith.constant 0 : i32
    %dma_wait3A_130 = arith.constant 0 : i32
    %dma_wait3A_131 = tpu.memref_slice %arg4[%dma_wait3A_129, %dma_wait3A_130] : memref<10240x128xf32, #tpu.memory_space<hbm>> -> memref<80x128xf32, #tpu.memory_space<hbm>>
    %dma_wait3A_132 = arith.constant 0 : i32
    %dma_wait3A_133 = arith.constant 0 : i32
    %dma_wait3A_134 = tpu.memref_slice %arg4[%dma_wait3A_132, %dma_wait3A_133] : memref<10240x128xf32, #tpu.memory_space<hbm>> -> memref<80x128xf32, #tpu.memory_space<hbm>>
    tpu.wait_dma2 semaphore(%arg16 : memref<!tpu.dma_semaphore, #tpu.memory_space<semaphore_mem>>) src(%arg8 : memref<80x128xf32, #tpu.memory_space<vmem>>) dst(%dma_wait3A_134 : memref<80x128xf32, #tpu.memory_space<hbm>>)
    %dma_wait3A_135 = arith.constant 0 : i32
    %dma_wait3A_136 = arith.constant 0 : i32
    %dma_wait3A_137 = tpu.memref_slice %arg4[%dma_wait3A_135, %dma_wait3A_136] : memref<10240x128xf32, #tpu.memory_space<hbm>> -> memref<80x128xf32, #tpu.memory_space<hbm>>
    %dma_wait3A_138 = arith.constant 0 : i32
    %dma_wait3A_139 = arith.constant 0 : i32
    %dma_wait3A_140 = tpu.memref_slice %arg4[%dma_wait3A_138, %dma_wait3A_139] : memref<10240x128xf32, #tpu.memory_space<hbm>> -> memref<80x128xf32, #tpu.memory_space<hbm>>
    tpu.wait_dma2 semaphore(%arg17 : memref<!tpu.dma_semaphore, #tpu.memory_space<semaphore_mem>>) src(%arg9 : memref<80x128xf32, #tpu.memory_space<vmem>>) dst(%dma_wait3A_140 : memref<80x128xf32, #tpu.memory_space<hbm>>)
    return
  }
}

#map = affine_map<(d0, d1) -> (0, 0)>
#map1 = affine_map<(d0, d1) -> (0, 0, 0)>
module attributes {stable_mosaic.version = 14 : i64} {
  func.func @k(%arg0: i32, %arg1: i32, %arg2: memref<100000x128xf32, #tpu.memory_space<hbm>>, %arg3: memref<32x40x120xi32, #tpu.memory_space<hbm>>, %arg4: memref<32x40x120xi32, #tpu.memory_space<hbm>>, %arg5: memref<153600x128xf32, #tpu.memory_space<hbm>>, %arg6: memref<40x120xi32, #tpu.memory_space<vmem>>, %arg7: memref<40x120xi32, #tpu.memory_space<vmem>>, %arg8: memref<120x128xf32, #tpu.memory_space<vmem>>, %arg9: memref<120x128xf32, #tpu.memory_space<vmem>>, %arg10: memref<120x128xf32, #tpu.memory_space<vmem>>, %arg11: memref<120x128xf32, #tpu.memory_space<vmem>>, %arg12: memref<120x128xf32, #tpu.memory_space<vmem>>, %arg13: memref<!tpu.dma_semaphore, #tpu.memory_space<semaphore_mem>>, %arg14: memref<!tpu.dma_semaphore, #tpu.memory_space<semaphore_mem>>, %arg15: memref<!tpu.dma_semaphore, #tpu.memory_space<semaphore_mem>>, %arg16: memref<!tpu.dma_semaphore, #tpu.memory_space<semaphore_mem>>, %arg17: memref<!tpu.dma_semaphore, #tpu.memory_space<semaphore_mem>>, %arg18: memref<!tpu.dma_semaphore, #tpu.memory_space<semaphore_mem>>, %arg19: memref<!tpu.dma_semaphore, #tpu.memory_space<semaphore_mem>>, %arg20: memref<!tpu.dma_semaphore, #tpu.memory_space<semaphore_mem>>, %arg21: memref<!tpu.dma_semaphore, #tpu.memory_space<semaphore_mem>>, %arg22: memref<!tpu.dma_semaphore, #tpu.memory_space<semaphore_mem>>, %arg23: memref<!tpu.dma_semaphore, #tpu.memory_space<semaphore_mem>>, %arg24: memref<!tpu.dma_semaphore, #tpu.memory_space<semaphore_mem>>, %arg25: memref<!tpu.dma_semaphore, #tpu.memory_space<semaphore_mem>>, %arg26: memref<!tpu.dma_semaphore, #tpu.memory_space<semaphore_mem>>, %arg27: memref<!tpu.dma_semaphore, #tpu.memory_space<semaphore_mem>>) attributes {dimension_semantics = [#tpu.dimension_semantics<core_parallel>, #tpu.dimension_semantics<subcore_parallel>], iteration_bounds = array<i64: 2, 16>, scalar_prefetch = 0 : i64, scratch_operands = 22 : i64, tpu.core_type = #tpu.core_type<sc_vector_subcore>, window_params = [{transform_indices = #map}, {transform_indices = #map1}, {transform_indices = #map1}, {transform_indices = #map}]} {
    %mul3A = arith.constant 2 : i32
    %mul3A_0 = arith.muli %arg1, %mul3A : i32
    %add3A = arith.addi %mul3A_0, %arg0 : i32
    %mul3A_1 = arith.constant 4800 : i32
    %mul3A_2 = arith.muli %add3A, %mul3A_1 : i32
    "tpu.region"() ({
      %run_scoped3A = tpu.sem_alloc : memref<!tpu.dma_semaphore, #tpu.memory_space<semaphore_mem>>
      %dma_start3A = arith.constant 0 : i32
      %dma_start3A_36 = arith.constant 0 : i32
      %dma_start3A_37 = tpu.memref_slice %arg3[%add3A, %dma_start3A, %dma_start3A_36] : memref<32x40x120xi32, #tpu.memory_space<hbm>> -> memref<1x40x120xi32, #tpu.memory_space<hbm>>
      %dma_start3A_38 = tpu.memref_squeeze %dma_start3A_37 : memref<1x40x120xi32, #tpu.memory_space<hbm>> -> memref<40x120xi32, #tpu.memory_space<hbm>>
      %dma_start3A_39 = arith.constant 0 : i32
      %dma_start3A_40 = arith.constant 0 : i32
      %dma_start3A_41 = tpu.memref_slice %arg3[%add3A, %dma_start3A_39, %dma_start3A_40] : memref<32x40x120xi32, #tpu.memory_space<hbm>> -> memref<1x40x120xi32, #tpu.memory_space<hbm>>
      %dma_start3A_42 = tpu.memref_squeeze %dma_start3A_41 : memref<1x40x120xi32, #tpu.memory_space<hbm>> -> memref<40x120xi32, #tpu.memory_space<hbm>>
      tpu.enqueue_dma source(%dma_start3A_42 : memref<40x120xi32, #tpu.memory_space<hbm>>) target(%arg6 : memref<40x120xi32, #tpu.memory_space<vmem>>) target_semaphore(%run_scoped3A : memref<!tpu.dma_semaphore, #tpu.memory_space<semaphore_mem>>)
      %dma_wait3A_43 = arith.constant 0 : i32
      %dma_wait3A_44 = arith.constant 0 : i32
      %dma_wait3A_45 = tpu.memref_slice %arg3[%add3A, %dma_wait3A_43, %dma_wait3A_44] : memref<32x40x120xi32, #tpu.memory_space<hbm>> -> memref<1x40x120xi32, #tpu.memory_space<hbm>>
      %dma_wait3A_46 = tpu.memref_squeeze %dma_wait3A_45 : memref<1x40x120xi32, #tpu.memory_space<hbm>> -> memref<40x120xi32, #tpu.memory_space<hbm>>
      %dma_wait3A_47 = arith.constant 0 : i32
      %dma_wait3A_48 = arith.constant 0 : i32
      %dma_wait3A_49 = tpu.memref_slice %arg3[%add3A, %dma_wait3A_47, %dma_wait3A_48] : memref<32x40x120xi32, #tpu.memory_space<hbm>> -> memref<1x40x120xi32, #tpu.memory_space<hbm>>
      %dma_wait3A_50 = tpu.memref_squeeze %dma_wait3A_49 : memref<1x40x120xi32, #tpu.memory_space<hbm>> -> memref<40x120xi32, #tpu.memory_space<hbm>>
      tpu.wait_dma2 semaphore(%run_scoped3A : memref<!tpu.dma_semaphore, #tpu.memory_space<semaphore_mem>>) src(%dma_wait3A_50 : memref<40x120xi32, #tpu.memory_space<hbm>>) dst(%arg6 : memref<40x120xi32, #tpu.memory_space<vmem>>)
      tpu.yield
    }) : () -> ()
    "tpu.region"() ({
      %run_scoped3A = tpu.sem_alloc : memref<!tpu.dma_semaphore, #tpu.memory_space<semaphore_mem>>
      %dma_start3A = arith.constant 0 : i32
      %dma_start3A_36 = arith.constant 0 : i32
      %dma_start3A_37 = tpu.memref_slice %arg4[%add3A, %dma_start3A, %dma_start3A_36] : memref<32x40x120xi32, #tpu.memory_space<hbm>> -> memref<1x40x120xi32, #tpu.memory_space<hbm>>
      %dma_start3A_38 = tpu.memref_squeeze %dma_start3A_37 : memref<1x40x120xi32, #tpu.memory_space<hbm>> -> memref<40x120xi32, #tpu.memory_space<hbm>>
      %dma_start3A_39 = arith.constant 0 : i32
      %dma_start3A_40 = arith.constant 0 : i32
      %dma_start3A_41 = tpu.memref_slice %arg4[%add3A, %dma_start3A_39, %dma_start3A_40] : memref<32x40x120xi32, #tpu.memory_space<hbm>> -> memref<1x40x120xi32, #tpu.memory_space<hbm>>
      %dma_start3A_42 = tpu.memref_squeeze %dma_start3A_41 : memref<1x40x120xi32, #tpu.memory_space<hbm>> -> memref<40x120xi32, #tpu.memory_space<hbm>>
      tpu.enqueue_dma source(%dma_start3A_42 : memref<40x120xi32, #tpu.memory_space<hbm>>) target(%arg7 : memref<40x120xi32, #tpu.memory_space<vmem>>) target_semaphore(%run_scoped3A : memref<!tpu.dma_semaphore, #tpu.memory_space<semaphore_mem>>)
      %dma_wait3A_43 = arith.constant 0 : i32
      %dma_wait3A_44 = arith.constant 0 : i32
      %dma_wait3A_45 = tpu.memref_slice %arg4[%add3A, %dma_wait3A_43, %dma_wait3A_44] : memref<32x40x120xi32, #tpu.memory_space<hbm>> -> memref<1x40x120xi32, #tpu.memory_space<hbm>>
      %dma_wait3A_46 = tpu.memref_squeeze %dma_wait3A_45 : memref<1x40x120xi32, #tpu.memory_space<hbm>> -> memref<40x120xi32, #tpu.memory_space<hbm>>
      %dma_wait3A_47 = arith.constant 0 : i32
      %dma_wait3A_48 = arith.constant 0 : i32
      %dma_wait3A_49 = tpu.memref_slice %arg4[%add3A, %dma_wait3A_47, %dma_wait3A_48] : memref<32x40x120xi32, #tpu.memory_space<hbm>> -> memref<1x40x120xi32, #tpu.memory_space<hbm>>
      %dma_wait3A_50 = tpu.memref_squeeze %dma_wait3A_49 : memref<1x40x120xi32, #tpu.memory_space<hbm>> -> memref<40x120xi32, #tpu.memory_space<hbm>>
      tpu.wait_dma2 semaphore(%run_scoped3A : memref<!tpu.dma_semaphore, #tpu.memory_space<semaphore_mem>>) src(%dma_wait3A_50 : memref<40x120xi32, #tpu.memory_space<hbm>>) dst(%arg7 : memref<40x120xi32, #tpu.memory_space<vmem>>)
      tpu.yield
    }) : () -> ()
    %scan3A = arith.constant 0 : i32
    %scan3A_3 = arith.constant 8 : i32
    %scan3A_4 = arith.addi %scan3A, %scan3A_3 : i32
    %scan3A_5 = arith.constant 1 : i32
    scf.for %scan3A_36 = %scan3A to %scan3A_4 step %scan3A_5  : i32 {
      %mul3A_37 = arith.constant 1 : i32
      %mul3A_38 = arith.muli %scan3A_36, %mul3A_37 : i32
      %add3A_39 = arith.constant 0 : i32
      %add3A_40 = arith.addi %add3A_39, %mul3A_38 : i32
      %mul3A_41 = arith.constant 5 : i32
      %mul3A_42 = arith.muli %add3A_40, %mul3A_41 : i32
      %gt3A = arith.constant 0 : i32
      %gt3A_43 = arith.cmpi sgt, %add3A_40, %gt3A : i32
      %convert_element_type3A = arith.extui %gt3A_43 : i1 to i32
      %cond3A = arith.constant 0 : i32
      %cond3A_44 = arith.cmpi ne, %convert_element_type3A, %cond3A : i32
      scf.if %cond3A_44 {
        %dma_wait3A_249 = arith.constant 0 : i32
        %dma_wait3A_250 = arith.constant 0 : i32
        %dma_wait3A_251 = tpu.memref_slice %arg5[%dma_wait3A_249, %dma_wait3A_250] : memref<153600x128xf32, #tpu.memory_space<hbm>> -> memref<120x128xf32, #tpu.memory_space<hbm>>
        %dma_wait3A_252 = arith.constant 0 : i32
        %dma_wait3A_253 = arith.constant 0 : i32
        %dma_wait3A_254 = tpu.memref_slice %arg5[%dma_wait3A_252, %dma_wait3A_253] : memref<153600x128xf32, #tpu.memory_space<hbm>> -> memref<120x128xf32, #tpu.memory_space<hbm>>
        tpu.wait_dma2 semaphore(%arg23 : memref<!tpu.dma_semaphore, #tpu.memory_space<semaphore_mem>>) src(%arg8 : memref<120x128xf32, #tpu.memory_space<vmem>>) dst(%dma_wait3A_254 : memref<120x128xf32, #tpu.memory_space<hbm>>)
      } else {
      }
      %add3A_45 = arith.constant 0 : i32
      %add3A_46 = arith.addi %mul3A_42, %add3A_45 : i32
      %dma_start3A = arith.constant 0 : i32
      %dma_start3A_47 = tpu.memref_slice %arg6[%add3A_46, %dma_start3A] : memref<40x120xi32, #tpu.memory_space<vmem>> -> memref<1x120xi32, #tpu.memory_space<vmem>>
      %dma_start3A_48 = tpu.memref_squeeze %dma_start3A_47 : memref<1x120xi32, #tpu.memory_space<vmem>> -> memref<120xi32, #tpu.memory_space<vmem>>
      %dma_start3A_49 = arith.constant 0 : i32
      %dma_start3A_50 = arith.constant 0 : i32
      %dma_start3A_51 = tpu.memref_slice %arg2[%dma_start3A_49, %dma_start3A_50] : memref<100000x128xf32, #tpu.memory_space<hbm>> -> memref<100000x128xf32, #tpu.memory_space<hbm>>
      tpu.enqueue_indirect_dma source(%dma_start3A_51 : memref<100000x128xf32, #tpu.memory_space<hbm>>) target(%arg8 : memref<120x128xf32, #tpu.memory_space<vmem>>) offsets(%dma_start3A_48 : memref<120xi32, #tpu.memory_space<vmem>>) semaphore(%arg13 : memref<!tpu.dma_semaphore, #tpu.memory_space<semaphore_mem>>)
      %gt3A_52 = arith.constant 0 : i32
      %gt3A_53 = arith.cmpi sgt, %add3A_40, %gt3A_52 : i32
      %convert_element_type3A_54 = arith.extui %gt3A_53 : i1 to i32
      %cond3A_55 = arith.constant 0 : i32
      %cond3A_56 = arith.cmpi ne, %convert_element_type3A_54, %cond3A_55 : i32
      scf.if %cond3A_56 {
        %dma_wait3A_249 = arith.constant 0 : i32
        %dma_wait3A_250 = arith.constant 0 : i32
        %dma_wait3A_251 = tpu.memref_slice %arg5[%dma_wait3A_249, %dma_wait3A_250] : memref<153600x128xf32, #tpu.memory_space<hbm>> -> memref<120x128xf32, #tpu.memory_space<hbm>>
        %dma_wait3A_252 = arith.constant 0 : i32
        %dma_wait3A_253 = arith.constant 0 : i32
        %dma_wait3A_254 = tpu.memref_slice %arg5[%dma_wait3A_252, %dma_wait3A_253] : memref<153600x128xf32, #tpu.memory_space<hbm>> -> memref<120x128xf32, #tpu.memory_space<hbm>>
        tpu.wait_dma2 semaphore(%arg24 : memref<!tpu.dma_semaphore, #tpu.memory_space<semaphore_mem>>) src(%arg9 : memref<120x128xf32, #tpu.memory_space<vmem>>) dst(%dma_wait3A_254 : memref<120x128xf32, #tpu.memory_space<hbm>>)
      } else {
      }
      %add3A_57 = arith.constant 1 : i32
      %add3A_58 = arith.addi %mul3A_42, %add3A_57 : i32
      %dma_start3A_59 = arith.constant 0 : i32
      %dma_start3A_60 = tpu.memref_slice %arg6[%add3A_58, %dma_start3A_59] : memref<40x120xi32, #tpu.memory_space<vmem>> -> memref<1x120xi32, #tpu.memory_space<vmem>>
      %dma_start3A_61 = tpu.memref_squeeze %dma_start3A_60 : memref<1x120xi32, #tpu.memory_space<vmem>> -> memref<120xi32, #tpu.memory_space<vmem>>
      %dma_start3A_62 = arith.constant 0 : i32
      %dma_start3A_63 = arith.constant 0 : i32
      %dma_start3A_64 = tpu.memref_slice %arg2[%dma_start3A_62, %dma_start3A_63] : memref<100000x128xf32, #tpu.memory_space<hbm>> -> memref<100000x128xf32, #tpu.memory_space<hbm>>
      tpu.enqueue_indirect_dma source(%dma_start3A_64 : memref<100000x128xf32, #tpu.memory_space<hbm>>) target(%arg9 : memref<120x128xf32, #tpu.memory_space<vmem>>) offsets(%dma_start3A_61 : memref<120xi32, #tpu.memory_space<vmem>>) semaphore(%arg14 : memref<!tpu.dma_semaphore, #tpu.memory_space<semaphore_mem>>)
      %gt3A_65 = arith.constant 0 : i32
      %gt3A_66 = arith.cmpi sgt, %add3A_40, %gt3A_65 : i32
      %convert_element_type3A_67 = arith.extui %gt3A_66 : i1 to i32
      %cond3A_68 = arith.constant 0 : i32
      %cond3A_69 = arith.cmpi ne, %convert_element_type3A_67, %cond3A_68 : i32
      scf.if %cond3A_69 {
        %dma_wait3A_249 = arith.constant 0 : i32
        %dma_wait3A_250 = arith.constant 0 : i32
        %dma_wait3A_251 = tpu.memref_slice %arg5[%dma_wait3A_249, %dma_wait3A_250] : memref<153600x128xf32, #tpu.memory_space<hbm>> -> memref<120x128xf32, #tpu.memory_space<hbm>>
        %dma_wait3A_252 = arith.constant 0 : i32
        %dma_wait3A_253 = arith.constant 0 : i32
        %dma_wait3A_254 = tpu.memref_slice %arg5[%dma_wait3A_252, %dma_wait3A_253] : memref<153600x128xf32, #tpu.memory_space<hbm>> -> memref<120x128xf32, #tpu.memory_space<hbm>>
        tpu.wait_dma2 semaphore(%arg25 : memref<!tpu.dma_semaphore, #tpu.memory_space<semaphore_mem>>) src(%arg10 : memref<120x128xf32, #tpu.memory_space<vmem>>) dst(%dma_wait3A_254 : memref<120x128xf32, #tpu.memory_space<hbm>>)
      } else {
      }
      %add3A_70 = arith.constant 2 : i32
      %add3A_71 = arith.addi %mul3A_42, %add3A_70 : i32
      %dma_start3A_72 = arith.constant 0 : i32
      %dma_start3A_73 = tpu.memref_slice %arg6[%add3A_71, %dma_start3A_72] : memref<40x120xi32, #tpu.memory_space<vmem>> -> memref<1x120xi32, #tpu.memory_space<vmem>>
      %dma_start3A_74 = tpu.memref_squeeze %dma_start3A_73 : memref<1x120xi32, #tpu.memory_space<vmem>> -> memref<120xi32, #tpu.memory_space<vmem>>
      %dma_start3A_75 = arith.constant 0 : i32
      %dma_start3A_76 = arith.constant 0 : i32
      %dma_start3A_77 = tpu.memref_slice %arg2[%dma_start3A_75, %dma_start3A_76] : memref<100000x128xf32, #tpu.memory_space<hbm>> -> memref<100000x128xf32, #tpu.memory_space<hbm>>
      tpu.enqueue_indirect_dma source(%dma_start3A_77 : memref<100000x128xf32, #tpu.memory_space<hbm>>) target(%arg10 : memref<120x128xf32, #tpu.memory_space<vmem>>) offsets(%dma_start3A_74 : memref<120xi32, #tpu.memory_space<vmem>>) semaphore(%arg15 : memref<!tpu.dma_semaphore, #tpu.memory_space<semaphore_mem>>)
      %gt3A_78 = arith.constant 0 : i32
      %gt3A_79 = arith.cmpi sgt, %add3A_40, %gt3A_78 : i32
      %convert_element_type3A_80 = arith.extui %gt3A_79 : i1 to i32
      %cond3A_81 = arith.constant 0 : i32
      %cond3A_82 = arith.cmpi ne, %convert_element_type3A_80, %cond3A_81 : i32
      scf.if %cond3A_82 {
        %dma_wait3A_249 = arith.constant 0 : i32
        %dma_wait3A_250 = arith.constant 0 : i32
        %dma_wait3A_251 = tpu.memref_slice %arg5[%dma_wait3A_249, %dma_wait3A_250] : memref<153600x128xf32, #tpu.memory_space<hbm>> -> memref<120x128xf32, #tpu.memory_space<hbm>>
        %dma_wait3A_252 = arith.constant 0 : i32
        %dma_wait3A_253 = arith.constant 0 : i32
        %dma_wait3A_254 = tpu.memref_slice %arg5[%dma_wait3A_252, %dma_wait3A_253] : memref<153600x128xf32, #tpu.memory_space<hbm>> -> memref<120x128xf32, #tpu.memory_space<hbm>>
        tpu.wait_dma2 semaphore(%arg26 : memref<!tpu.dma_semaphore, #tpu.memory_space<semaphore_mem>>) src(%arg11 : memref<120x128xf32, #tpu.memory_space<vmem>>) dst(%dma_wait3A_254 : memref<120x128xf32, #tpu.memory_space<hbm>>)
      } else {
      }
      %add3A_83 = arith.constant 3 : i32
      %add3A_84 = arith.addi %mul3A_42, %add3A_83 : i32
      %dma_start3A_85 = arith.constant 0 : i32
      %dma_start3A_86 = tpu.memref_slice %arg6[%add3A_84, %dma_start3A_85] : memref<40x120xi32, #tpu.memory_space<vmem>> -> memref<1x120xi32, #tpu.memory_space<vmem>>
      %dma_start3A_87 = tpu.memref_squeeze %dma_start3A_86 : memref<1x120xi32, #tpu.memory_space<vmem>> -> memref<120xi32, #tpu.memory_space<vmem>>
      %dma_start3A_88 = arith.constant 0 : i32
      %dma_start3A_89 = arith.constant 0 : i32
      %dma_start3A_90 = tpu.memref_slice %arg2[%dma_start3A_88, %dma_start3A_89] : memref<100000x128xf32, #tpu.memory_space<hbm>> -> memref<100000x128xf32, #tpu.memory_space<hbm>>
      tpu.enqueue_indirect_dma source(%dma_start3A_90 : memref<100000x128xf32, #tpu.memory_space<hbm>>) target(%arg11 : memref<120x128xf32, #tpu.memory_space<vmem>>) offsets(%dma_start3A_87 : memref<120xi32, #tpu.memory_space<vmem>>) semaphore(%arg16 : memref<!tpu.dma_semaphore, #tpu.memory_space<semaphore_mem>>)
      %gt3A_91 = arith.constant 0 : i32
      %gt3A_92 = arith.cmpi sgt, %add3A_40, %gt3A_91 : i32
      %convert_element_type3A_93 = arith.extui %gt3A_92 : i1 to i32
      %cond3A_94 = arith.constant 0 : i32
      %cond3A_95 = arith.cmpi ne, %convert_element_type3A_93, %cond3A_94 : i32
      scf.if %cond3A_95 {
        %dma_wait3A_249 = arith.constant 0 : i32
        %dma_wait3A_250 = arith.constant 0 : i32
        %dma_wait3A_251 = tpu.memref_slice %arg5[%dma_wait3A_249, %dma_wait3A_250] : memref<153600x128xf32, #tpu.memory_space<hbm>> -> memref<120x128xf32, #tpu.memory_space<hbm>>
        %dma_wait3A_252 = arith.constant 0 : i32
        %dma_wait3A_253 = arith.constant 0 : i32
        %dma_wait3A_254 = tpu.memref_slice %arg5[%dma_wait3A_252, %dma_wait3A_253] : memref<153600x128xf32, #tpu.memory_space<hbm>> -> memref<120x128xf32, #tpu.memory_space<hbm>>
        tpu.wait_dma2 semaphore(%arg27 : memref<!tpu.dma_semaphore, #tpu.memory_space<semaphore_mem>>) src(%arg12 : memref<120x128xf32, #tpu.memory_space<vmem>>) dst(%dma_wait3A_254 : memref<120x128xf32, #tpu.memory_space<hbm>>)
      } else {
      }
      %add3A_96 = arith.constant 4 : i32
      %add3A_97 = arith.addi %mul3A_42, %add3A_96 : i32
      %dma_start3A_98 = arith.constant 0 : i32
      %dma_start3A_99 = tpu.memref_slice %arg6[%add3A_97, %dma_start3A_98] : memref<40x120xi32, #tpu.memory_space<vmem>> -> memref<1x120xi32, #tpu.memory_space<vmem>>
      %dma_start3A_100 = tpu.memref_squeeze %dma_start3A_99 : memref<1x120xi32, #tpu.memory_space<vmem>> -> memref<120xi32, #tpu.memory_space<vmem>>
      %dma_start3A_101 = arith.constant 0 : i32
      %dma_start3A_102 = arith.constant 0 : i32
      %dma_start3A_103 = tpu.memref_slice %arg2[%dma_start3A_101, %dma_start3A_102] : memref<100000x128xf32, #tpu.memory_space<hbm>> -> memref<100000x128xf32, #tpu.memory_space<hbm>>
      tpu.enqueue_indirect_dma source(%dma_start3A_103 : memref<100000x128xf32, #tpu.memory_space<hbm>>) target(%arg12 : memref<120x128xf32, #tpu.memory_space<vmem>>) offsets(%dma_start3A_100 : memref<120xi32, #tpu.memory_space<vmem>>) semaphore(%arg17 : memref<!tpu.dma_semaphore, #tpu.memory_space<semaphore_mem>>)
      %dma_wait3A_104 = arith.constant 0 : i32
      %dma_wait3A_105 = tpu.memref_slice %arg6[%add3A_46, %dma_wait3A_104] : memref<40x120xi32, #tpu.memory_space<vmem>> -> memref<1x120xi32, #tpu.memory_space<vmem>>
      %dma_wait3A_106 = tpu.memref_squeeze %dma_wait3A_105 : memref<1x120xi32, #tpu.memory_space<vmem>> -> memref<120xi32, #tpu.memory_space<vmem>>
      %dma_wait3A_107 = arith.constant 0 : i32
      %dma_wait3A_108 = arith.constant 0 : i32
      %dma_wait3A_109 = tpu.memref_slice %arg2[%dma_wait3A_107, %dma_wait3A_108] : memref<100000x128xf32, #tpu.memory_space<hbm>> -> memref<100000x128xf32, #tpu.memory_space<hbm>>
      tpu.wait_indirect_dma semaphore(%arg13 : memref<!tpu.dma_semaphore, #tpu.memory_space<semaphore_mem>>) src(%dma_wait3A_109 : memref<100000x128xf32, #tpu.memory_space<hbm>>) dst(%arg8 : memref<120x128xf32, #tpu.memory_space<vmem>>)
      %add3A_110 = arith.constant 0 : i32
      %add3A_111 = arith.addi %mul3A_42, %add3A_110 : i32
      %dma_start3A_112 = arith.constant 0 : i32
      %dma_start3A_113 = tpu.memref_slice %arg7[%add3A_111, %dma_start3A_112] : memref<40x120xi32, #tpu.memory_space<vmem>> -> memref<1x120xi32, #tpu.memory_space<vmem>>
      %dma_start3A_114 = tpu.memref_squeeze %dma_start3A_113 : memref<1x120xi32, #tpu.memory_space<vmem>> -> memref<120xi32, #tpu.memory_space<vmem>>
      %dma_start3A_115 = arith.constant 0 : i32
      %dma_start3A_116 = arith.constant 0 : i32
      %dma_start3A_117 = tpu.memref_slice %arg2[%dma_start3A_115, %dma_start3A_116] : memref<100000x128xf32, #tpu.memory_space<hbm>> -> memref<100000x128xf32, #tpu.memory_space<hbm>>
      tpu.enqueue_indirect_dma source(%dma_start3A_117 : memref<100000x128xf32, #tpu.memory_space<hbm>>) target(%arg8 : memref<120x128xf32, #tpu.memory_space<vmem>>) offsets(%dma_start3A_114 : memref<120xi32, #tpu.memory_space<vmem>>) semaphore(%arg18 : memref<!tpu.dma_semaphore, #tpu.memory_space<semaphore_mem>>) {add = true}
      %dma_wait3A_118 = arith.constant 0 : i32
      %dma_wait3A_119 = tpu.memref_slice %arg6[%add3A_58, %dma_wait3A_118] : memref<40x120xi32, #tpu.memory_space<vmem>> -> memref<1x120xi32, #tpu.memory_space<vmem>>
      %dma_wait3A_120 = tpu.memref_squeeze %dma_wait3A_119 : memref<1x120xi32, #tpu.memory_space<vmem>> -> memref<120xi32, #tpu.memory_space<vmem>>
      %dma_wait3A_121 = arith.constant 0 : i32
      %dma_wait3A_122 = arith.constant 0 : i32
      %dma_wait3A_123 = tpu.memref_slice %arg2[%dma_wait3A_121, %dma_wait3A_122] : memref<100000x128xf32, #tpu.memory_space<hbm>> -> memref<100000x128xf32, #tpu.memory_space<hbm>>
      tpu.wait_indirect_dma semaphore(%arg14 : memref<!tpu.dma_semaphore, #tpu.memory_space<semaphore_mem>>) src(%dma_wait3A_123 : memref<100000x128xf32, #tpu.memory_space<hbm>>) dst(%arg9 : memref<120x128xf32, #tpu.memory_space<vmem>>)
      %add3A_124 = arith.constant 1 : i32
      %add3A_125 = arith.addi %mul3A_42, %add3A_124 : i32
      %dma_start3A_126 = arith.constant 0 : i32
      %dma_start3A_127 = tpu.memref_slice %arg7[%add3A_125, %dma_start3A_126] : memref<40x120xi32, #tpu.memory_space<vmem>> -> memref<1x120xi32, #tpu.memory_space<vmem>>
      %dma_start3A_128 = tpu.memref_squeeze %dma_start3A_127 : memref<1x120xi32, #tpu.memory_space<vmem>> -> memref<120xi32, #tpu.memory_space<vmem>>
      %dma_start3A_129 = arith.constant 0 : i32
      %dma_start3A_130 = arith.constant 0 : i32
      %dma_start3A_131 = tpu.memref_slice %arg2[%dma_start3A_129, %dma_start3A_130] : memref<100000x128xf32, #tpu.memory_space<hbm>> -> memref<100000x128xf32, #tpu.memory_space<hbm>>
      tpu.enqueue_indirect_dma source(%dma_start3A_131 : memref<100000x128xf32, #tpu.memory_space<hbm>>) target(%arg9 : memref<120x128xf32, #tpu.memory_space<vmem>>) offsets(%dma_start3A_128 : memref<120xi32, #tpu.memory_space<vmem>>) semaphore(%arg19 : memref<!tpu.dma_semaphore, #tpu.memory_space<semaphore_mem>>) {add = true}
      %dma_wait3A_132 = arith.constant 0 : i32
      %dma_wait3A_133 = tpu.memref_slice %arg6[%add3A_71, %dma_wait3A_132] : memref<40x120xi32, #tpu.memory_space<vmem>> -> memref<1x120xi32, #tpu.memory_space<vmem>>
      %dma_wait3A_134 = tpu.memref_squeeze %dma_wait3A_133 : memref<1x120xi32, #tpu.memory_space<vmem>> -> memref<120xi32, #tpu.memory_space<vmem>>
      %dma_wait3A_135 = arith.constant 0 : i32
      %dma_wait3A_136 = arith.constant 0 : i32
      %dma_wait3A_137 = tpu.memref_slice %arg2[%dma_wait3A_135, %dma_wait3A_136] : memref<100000x128xf32, #tpu.memory_space<hbm>> -> memref<100000x128xf32, #tpu.memory_space<hbm>>
      tpu.wait_indirect_dma semaphore(%arg15 : memref<!tpu.dma_semaphore, #tpu.memory_space<semaphore_mem>>) src(%dma_wait3A_137 : memref<100000x128xf32, #tpu.memory_space<hbm>>) dst(%arg10 : memref<120x128xf32, #tpu.memory_space<vmem>>)
      %add3A_138 = arith.constant 2 : i32
      %add3A_139 = arith.addi %mul3A_42, %add3A_138 : i32
      %dma_start3A_140 = arith.constant 0 : i32
      %dma_start3A_141 = tpu.memref_slice %arg7[%add3A_139, %dma_start3A_140] : memref<40x120xi32, #tpu.memory_space<vmem>> -> memref<1x120xi32, #tpu.memory_space<vmem>>
      %dma_start3A_142 = tpu.memref_squeeze %dma_start3A_141 : memref<1x120xi32, #tpu.memory_space<vmem>> -> memref<120xi32, #tpu.memory_space<vmem>>
      %dma_start3A_143 = arith.constant 0 : i32
      %dma_start3A_144 = arith.constant 0 : i32
      %dma_start3A_145 = tpu.memref_slice %arg2[%dma_start3A_143, %dma_start3A_144] : memref<100000x128xf32, #tpu.memory_space<hbm>> -> memref<100000x128xf32, #tpu.memory_space<hbm>>
      tpu.enqueue_indirect_dma source(%dma_start3A_145 : memref<100000x128xf32, #tpu.memory_space<hbm>>) target(%arg10 : memref<120x128xf32, #tpu.memory_space<vmem>>) offsets(%dma_start3A_142 : memref<120xi32, #tpu.memory_space<vmem>>) semaphore(%arg20 : memref<!tpu.dma_semaphore, #tpu.memory_space<semaphore_mem>>) {add = true}
      %dma_wait3A_146 = arith.constant 0 : i32
      %dma_wait3A_147 = tpu.memref_slice %arg6[%add3A_84, %dma_wait3A_146] : memref<40x120xi32, #tpu.memory_space<vmem>> -> memref<1x120xi32, #tpu.memory_space<vmem>>
      %dma_wait3A_148 = tpu.memref_squeeze %dma_wait3A_147 : memref<1x120xi32, #tpu.memory_space<vmem>> -> memref<120xi32, #tpu.memory_space<vmem>>
      %dma_wait3A_149 = arith.constant 0 : i32
      %dma_wait3A_150 = arith.constant 0 : i32
      %dma_wait3A_151 = tpu.memref_slice %arg2[%dma_wait3A_149, %dma_wait3A_150] : memref<100000x128xf32, #tpu.memory_space<hbm>> -> memref<100000x128xf32, #tpu.memory_space<hbm>>
      tpu.wait_indirect_dma semaphore(%arg16 : memref<!tpu.dma_semaphore, #tpu.memory_space<semaphore_mem>>) src(%dma_wait3A_151 : memref<100000x128xf32, #tpu.memory_space<hbm>>) dst(%arg11 : memref<120x128xf32, #tpu.memory_space<vmem>>)
      %add3A_152 = arith.constant 3 : i32
      %add3A_153 = arith.addi %mul3A_42, %add3A_152 : i32
      %dma_start3A_154 = arith.constant 0 : i32
      %dma_start3A_155 = tpu.memref_slice %arg7[%add3A_153, %dma_start3A_154] : memref<40x120xi32, #tpu.memory_space<vmem>> -> memref<1x120xi32, #tpu.memory_space<vmem>>
      %dma_start3A_156 = tpu.memref_squeeze %dma_start3A_155 : memref<1x120xi32, #tpu.memory_space<vmem>> -> memref<120xi32, #tpu.memory_space<vmem>>
      %dma_start3A_157 = arith.constant 0 : i32
      %dma_start3A_158 = arith.constant 0 : i32
      %dma_start3A_159 = tpu.memref_slice %arg2[%dma_start3A_157, %dma_start3A_158] : memref<100000x128xf32, #tpu.memory_space<hbm>> -> memref<100000x128xf32, #tpu.memory_space<hbm>>
      tpu.enqueue_indirect_dma source(%dma_start3A_159 : memref<100000x128xf32, #tpu.memory_space<hbm>>) target(%arg11 : memref<120x128xf32, #tpu.memory_space<vmem>>) offsets(%dma_start3A_156 : memref<120xi32, #tpu.memory_space<vmem>>) semaphore(%arg21 : memref<!tpu.dma_semaphore, #tpu.memory_space<semaphore_mem>>) {add = true}
      %dma_wait3A_160 = arith.constant 0 : i32
      %dma_wait3A_161 = tpu.memref_slice %arg6[%add3A_97, %dma_wait3A_160] : memref<40x120xi32, #tpu.memory_space<vmem>> -> memref<1x120xi32, #tpu.memory_space<vmem>>
      %dma_wait3A_162 = tpu.memref_squeeze %dma_wait3A_161 : memref<1x120xi32, #tpu.memory_space<vmem>> -> memref<120xi32, #tpu.memory_space<vmem>>
      %dma_wait3A_163 = arith.constant 0 : i32
      %dma_wait3A_164 = arith.constant 0 : i32
      %dma_wait3A_165 = tpu.memref_slice %arg2[%dma_wait3A_163, %dma_wait3A_164] : memref<100000x128xf32, #tpu.memory_space<hbm>> -> memref<100000x128xf32, #tpu.memory_space<hbm>>
      tpu.wait_indirect_dma semaphore(%arg17 : memref<!tpu.dma_semaphore, #tpu.memory_space<semaphore_mem>>) src(%dma_wait3A_165 : memref<100000x128xf32, #tpu.memory_space<hbm>>) dst(%arg12 : memref<120x128xf32, #tpu.memory_space<vmem>>)
      %add3A_166 = arith.constant 4 : i32
      %add3A_167 = arith.addi %mul3A_42, %add3A_166 : i32
      %dma_start3A_168 = arith.constant 0 : i32
      %dma_start3A_169 = tpu.memref_slice %arg7[%add3A_167, %dma_start3A_168] : memref<40x120xi32, #tpu.memory_space<vmem>> -> memref<1x120xi32, #tpu.memory_space<vmem>>
      %dma_start3A_170 = tpu.memref_squeeze %dma_start3A_169 : memref<1x120xi32, #tpu.memory_space<vmem>> -> memref<120xi32, #tpu.memory_space<vmem>>
      %dma_start3A_171 = arith.constant 0 : i32
      %dma_start3A_172 = arith.constant 0 : i32
      %dma_start3A_173 = tpu.memref_slice %arg2[%dma_start3A_171, %dma_start3A_172] : memref<100000x128xf32, #tpu.memory_space<hbm>> -> memref<100000x128xf32, #tpu.memory_space<hbm>>
      tpu.enqueue_indirect_dma source(%dma_start3A_173 : memref<100000x128xf32, #tpu.memory_space<hbm>>) target(%arg12 : memref<120x128xf32, #tpu.memory_space<vmem>>) offsets(%dma_start3A_170 : memref<120xi32, #tpu.memory_space<vmem>>) semaphore(%arg22 : memref<!tpu.dma_semaphore, #tpu.memory_space<semaphore_mem>>) {add = true}
      %dma_wait3A_174 = arith.constant 0 : i32
      %dma_wait3A_175 = tpu.memref_slice %arg7[%add3A_111, %dma_wait3A_174] : memref<40x120xi32, #tpu.memory_space<vmem>> -> memref<1x120xi32, #tpu.memory_space<vmem>>
      %dma_wait3A_176 = tpu.memref_squeeze %dma_wait3A_175 : memref<1x120xi32, #tpu.memory_space<vmem>> -> memref<120xi32, #tpu.memory_space<vmem>>
      %dma_wait3A_177 = arith.constant 0 : i32
      %dma_wait3A_178 = arith.constant 0 : i32
      %dma_wait3A_179 = tpu.memref_slice %arg2[%dma_wait3A_177, %dma_wait3A_178] : memref<100000x128xf32, #tpu.memory_space<hbm>> -> memref<100000x128xf32, #tpu.memory_space<hbm>>
      tpu.wait_indirect_dma semaphore(%arg18 : memref<!tpu.dma_semaphore, #tpu.memory_space<semaphore_mem>>) src(%dma_wait3A_179 : memref<100000x128xf32, #tpu.memory_space<hbm>>) dst(%arg8 : memref<120x128xf32, #tpu.memory_space<vmem>>)
      %add3A_180 = arith.constant 0 : i32
      %add3A_181 = arith.addi %mul3A_42, %add3A_180 : i32
      %mul3A_182 = arith.constant 120 : i32
      %mul3A_183 = arith.muli %add3A_181, %mul3A_182 : i32
      %add3A_184 = arith.addi %mul3A_2, %mul3A_183 : i32
      %dma_start3A_185 = arith.constant 0 : i32
      %dma_start3A_186 = tpu.memref_slice %arg5[%add3A_184, %dma_start3A_185] : memref<153600x128xf32, #tpu.memory_space<hbm>> -> memref<120x128xf32, #tpu.memory_space<hbm>>
      %dma_start3A_187 = arith.constant 0 : i32
      %dma_start3A_188 = tpu.memref_slice %arg5[%add3A_184, %dma_start3A_187] : memref<153600x128xf32, #tpu.memory_space<hbm>> -> memref<120x128xf32, #tpu.memory_space<hbm>>
      tpu.enqueue_dma source(%arg8 : memref<120x128xf32, #tpu.memory_space<vmem>>) target(%dma_start3A_188 : memref<120x128xf32, #tpu.memory_space<hbm>>) target_semaphore(%arg23 : memref<!tpu.dma_semaphore, #tpu.memory_space<semaphore_mem>>)
      %dma_wait3A_189 = arith.constant 0 : i32
      %dma_wait3A_190 = tpu.memref_slice %arg7[%add3A_125, %dma_wait3A_189] : memref<40x120xi32, #tpu.memory_space<vmem>> -> memref<1x120xi32, #tpu.memory_space<vmem>>
      %dma_wait3A_191 = tpu.memref_squeeze %dma_wait3A_190 : memref<1x120xi32, #tpu.memory_space<vmem>> -> memref<120xi32, #tpu.memory_space<vmem>>
      %dma_wait3A_192 = arith.constant 0 : i32
      %dma_wait3A_193 = arith.constant 0 : i32
      %dma_wait3A_194 = tpu.memref_slice %arg2[%dma_wait3A_192, %dma_wait3A_193] : memref<100000x128xf32, #tpu.memory_space<hbm>> -> memref<100000x128xf32, #tpu.memory_space<hbm>>
      tpu.wait_indirect_dma semaphore(%arg19 : memref<!tpu.dma_semaphore, #tpu.memory_space<semaphore_mem>>) src(%dma_wait3A_194 : memref<100000x128xf32, #tpu.memory_space<hbm>>) dst(%arg9 : memref<120x128xf32, #tpu.memory_space<vmem>>)
      %add3A_195 = arith.constant 1 : i32
      %add3A_196 = arith.addi %mul3A_42, %add3A_195 : i32
      %mul3A_197 = arith.constant 120 : i32
      %mul3A_198 = arith.muli %add3A_196, %mul3A_197 : i32
      %add3A_199 = arith.addi %mul3A_2, %mul3A_198 : i32
      %dma_start3A_200 = arith.constant 0 : i32
      %dma_start3A_201 = tpu.memref_slice %arg5[%add3A_199, %dma_start3A_200] : memref<153600x128xf32, #tpu.memory_space<hbm>> -> memref<120x128xf32, #tpu.memory_space<hbm>>
      %dma_start3A_202 = arith.constant 0 : i32
      %dma_start3A_203 = tpu.memref_slice %arg5[%add3A_199, %dma_start3A_202] : memref<153600x128xf32, #tpu.memory_space<hbm>> -> memref<120x128xf32, #tpu.memory_space<hbm>>
      tpu.enqueue_dma source(%arg9 : memref<120x128xf32, #tpu.memory_space<vmem>>) target(%dma_start3A_203 : memref<120x128xf32, #tpu.memory_space<hbm>>) target_semaphore(%arg24 : memref<!tpu.dma_semaphore, #tpu.memory_space<semaphore_mem>>)
      %dma_wait3A_204 = arith.constant 0 : i32
      %dma_wait3A_205 = tpu.memref_slice %arg7[%add3A_139, %dma_wait3A_204] : memref<40x120xi32, #tpu.memory_space<vmem>> -> memref<1x120xi32, #tpu.memory_space<vmem>>
      %dma_wait3A_206 = tpu.memref_squeeze %dma_wait3A_205 : memref<1x120xi32, #tpu.memory_space<vmem>> -> memref<120xi32, #tpu.memory_space<vmem>>
      %dma_wait3A_207 = arith.constant 0 : i32
      %dma_wait3A_208 = arith.constant 0 : i32
      %dma_wait3A_209 = tpu.memref_slice %arg2[%dma_wait3A_207, %dma_wait3A_208] : memref<100000x128xf32, #tpu.memory_space<hbm>> -> memref<100000x128xf32, #tpu.memory_space<hbm>>
      tpu.wait_indirect_dma semaphore(%arg20 : memref<!tpu.dma_semaphore, #tpu.memory_space<semaphore_mem>>) src(%dma_wait3A_209 : memref<100000x128xf32, #tpu.memory_space<hbm>>) dst(%arg10 : memref<120x128xf32, #tpu.memory_space<vmem>>)
      %add3A_210 = arith.constant 2 : i32
      %add3A_211 = arith.addi %mul3A_42, %add3A_210 : i32
      %mul3A_212 = arith.constant 120 : i32
      %mul3A_213 = arith.muli %add3A_211, %mul3A_212 : i32
      %add3A_214 = arith.addi %mul3A_2, %mul3A_213 : i32
      %dma_start3A_215 = arith.constant 0 : i32
      %dma_start3A_216 = tpu.memref_slice %arg5[%add3A_214, %dma_start3A_215] : memref<153600x128xf32, #tpu.memory_space<hbm>> -> memref<120x128xf32, #tpu.memory_space<hbm>>
      %dma_start3A_217 = arith.constant 0 : i32
      %dma_start3A_218 = tpu.memref_slice %arg5[%add3A_214, %dma_start3A_217] : memref<153600x128xf32, #tpu.memory_space<hbm>> -> memref<120x128xf32, #tpu.memory_space<hbm>>
      tpu.enqueue_dma source(%arg10 : memref<120x128xf32, #tpu.memory_space<vmem>>) target(%dma_start3A_218 : memref<120x128xf32, #tpu.memory_space<hbm>>) target_semaphore(%arg25 : memref<!tpu.dma_semaphore, #tpu.memory_space<semaphore_mem>>)
      %dma_wait3A_219 = arith.constant 0 : i32
      %dma_wait3A_220 = tpu.memref_slice %arg7[%add3A_153, %dma_wait3A_219] : memref<40x120xi32, #tpu.memory_space<vmem>> -> memref<1x120xi32, #tpu.memory_space<vmem>>
      %dma_wait3A_221 = tpu.memref_squeeze %dma_wait3A_220 : memref<1x120xi32, #tpu.memory_space<vmem>> -> memref<120xi32, #tpu.memory_space<vmem>>
      %dma_wait3A_222 = arith.constant 0 : i32
      %dma_wait3A_223 = arith.constant 0 : i32
      %dma_wait3A_224 = tpu.memref_slice %arg2[%dma_wait3A_222, %dma_wait3A_223] : memref<100000x128xf32, #tpu.memory_space<hbm>> -> memref<100000x128xf32, #tpu.memory_space<hbm>>
      tpu.wait_indirect_dma semaphore(%arg21 : memref<!tpu.dma_semaphore, #tpu.memory_space<semaphore_mem>>) src(%dma_wait3A_224 : memref<100000x128xf32, #tpu.memory_space<hbm>>) dst(%arg11 : memref<120x128xf32, #tpu.memory_space<vmem>>)
      %add3A_225 = arith.constant 3 : i32
      %add3A_226 = arith.addi %mul3A_42, %add3A_225 : i32
      %mul3A_227 = arith.constant 120 : i32
      %mul3A_228 = arith.muli %add3A_226, %mul3A_227 : i32
      %add3A_229 = arith.addi %mul3A_2, %mul3A_228 : i32
      %dma_start3A_230 = arith.constant 0 : i32
      %dma_start3A_231 = tpu.memref_slice %arg5[%add3A_229, %dma_start3A_230] : memref<153600x128xf32, #tpu.memory_space<hbm>> -> memref<120x128xf32, #tpu.memory_space<hbm>>
      %dma_start3A_232 = arith.constant 0 : i32
      %dma_start3A_233 = tpu.memref_slice %arg5[%add3A_229, %dma_start3A_232] : memref<153600x128xf32, #tpu.memory_space<hbm>> -> memref<120x128xf32, #tpu.memory_space<hbm>>
      tpu.enqueue_dma source(%arg11 : memref<120x128xf32, #tpu.memory_space<vmem>>) target(%dma_start3A_233 : memref<120x128xf32, #tpu.memory_space<hbm>>) target_semaphore(%arg26 : memref<!tpu.dma_semaphore, #tpu.memory_space<semaphore_mem>>)
      %dma_wait3A_234 = arith.constant 0 : i32
      %dma_wait3A_235 = tpu.memref_slice %arg7[%add3A_167, %dma_wait3A_234] : memref<40x120xi32, #tpu.memory_space<vmem>> -> memref<1x120xi32, #tpu.memory_space<vmem>>
      %dma_wait3A_236 = tpu.memref_squeeze %dma_wait3A_235 : memref<1x120xi32, #tpu.memory_space<vmem>> -> memref<120xi32, #tpu.memory_space<vmem>>
      %dma_wait3A_237 = arith.constant 0 : i32
      %dma_wait3A_238 = arith.constant 0 : i32
      %dma_wait3A_239 = tpu.memref_slice %arg2[%dma_wait3A_237, %dma_wait3A_238] : memref<100000x128xf32, #tpu.memory_space<hbm>> -> memref<100000x128xf32, #tpu.memory_space<hbm>>
      tpu.wait_indirect_dma semaphore(%arg22 : memref<!tpu.dma_semaphore, #tpu.memory_space<semaphore_mem>>) src(%dma_wait3A_239 : memref<100000x128xf32, #tpu.memory_space<hbm>>) dst(%arg12 : memref<120x128xf32, #tpu.memory_space<vmem>>)
      %add3A_240 = arith.constant 4 : i32
      %add3A_241 = arith.addi %mul3A_42, %add3A_240 : i32
      %mul3A_242 = arith.constant 120 : i32
      %mul3A_243 = arith.muli %add3A_241, %mul3A_242 : i32
      %add3A_244 = arith.addi %mul3A_2, %mul3A_243 : i32
      %dma_start3A_245 = arith.constant 0 : i32
      %dma_start3A_246 = tpu.memref_slice %arg5[%add3A_244, %dma_start3A_245] : memref<153600x128xf32, #tpu.memory_space<hbm>> -> memref<120x128xf32, #tpu.memory_space<hbm>>
      %dma_start3A_247 = arith.constant 0 : i32
      %dma_start3A_248 = tpu.memref_slice %arg5[%add3A_244, %dma_start3A_247] : memref<153600x128xf32, #tpu.memory_space<hbm>> -> memref<120x128xf32, #tpu.memory_space<hbm>>
      tpu.enqueue_dma source(%arg12 : memref<120x128xf32, #tpu.memory_space<vmem>>) target(%dma_start3A_248 : memref<120x128xf32, #tpu.memory_space<hbm>>) target_semaphore(%arg27 : memref<!tpu.dma_semaphore, #tpu.memory_space<semaphore_mem>>)
    }
    %scan3A_6 = arith.constant 8 : i32
    %dma_wait3A = arith.constant 0 : i32
    %dma_wait3A_7 = arith.constant 0 : i32
    %dma_wait3A_8 = tpu.memref_slice %arg5[%dma_wait3A, %dma_wait3A_7] : memref<153600x128xf32, #tpu.memory_space<hbm>> -> memref<120x128xf32, #tpu.memory_space<hbm>>
    %dma_wait3A_9 = arith.constant 0 : i32
    %dma_wait3A_10 = arith.constant 0 : i32
    %dma_wait3A_11 = tpu.memref_slice %arg5[%dma_wait3A_9, %dma_wait3A_10] : memref<153600x128xf32, #tpu.memory_space<hbm>> -> memref<120x128xf32, #tpu.memory_space<hbm>>
    tpu.wait_dma2 semaphore(%arg23 : memref<!tpu.dma_semaphore, #tpu.memory_space<semaphore_mem>>) src(%arg8 : memref<120x128xf32, #tpu.memory_space<vmem>>) dst(%dma_wait3A_11 : memref<120x128xf32, #tpu.memory_space<hbm>>)
    %dma_wait3A_12 = arith.constant 0 : i32
    %dma_wait3A_13 = arith.constant 0 : i32
    %dma_wait3A_14 = tpu.memref_slice %arg5[%dma_wait3A_12, %dma_wait3A_13] : memref<153600x128xf32, #tpu.memory_space<hbm>> -> memref<120x128xf32, #tpu.memory_space<hbm>>
    %dma_wait3A_15 = arith.constant 0 : i32
    %dma_wait3A_16 = arith.constant 0 : i32
    %dma_wait3A_17 = tpu.memref_slice %arg5[%dma_wait3A_15, %dma_wait3A_16] : memref<153600x128xf32, #tpu.memory_space<hbm>> -> memref<120x128xf32, #tpu.memory_space<hbm>>
    tpu.wait_dma2 semaphore(%arg24 : memref<!tpu.dma_semaphore, #tpu.memory_space<semaphore_mem>>) src(%arg9 : memref<120x128xf32, #tpu.memory_space<vmem>>) dst(%dma_wait3A_17 : memref<120x128xf32, #tpu.memory_space<hbm>>)
    %dma_wait3A_18 = arith.constant 0 : i32
    %dma_wait3A_19 = arith.constant 0 : i32
    %dma_wait3A_20 = tpu.memref_slice %arg5[%dma_wait3A_18, %dma_wait3A_19] : memref<153600x128xf32, #tpu.memory_space<hbm>> -> memref<120x128xf32, #tpu.memory_space<hbm>>
    %dma_wait3A_21 = arith.constant 0 : i32
    %dma_wait3A_22 = arith.constant 0 : i32
    %dma_wait3A_23 = tpu.memref_slice %arg5[%dma_wait3A_21, %dma_wait3A_22] : memref<153600x128xf32, #tpu.memory_space<hbm>> -> memref<120x128xf32, #tpu.memory_space<hbm>>
    tpu.wait_dma2 semaphore(%arg25 : memref<!tpu.dma_semaphore, #tpu.memory_space<semaphore_mem>>) src(%arg10 : memref<120x128xf32, #tpu.memory_space<vmem>>) dst(%dma_wait3A_23 : memref<120x128xf32, #tpu.memory_space<hbm>>)
    %dma_wait3A_24 = arith.constant 0 : i32
    %dma_wait3A_25 = arith.constant 0 : i32
    %dma_wait3A_26 = tpu.memref_slice %arg5[%dma_wait3A_24, %dma_wait3A_25] : memref<153600x128xf32, #tpu.memory_space<hbm>> -> memref<120x128xf32, #tpu.memory_space<hbm>>
    %dma_wait3A_27 = arith.constant 0 : i32
    %dma_wait3A_28 = arith.constant 0 : i32
    %dma_wait3A_29 = tpu.memref_slice %arg5[%dma_wait3A_27, %dma_wait3A_28] : memref<153600x128xf32, #tpu.memory_space<hbm>> -> memref<120x128xf32, #tpu.memory_space<hbm>>
    tpu.wait_dma2 semaphore(%arg26 : memref<!tpu.dma_semaphore, #tpu.memory_space<semaphore_mem>>) src(%arg11 : memref<120x128xf32, #tpu.memory_space<vmem>>) dst(%dma_wait3A_29 : memref<120x128xf32, #tpu.memory_space<hbm>>)
    %dma_wait3A_30 = arith.constant 0 : i32
    %dma_wait3A_31 = arith.constant 0 : i32
    %dma_wait3A_32 = tpu.memref_slice %arg5[%dma_wait3A_30, %dma_wait3A_31] : memref<153600x128xf32, #tpu.memory_space<hbm>> -> memref<120x128xf32, #tpu.memory_space<hbm>>
    %dma_wait3A_33 = arith.constant 0 : i32
    %dma_wait3A_34 = arith.constant 0 : i32
    %dma_wait3A_35 = tpu.memref_slice %arg5[%dma_wait3A_33, %dma_wait3A_34] : memref<153600x128xf32, #tpu.memory_space<hbm>> -> memref<120x128xf32, #tpu.memory_space<hbm>>
    tpu.wait_dma2 semaphore(%arg27 : memref<!tpu.dma_semaphore, #tpu.memory_space<semaphore_mem>>) src(%arg12 : memref<120x128xf32, #tpu.memory_space<vmem>>) dst(%dma_wait3A_35 : memref<120x128xf32, #tpu.memory_space<hbm>>)
    return
  }
}

#map = affine_map<(d0, d1) -> (0, 0)>
#map1 = affine_map<(d0, d1) -> (0, 0, 0)>
module attributes {stable_mosaic.version = 14 : i64} {
  func.func @k(%arg0: i32, %arg1: i32, %arg2: memref<100000x128xf32, #tpu.memory_space<hbm>>, %arg3: memref<32x40x120xi32, #tpu.memory_space<hbm>>, %arg4: memref<153600x128xf32, #tpu.memory_space<hbm>>, %arg5: memref<40x120xi32, #tpu.memory_space<vmem>>, %arg6: memref<120x128xf32, #tpu.memory_space<vmem>>, %arg7: memref<120x128xf32, #tpu.memory_space<vmem>>, %arg8: memref<120x128xf32, #tpu.memory_space<vmem>>, %arg9: memref<120x128xf32, #tpu.memory_space<vmem>>, %arg10: memref<120x128xf32, #tpu.memory_space<vmem>>, %arg11: memref<120x128xf32, #tpu.memory_space<vmem>>, %arg12: memref<120x128xf32, #tpu.memory_space<vmem>>, %arg13: memref<120x128xf32, #tpu.memory_space<vmem>>, %arg14: memref<!tpu.dma_semaphore, #tpu.memory_space<semaphore_mem>>, %arg15: memref<!tpu.dma_semaphore, #tpu.memory_space<semaphore_mem>>, %arg16: memref<!tpu.dma_semaphore, #tpu.memory_space<semaphore_mem>>, %arg17: memref<!tpu.dma_semaphore, #tpu.memory_space<semaphore_mem>>, %arg18: memref<!tpu.dma_semaphore, #tpu.memory_space<semaphore_mem>>, %arg19: memref<!tpu.dma_semaphore, #tpu.memory_space<semaphore_mem>>, %arg20: memref<!tpu.dma_semaphore, #tpu.memory_space<semaphore_mem>>, %arg21: memref<!tpu.dma_semaphore, #tpu.memory_space<semaphore_mem>>, %arg22: memref<!tpu.dma_semaphore, #tpu.memory_space<semaphore_mem>>, %arg23: memref<!tpu.dma_semaphore, #tpu.memory_space<semaphore_mem>>, %arg24: memref<!tpu.dma_semaphore, #tpu.memory_space<semaphore_mem>>, %arg25: memref<!tpu.dma_semaphore, #tpu.memory_space<semaphore_mem>>, %arg26: memref<!tpu.dma_semaphore, #tpu.memory_space<semaphore_mem>>, %arg27: memref<!tpu.dma_semaphore, #tpu.memory_space<semaphore_mem>>, %arg28: memref<!tpu.dma_semaphore, #tpu.memory_space<semaphore_mem>>, %arg29: memref<!tpu.dma_semaphore, #tpu.memory_space<semaphore_mem>>) attributes {dimension_semantics = [#tpu.dimension_semantics<core_parallel>, #tpu.dimension_semantics<subcore_parallel>], iteration_bounds = array<i64: 2, 16>, scalar_prefetch = 0 : i64, scratch_operands = 25 : i64, tpu.core_type = #tpu.core_type<sc_vector_subcore>, window_params = [{transform_indices = #map}, {transform_indices = #map1}, {transform_indices = #map}]} {
    %mul3A = arith.constant 2 : i32
    %mul3A_0 = arith.muli %arg1, %mul3A : i32
    %add3A = arith.addi %mul3A_0, %arg0 : i32
    %mul3A_1 = arith.constant 4800 : i32
    %mul3A_2 = arith.muli %add3A, %mul3A_1 : i32
    "tpu.region"() ({
      %run_scoped3A = tpu.sem_alloc : memref<!tpu.dma_semaphore, #tpu.memory_space<semaphore_mem>>
      %dma_start3A = arith.constant 0 : i32
      %dma_start3A_54 = arith.constant 0 : i32
      %dma_start3A_55 = tpu.memref_slice %arg3[%add3A, %dma_start3A, %dma_start3A_54] : memref<32x40x120xi32, #tpu.memory_space<hbm>> -> memref<1x40x120xi32, #tpu.memory_space<hbm>>
      %dma_start3A_56 = tpu.memref_squeeze %dma_start3A_55 : memref<1x40x120xi32, #tpu.memory_space<hbm>> -> memref<40x120xi32, #tpu.memory_space<hbm>>
      %dma_start3A_57 = arith.constant 0 : i32
      %dma_start3A_58 = arith.constant 0 : i32
      %dma_start3A_59 = tpu.memref_slice %arg3[%add3A, %dma_start3A_57, %dma_start3A_58] : memref<32x40x120xi32, #tpu.memory_space<hbm>> -> memref<1x40x120xi32, #tpu.memory_space<hbm>>
      %dma_start3A_60 = tpu.memref_squeeze %dma_start3A_59 : memref<1x40x120xi32, #tpu.memory_space<hbm>> -> memref<40x120xi32, #tpu.memory_space<hbm>>
      tpu.enqueue_dma source(%dma_start3A_60 : memref<40x120xi32, #tpu.memory_space<hbm>>) target(%arg5 : memref<40x120xi32, #tpu.memory_space<vmem>>) target_semaphore(%run_scoped3A : memref<!tpu.dma_semaphore, #tpu.memory_space<semaphore_mem>>)
      %dma_wait3A_61 = arith.constant 0 : i32
      %dma_wait3A_62 = arith.constant 0 : i32
      %dma_wait3A_63 = tpu.memref_slice %arg3[%add3A, %dma_wait3A_61, %dma_wait3A_62] : memref<32x40x120xi32, #tpu.memory_space<hbm>> -> memref<1x40x120xi32, #tpu.memory_space<hbm>>
      %dma_wait3A_64 = tpu.memref_squeeze %dma_wait3A_63 : memref<1x40x120xi32, #tpu.memory_space<hbm>> -> memref<40x120xi32, #tpu.memory_space<hbm>>
      %dma_wait3A_65 = arith.constant 0 : i32
      %dma_wait3A_66 = arith.constant 0 : i32
      %dma_wait3A_67 = tpu.memref_slice %arg3[%add3A, %dma_wait3A_65, %dma_wait3A_66] : memref<32x40x120xi32, #tpu.memory_space<hbm>> -> memref<1x40x120xi32, #tpu.memory_space<hbm>>
      %dma_wait3A_68 = tpu.memref_squeeze %dma_wait3A_67 : memref<1x40x120xi32, #tpu.memory_space<hbm>> -> memref<40x120xi32, #tpu.memory_space<hbm>>
      tpu.wait_dma2 semaphore(%run_scoped3A : memref<!tpu.dma_semaphore, #tpu.memory_space<semaphore_mem>>) src(%dma_wait3A_68 : memref<40x120xi32, #tpu.memory_space<hbm>>) dst(%arg5 : memref<40x120xi32, #tpu.memory_space<vmem>>)
      tpu.yield
    }) : () -> ()
    %scan3A = arith.constant 0 : i32
    %scan3A_3 = arith.constant 5 : i32
    %scan3A_4 = arith.addi %scan3A, %scan3A_3 : i32
    %scan3A_5 = arith.constant 1 : i32
    scf.for %scan3A_54 = %scan3A to %scan3A_4 step %scan3A_5  : i32 {
      %mul3A_55 = arith.constant 1 : i32
      %mul3A_56 = arith.muli %scan3A_54, %mul3A_55 : i32
      %add3A_57 = arith.constant 0 : i32
      %add3A_58 = arith.addi %add3A_57, %mul3A_56 : i32
      %mul3A_59 = arith.constant 8 : i32
      %mul3A_60 = arith.muli %add3A_58, %mul3A_59 : i32
      %gt3A = arith.constant 0 : i32
      %gt3A_61 = arith.cmpi sgt, %add3A_58, %gt3A : i32
      %convert_element_type3A = arith.extui %gt3A_61 : i1 to i32
      %cond3A = arith.constant 0 : i32
      %cond3A_62 = arith.cmpi ne, %convert_element_type3A, %cond3A : i32
      scf.if %cond3A_62 {
        %dma_wait3A_281 = arith.constant 0 : i32
        %dma_wait3A_282 = arith.constant 0 : i32
        %dma_wait3A_283 = tpu.memref_slice %arg4[%dma_wait3A_281, %dma_wait3A_282] : memref<153600x128xf32, #tpu.memory_space<hbm>> -> memref<120x128xf32, #tpu.memory_space<hbm>>
        %dma_wait3A_284 = arith.constant 0 : i32
        %dma_wait3A_285 = arith.constant 0 : i32
        %dma_wait3A_286 = tpu.memref_slice %arg4[%dma_wait3A_284, %dma_wait3A_285] : memref<153600x128xf32, #tpu.memory_space<hbm>> -> memref<120x128xf32, #tpu.memory_space<hbm>>
        tpu.wait_dma2 semaphore(%arg22 : memref<!tpu.dma_semaphore, #tpu.memory_space<semaphore_mem>>) src(%arg6 : memref<120x128xf32, #tpu.memory_space<vmem>>) dst(%dma_wait3A_286 : memref<120x128xf32, #tpu.memory_space<hbm>>)
      } else {
      }
      %add3A_63 = arith.constant 0 : i32
      %add3A_64 = arith.addi %mul3A_60, %add3A_63 : i32
      %dma_start3A = arith.constant 0 : i32
      %dma_start3A_65 = tpu.memref_slice %arg5[%add3A_64, %dma_start3A] : memref<40x120xi32, #tpu.memory_space<vmem>> -> memref<1x120xi32, #tpu.memory_space<vmem>>
      %dma_start3A_66 = tpu.memref_squeeze %dma_start3A_65 : memref<1x120xi32, #tpu.memory_space<vmem>> -> memref<120xi32, #tpu.memory_space<vmem>>
      %dma_start3A_67 = arith.constant 0 : i32
      %dma_start3A_68 = arith.constant 0 : i32
      %dma_start3A_69 = tpu.memref_slice %arg2[%dma_start3A_67, %dma_start3A_68] : memref<100000x128xf32, #tpu.memory_space<hbm>> -> memref<100000x128xf32, #tpu.memory_space<hbm>>
      tpu.enqueue_indirect_dma source(%dma_start3A_69 : memref<100000x128xf32, #tpu.memory_space<hbm>>) target(%arg6 : memref<120x128xf32, #tpu.memory_space<vmem>>) offsets(%dma_start3A_66 : memref<120xi32, #tpu.memory_space<vmem>>) semaphore(%arg14 : memref<!tpu.dma_semaphore, #tpu.memory_space<semaphore_mem>>)
      %gt3A_70 = arith.constant 0 : i32
      %gt3A_71 = arith.cmpi sgt, %add3A_58, %gt3A_70 : i32
      %convert_element_type3A_72 = arith.extui %gt3A_71 : i1 to i32
      %cond3A_73 = arith.constant 0 : i32
      %cond3A_74 = arith.cmpi ne, %convert_element_type3A_72, %cond3A_73 : i32
      scf.if %cond3A_74 {
        %dma_wait3A_281 = arith.constant 0 : i32
        %dma_wait3A_282 = arith.constant 0 : i32
        %dma_wait3A_283 = tpu.memref_slice %arg4[%dma_wait3A_281, %dma_wait3A_282] : memref<153600x128xf32, #tpu.memory_space<hbm>> -> memref<120x128xf32, #tpu.memory_space<hbm>>
        %dma_wait3A_284 = arith.constant 0 : i32
        %dma_wait3A_285 = arith.constant 0 : i32
        %dma_wait3A_286 = tpu.memref_slice %arg4[%dma_wait3A_284, %dma_wait3A_285] : memref<153600x128xf32, #tpu.memory_space<hbm>> -> memref<120x128xf32, #tpu.memory_space<hbm>>
        tpu.wait_dma2 semaphore(%arg23 : memref<!tpu.dma_semaphore, #tpu.memory_space<semaphore_mem>>) src(%arg7 : memref<120x128xf32, #tpu.memory_space<vmem>>) dst(%dma_wait3A_286 : memref<120x128xf32, #tpu.memory_space<hbm>>)
      } else {
      }
      %add3A_75 = arith.constant 1 : i32
      %add3A_76 = arith.addi %mul3A_60, %add3A_75 : i32
      %dma_start3A_77 = arith.constant 0 : i32
      %dma_start3A_78 = tpu.memref_slice %arg5[%add3A_76, %dma_start3A_77] : memref<40x120xi32, #tpu.memory_space<vmem>> -> memref<1x120xi32, #tpu.memory_space<vmem>>
      %dma_start3A_79 = tpu.memref_squeeze %dma_start3A_78 : memref<1x120xi32, #tpu.memory_space<vmem>> -> memref<120xi32, #tpu.memory_space<vmem>>
      %dma_start3A_80 = arith.constant 0 : i32
      %dma_start3A_81 = arith.constant 0 : i32
      %dma_start3A_82 = tpu.memref_slice %arg2[%dma_start3A_80, %dma_start3A_81] : memref<100000x128xf32, #tpu.memory_space<hbm>> -> memref<100000x128xf32, #tpu.memory_space<hbm>>
      tpu.enqueue_indirect_dma source(%dma_start3A_82 : memref<100000x128xf32, #tpu.memory_space<hbm>>) target(%arg7 : memref<120x128xf32, #tpu.memory_space<vmem>>) offsets(%dma_start3A_79 : memref<120xi32, #tpu.memory_space<vmem>>) semaphore(%arg15 : memref<!tpu.dma_semaphore, #tpu.memory_space<semaphore_mem>>)
      %gt3A_83 = arith.constant 0 : i32
      %gt3A_84 = arith.cmpi sgt, %add3A_58, %gt3A_83 : i32
      %convert_element_type3A_85 = arith.extui %gt3A_84 : i1 to i32
      %cond3A_86 = arith.constant 0 : i32
      %cond3A_87 = arith.cmpi ne, %convert_element_type3A_85, %cond3A_86 : i32
      scf.if %cond3A_87 {
        %dma_wait3A_281 = arith.constant 0 : i32
        %dma_wait3A_282 = arith.constant 0 : i32
        %dma_wait3A_283 = tpu.memref_slice %arg4[%dma_wait3A_281, %dma_wait3A_282] : memref<153600x128xf32, #tpu.memory_space<hbm>> -> memref<120x128xf32, #tpu.memory_space<hbm>>
        %dma_wait3A_284 = arith.constant 0 : i32
        %dma_wait3A_285 = arith.constant 0 : i32
        %dma_wait3A_286 = tpu.memref_slice %arg4[%dma_wait3A_284, %dma_wait3A_285] : memref<153600x128xf32, #tpu.memory_space<hbm>> -> memref<120x128xf32, #tpu.memory_space<hbm>>
        tpu.wait_dma2 semaphore(%arg24 : memref<!tpu.dma_semaphore, #tpu.memory_space<semaphore_mem>>) src(%arg8 : memref<120x128xf32, #tpu.memory_space<vmem>>) dst(%dma_wait3A_286 : memref<120x128xf32, #tpu.memory_space<hbm>>)
      } else {
      }
      %add3A_88 = arith.constant 2 : i32
      %add3A_89 = arith.addi %mul3A_60, %add3A_88 : i32
      %dma_start3A_90 = arith.constant 0 : i32
      %dma_start3A_91 = tpu.memref_slice %arg5[%add3A_89, %dma_start3A_90] : memref<40x120xi32, #tpu.memory_space<vmem>> -> memref<1x120xi32, #tpu.memory_space<vmem>>
      %dma_start3A_92 = tpu.memref_squeeze %dma_start3A_91 : memref<1x120xi32, #tpu.memory_space<vmem>> -> memref<120xi32, #tpu.memory_space<vmem>>
      %dma_start3A_93 = arith.constant 0 : i32
      %dma_start3A_94 = arith.constant 0 : i32
      %dma_start3A_95 = tpu.memref_slice %arg2[%dma_start3A_93, %dma_start3A_94] : memref<100000x128xf32, #tpu.memory_space<hbm>> -> memref<100000x128xf32, #tpu.memory_space<hbm>>
      tpu.enqueue_indirect_dma source(%dma_start3A_95 : memref<100000x128xf32, #tpu.memory_space<hbm>>) target(%arg8 : memref<120x128xf32, #tpu.memory_space<vmem>>) offsets(%dma_start3A_92 : memref<120xi32, #tpu.memory_space<vmem>>) semaphore(%arg16 : memref<!tpu.dma_semaphore, #tpu.memory_space<semaphore_mem>>)
      %gt3A_96 = arith.constant 0 : i32
      %gt3A_97 = arith.cmpi sgt, %add3A_58, %gt3A_96 : i32
      %convert_element_type3A_98 = arith.extui %gt3A_97 : i1 to i32
      %cond3A_99 = arith.constant 0 : i32
      %cond3A_100 = arith.cmpi ne, %convert_element_type3A_98, %cond3A_99 : i32
      scf.if %cond3A_100 {
        %dma_wait3A_281 = arith.constant 0 : i32
        %dma_wait3A_282 = arith.constant 0 : i32
        %dma_wait3A_283 = tpu.memref_slice %arg4[%dma_wait3A_281, %dma_wait3A_282] : memref<153600x128xf32, #tpu.memory_space<hbm>> -> memref<120x128xf32, #tpu.memory_space<hbm>>
        %dma_wait3A_284 = arith.constant 0 : i32
        %dma_wait3A_285 = arith.constant 0 : i32
        %dma_wait3A_286 = tpu.memref_slice %arg4[%dma_wait3A_284, %dma_wait3A_285] : memref<153600x128xf32, #tpu.memory_space<hbm>> -> memref<120x128xf32, #tpu.memory_space<hbm>>
        tpu.wait_dma2 semaphore(%arg25 : memref<!tpu.dma_semaphore, #tpu.memory_space<semaphore_mem>>) src(%arg9 : memref<120x128xf32, #tpu.memory_space<vmem>>) dst(%dma_wait3A_286 : memref<120x128xf32, #tpu.memory_space<hbm>>)
      } else {
      }
      %add3A_101 = arith.constant 3 : i32
      %add3A_102 = arith.addi %mul3A_60, %add3A_101 : i32
      %dma_start3A_103 = arith.constant 0 : i32
      %dma_start3A_104 = tpu.memref_slice %arg5[%add3A_102, %dma_start3A_103] : memref<40x120xi32, #tpu.memory_space<vmem>> -> memref<1x120xi32, #tpu.memory_space<vmem>>
      %dma_start3A_105 = tpu.memref_squeeze %dma_start3A_104 : memref<1x120xi32, #tpu.memory_space<vmem>> -> memref<120xi32, #tpu.memory_space<vmem>>
      %dma_start3A_106 = arith.constant 0 : i32
      %dma_start3A_107 = arith.constant 0 : i32
      %dma_start3A_108 = tpu.memref_slice %arg2[%dma_start3A_106, %dma_start3A_107] : memref<100000x128xf32, #tpu.memory_space<hbm>> -> memref<100000x128xf32, #tpu.memory_space<hbm>>
      tpu.enqueue_indirect_dma source(%dma_start3A_108 : memref<100000x128xf32, #tpu.memory_space<hbm>>) target(%arg9 : memref<120x128xf32, #tpu.memory_space<vmem>>) offsets(%dma_start3A_105 : memref<120xi32, #tpu.memory_space<vmem>>) semaphore(%arg17 : memref<!tpu.dma_semaphore, #tpu.memory_space<semaphore_mem>>)
      %gt3A_109 = arith.constant 0 : i32
      %gt3A_110 = arith.cmpi sgt, %add3A_58, %gt3A_109 : i32
      %convert_element_type3A_111 = arith.extui %gt3A_110 : i1 to i32
      %cond3A_112 = arith.constant 0 : i32
      %cond3A_113 = arith.cmpi ne, %convert_element_type3A_111, %cond3A_112 : i32
      scf.if %cond3A_113 {
        %dma_wait3A_281 = arith.constant 0 : i32
        %dma_wait3A_282 = arith.constant 0 : i32
        %dma_wait3A_283 = tpu.memref_slice %arg4[%dma_wait3A_281, %dma_wait3A_282] : memref<153600x128xf32, #tpu.memory_space<hbm>> -> memref<120x128xf32, #tpu.memory_space<hbm>>
        %dma_wait3A_284 = arith.constant 0 : i32
        %dma_wait3A_285 = arith.constant 0 : i32
        %dma_wait3A_286 = tpu.memref_slice %arg4[%dma_wait3A_284, %dma_wait3A_285] : memref<153600x128xf32, #tpu.memory_space<hbm>> -> memref<120x128xf32, #tpu.memory_space<hbm>>
        tpu.wait_dma2 semaphore(%arg26 : memref<!tpu.dma_semaphore, #tpu.memory_space<semaphore_mem>>) src(%arg10 : memref<120x128xf32, #tpu.memory_space<vmem>>) dst(%dma_wait3A_286 : memref<120x128xf32, #tpu.memory_space<hbm>>)
      } else {
      }
      %add3A_114 = arith.constant 4 : i32
      %add3A_115 = arith.addi %mul3A_60, %add3A_114 : i32
      %dma_start3A_116 = arith.constant 0 : i32
      %dma_start3A_117 = tpu.memref_slice %arg5[%add3A_115, %dma_start3A_116] : memref<40x120xi32, #tpu.memory_space<vmem>> -> memref<1x120xi32, #tpu.memory_space<vmem>>
      %dma_start3A_118 = tpu.memref_squeeze %dma_start3A_117 : memref<1x120xi32, #tpu.memory_space<vmem>> -> memref<120xi32, #tpu.memory_space<vmem>>
      %dma_start3A_119 = arith.constant 0 : i32
      %dma_start3A_120 = arith.constant 0 : i32
      %dma_start3A_121 = tpu.memref_slice %arg2[%dma_start3A_119, %dma_start3A_120] : memref<100000x128xf32, #tpu.memory_space<hbm>> -> memref<100000x128xf32, #tpu.memory_space<hbm>>
      tpu.enqueue_indirect_dma source(%dma_start3A_121 : memref<100000x128xf32, #tpu.memory_space<hbm>>) target(%arg10 : memref<120x128xf32, #tpu.memory_space<vmem>>) offsets(%dma_start3A_118 : memref<120xi32, #tpu.memory_space<vmem>>) semaphore(%arg18 : memref<!tpu.dma_semaphore, #tpu.memory_space<semaphore_mem>>)
      %gt3A_122 = arith.constant 0 : i32
      %gt3A_123 = arith.cmpi sgt, %add3A_58, %gt3A_122 : i32
      %convert_element_type3A_124 = arith.extui %gt3A_123 : i1 to i32
      %cond3A_125 = arith.constant 0 : i32
      %cond3A_126 = arith.cmpi ne, %convert_element_type3A_124, %cond3A_125 : i32
      scf.if %cond3A_126 {
        %dma_wait3A_281 = arith.constant 0 : i32
        %dma_wait3A_282 = arith.constant 0 : i32
        %dma_wait3A_283 = tpu.memref_slice %arg4[%dma_wait3A_281, %dma_wait3A_282] : memref<153600x128xf32, #tpu.memory_space<hbm>> -> memref<120x128xf32, #tpu.memory_space<hbm>>
        %dma_wait3A_284 = arith.constant 0 : i32
        %dma_wait3A_285 = arith.constant 0 : i32
        %dma_wait3A_286 = tpu.memref_slice %arg4[%dma_wait3A_284, %dma_wait3A_285] : memref<153600x128xf32, #tpu.memory_space<hbm>> -> memref<120x128xf32, #tpu.memory_space<hbm>>
        tpu.wait_dma2 semaphore(%arg27 : memref<!tpu.dma_semaphore, #tpu.memory_space<semaphore_mem>>) src(%arg11 : memref<120x128xf32, #tpu.memory_space<vmem>>) dst(%dma_wait3A_286 : memref<120x128xf32, #tpu.memory_space<hbm>>)
      } else {
      }
      %add3A_127 = arith.constant 5 : i32
      %add3A_128 = arith.addi %mul3A_60, %add3A_127 : i32
      %dma_start3A_129 = arith.constant 0 : i32
      %dma_start3A_130 = tpu.memref_slice %arg5[%add3A_128, %dma_start3A_129] : memref<40x120xi32, #tpu.memory_space<vmem>> -> memref<1x120xi32, #tpu.memory_space<vmem>>
      %dma_start3A_131 = tpu.memref_squeeze %dma_start3A_130 : memref<1x120xi32, #tpu.memory_space<vmem>> -> memref<120xi32, #tpu.memory_space<vmem>>
      %dma_start3A_132 = arith.constant 0 : i32
      %dma_start3A_133 = arith.constant 0 : i32
      %dma_start3A_134 = tpu.memref_slice %arg2[%dma_start3A_132, %dma_start3A_133] : memref<100000x128xf32, #tpu.memory_space<hbm>> -> memref<100000x128xf32, #tpu.memory_space<hbm>>
      tpu.enqueue_indirect_dma source(%dma_start3A_134 : memref<100000x128xf32, #tpu.memory_space<hbm>>) target(%arg11 : memref<120x128xf32, #tpu.memory_space<vmem>>) offsets(%dma_start3A_131 : memref<120xi32, #tpu.memory_space<vmem>>) semaphore(%arg19 : memref<!tpu.dma_semaphore, #tpu.memory_space<semaphore_mem>>)
      %gt3A_135 = arith.constant 0 : i32
      %gt3A_136 = arith.cmpi sgt, %add3A_58, %gt3A_135 : i32
      %convert_element_type3A_137 = arith.extui %gt3A_136 : i1 to i32
      %cond3A_138 = arith.constant 0 : i32
      %cond3A_139 = arith.cmpi ne, %convert_element_type3A_137, %cond3A_138 : i32
      scf.if %cond3A_139 {
        %dma_wait3A_281 = arith.constant 0 : i32
        %dma_wait3A_282 = arith.constant 0 : i32
        %dma_wait3A_283 = tpu.memref_slice %arg4[%dma_wait3A_281, %dma_wait3A_282] : memref<153600x128xf32, #tpu.memory_space<hbm>> -> memref<120x128xf32, #tpu.memory_space<hbm>>
        %dma_wait3A_284 = arith.constant 0 : i32
        %dma_wait3A_285 = arith.constant 0 : i32
        %dma_wait3A_286 = tpu.memref_slice %arg4[%dma_wait3A_284, %dma_wait3A_285] : memref<153600x128xf32, #tpu.memory_space<hbm>> -> memref<120x128xf32, #tpu.memory_space<hbm>>
        tpu.wait_dma2 semaphore(%arg28 : memref<!tpu.dma_semaphore, #tpu.memory_space<semaphore_mem>>) src(%arg12 : memref<120x128xf32, #tpu.memory_space<vmem>>) dst(%dma_wait3A_286 : memref<120x128xf32, #tpu.memory_space<hbm>>)
      } else {
      }
      %add3A_140 = arith.constant 6 : i32
      %add3A_141 = arith.addi %mul3A_60, %add3A_140 : i32
      %dma_start3A_142 = arith.constant 0 : i32
      %dma_start3A_143 = tpu.memref_slice %arg5[%add3A_141, %dma_start3A_142] : memref<40x120xi32, #tpu.memory_space<vmem>> -> memref<1x120xi32, #tpu.memory_space<vmem>>
      %dma_start3A_144 = tpu.memref_squeeze %dma_start3A_143 : memref<1x120xi32, #tpu.memory_space<vmem>> -> memref<120xi32, #tpu.memory_space<vmem>>
      %dma_start3A_145 = arith.constant 0 : i32
      %dma_start3A_146 = arith.constant 0 : i32
      %dma_start3A_147 = tpu.memref_slice %arg2[%dma_start3A_145, %dma_start3A_146] : memref<100000x128xf32, #tpu.memory_space<hbm>> -> memref<100000x128xf32, #tpu.memory_space<hbm>>
      tpu.enqueue_indirect_dma source(%dma_start3A_147 : memref<100000x128xf32, #tpu.memory_space<hbm>>) target(%arg12 : memref<120x128xf32, #tpu.memory_space<vmem>>) offsets(%dma_start3A_144 : memref<120xi32, #tpu.memory_space<vmem>>) semaphore(%arg20 : memref<!tpu.dma_semaphore, #tpu.memory_space<semaphore_mem>>)
      %gt3A_148 = arith.constant 0 : i32
      %gt3A_149 = arith.cmpi sgt, %add3A_58, %gt3A_148 : i32
      %convert_element_type3A_150 = arith.extui %gt3A_149 : i1 to i32
      %cond3A_151 = arith.constant 0 : i32
      %cond3A_152 = arith.cmpi ne, %convert_element_type3A_150, %cond3A_151 : i32
      scf.if %cond3A_152 {
        %dma_wait3A_281 = arith.constant 0 : i32
        %dma_wait3A_282 = arith.constant 0 : i32
        %dma_wait3A_283 = tpu.memref_slice %arg4[%dma_wait3A_281, %dma_wait3A_282] : memref<153600x128xf32, #tpu.memory_space<hbm>> -> memref<120x128xf32, #tpu.memory_space<hbm>>
        %dma_wait3A_284 = arith.constant 0 : i32
        %dma_wait3A_285 = arith.constant 0 : i32
        %dma_wait3A_286 = tpu.memref_slice %arg4[%dma_wait3A_284, %dma_wait3A_285] : memref<153600x128xf32, #tpu.memory_space<hbm>> -> memref<120x128xf32, #tpu.memory_space<hbm>>
        tpu.wait_dma2 semaphore(%arg29 : memref<!tpu.dma_semaphore, #tpu.memory_space<semaphore_mem>>) src(%arg13 : memref<120x128xf32, #tpu.memory_space<vmem>>) dst(%dma_wait3A_286 : memref<120x128xf32, #tpu.memory_space<hbm>>)
      } else {
      }
      %add3A_153 = arith.constant 7 : i32
      %add3A_154 = arith.addi %mul3A_60, %add3A_153 : i32
      %dma_start3A_155 = arith.constant 0 : i32
      %dma_start3A_156 = tpu.memref_slice %arg5[%add3A_154, %dma_start3A_155] : memref<40x120xi32, #tpu.memory_space<vmem>> -> memref<1x120xi32, #tpu.memory_space<vmem>>
      %dma_start3A_157 = tpu.memref_squeeze %dma_start3A_156 : memref<1x120xi32, #tpu.memory_space<vmem>> -> memref<120xi32, #tpu.memory_space<vmem>>
      %dma_start3A_158 = arith.constant 0 : i32
      %dma_start3A_159 = arith.constant 0 : i32
      %dma_start3A_160 = tpu.memref_slice %arg2[%dma_start3A_158, %dma_start3A_159] : memref<100000x128xf32, #tpu.memory_space<hbm>> -> memref<100000x128xf32, #tpu.memory_space<hbm>>
      tpu.enqueue_indirect_dma source(%dma_start3A_160 : memref<100000x128xf32, #tpu.memory_space<hbm>>) target(%arg13 : memref<120x128xf32, #tpu.memory_space<vmem>>) offsets(%dma_start3A_157 : memref<120xi32, #tpu.memory_space<vmem>>) semaphore(%arg21 : memref<!tpu.dma_semaphore, #tpu.memory_space<semaphore_mem>>)
      %dma_wait3A_161 = arith.constant 0 : i32
      %dma_wait3A_162 = tpu.memref_slice %arg5[%add3A_64, %dma_wait3A_161] : memref<40x120xi32, #tpu.memory_space<vmem>> -> memref<1x120xi32, #tpu.memory_space<vmem>>
      %dma_wait3A_163 = tpu.memref_squeeze %dma_wait3A_162 : memref<1x120xi32, #tpu.memory_space<vmem>> -> memref<120xi32, #tpu.memory_space<vmem>>
      %dma_wait3A_164 = arith.constant 0 : i32
      %dma_wait3A_165 = arith.constant 0 : i32
      %dma_wait3A_166 = tpu.memref_slice %arg2[%dma_wait3A_164, %dma_wait3A_165] : memref<100000x128xf32, #tpu.memory_space<hbm>> -> memref<100000x128xf32, #tpu.memory_space<hbm>>
      tpu.wait_indirect_dma semaphore(%arg14 : memref<!tpu.dma_semaphore, #tpu.memory_space<semaphore_mem>>) src(%dma_wait3A_166 : memref<100000x128xf32, #tpu.memory_space<hbm>>) dst(%arg6 : memref<120x128xf32, #tpu.memory_space<vmem>>)
      %add3A_167 = arith.constant 0 : i32
      %add3A_168 = arith.addi %mul3A_60, %add3A_167 : i32
      %mul3A_169 = arith.constant 120 : i32
      %mul3A_170 = arith.muli %add3A_168, %mul3A_169 : i32
      %add3A_171 = arith.addi %mul3A_2, %mul3A_170 : i32
      %dma_start3A_172 = arith.constant 0 : i32
      %dma_start3A_173 = tpu.memref_slice %arg4[%add3A_171, %dma_start3A_172] : memref<153600x128xf32, #tpu.memory_space<hbm>> -> memref<120x128xf32, #tpu.memory_space<hbm>>
      %dma_start3A_174 = arith.constant 0 : i32
      %dma_start3A_175 = tpu.memref_slice %arg4[%add3A_171, %dma_start3A_174] : memref<153600x128xf32, #tpu.memory_space<hbm>> -> memref<120x128xf32, #tpu.memory_space<hbm>>
      tpu.enqueue_dma source(%arg6 : memref<120x128xf32, #tpu.memory_space<vmem>>) target(%dma_start3A_175 : memref<120x128xf32, #tpu.memory_space<hbm>>) target_semaphore(%arg22 : memref<!tpu.dma_semaphore, #tpu.memory_space<semaphore_mem>>)
      %dma_wait3A_176 = arith.constant 0 : i32
      %dma_wait3A_177 = tpu.memref_slice %arg5[%add3A_76, %dma_wait3A_176] : memref<40x120xi32, #tpu.memory_space<vmem>> -> memref<1x120xi32, #tpu.memory_space<vmem>>
      %dma_wait3A_178 = tpu.memref_squeeze %dma_wait3A_177 : memref<1x120xi32, #tpu.memory_space<vmem>> -> memref<120xi32, #tpu.memory_space<vmem>>
      %dma_wait3A_179 = arith.constant 0 : i32
      %dma_wait3A_180 = arith.constant 0 : i32
      %dma_wait3A_181 = tpu.memref_slice %arg2[%dma_wait3A_179, %dma_wait3A_180] : memref<100000x128xf32, #tpu.memory_space<hbm>> -> memref<100000x128xf32, #tpu.memory_space<hbm>>
      tpu.wait_indirect_dma semaphore(%arg15 : memref<!tpu.dma_semaphore, #tpu.memory_space<semaphore_mem>>) src(%dma_wait3A_181 : memref<100000x128xf32, #tpu.memory_space<hbm>>) dst(%arg7 : memref<120x128xf32, #tpu.memory_space<vmem>>)
      %add3A_182 = arith.constant 1 : i32
      %add3A_183 = arith.addi %mul3A_60, %add3A_182 : i32
      %mul3A_184 = arith.constant 120 : i32
      %mul3A_185 = arith.muli %add3A_183, %mul3A_184 : i32
      %add3A_186 = arith.addi %mul3A_2, %mul3A_185 : i32
      %dma_start3A_187 = arith.constant 0 : i32
      %dma_start3A_188 = tpu.memref_slice %arg4[%add3A_186, %dma_start3A_187] : memref<153600x128xf32, #tpu.memory_space<hbm>> -> memref<120x128xf32, #tpu.memory_space<hbm>>
      %dma_start3A_189 = arith.constant 0 : i32
      %dma_start3A_190 = tpu.memref_slice %arg4[%add3A_186, %dma_start3A_189] : memref<153600x128xf32, #tpu.memory_space<hbm>> -> memref<120x128xf32, #tpu.memory_space<hbm>>
      tpu.enqueue_dma source(%arg7 : memref<120x128xf32, #tpu.memory_space<vmem>>) target(%dma_start3A_190 : memref<120x128xf32, #tpu.memory_space<hbm>>) target_semaphore(%arg23 : memref<!tpu.dma_semaphore, #tpu.memory_space<semaphore_mem>>)
      %dma_wait3A_191 = arith.constant 0 : i32
      %dma_wait3A_192 = tpu.memref_slice %arg5[%add3A_89, %dma_wait3A_191] : memref<40x120xi32, #tpu.memory_space<vmem>> -> memref<1x120xi32, #tpu.memory_space<vmem>>
      %dma_wait3A_193 = tpu.memref_squeeze %dma_wait3A_192 : memref<1x120xi32, #tpu.memory_space<vmem>> -> memref<120xi32, #tpu.memory_space<vmem>>
      %dma_wait3A_194 = arith.constant 0 : i32
      %dma_wait3A_195 = arith.constant 0 : i32
      %dma_wait3A_196 = tpu.memref_slice %arg2[%dma_wait3A_194, %dma_wait3A_195] : memref<100000x128xf32, #tpu.memory_space<hbm>> -> memref<100000x128xf32, #tpu.memory_space<hbm>>
      tpu.wait_indirect_dma semaphore(%arg16 : memref<!tpu.dma_semaphore, #tpu.memory_space<semaphore_mem>>) src(%dma_wait3A_196 : memref<100000x128xf32, #tpu.memory_space<hbm>>) dst(%arg8 : memref<120x128xf32, #tpu.memory_space<vmem>>)
      %add3A_197 = arith.constant 2 : i32
      %add3A_198 = arith.addi %mul3A_60, %add3A_197 : i32
      %mul3A_199 = arith.constant 120 : i32
      %mul3A_200 = arith.muli %add3A_198, %mul3A_199 : i32
      %add3A_201 = arith.addi %mul3A_2, %mul3A_200 : i32
      %dma_start3A_202 = arith.constant 0 : i32
      %dma_start3A_203 = tpu.memref_slice %arg4[%add3A_201, %dma_start3A_202] : memref<153600x128xf32, #tpu.memory_space<hbm>> -> memref<120x128xf32, #tpu.memory_space<hbm>>
      %dma_start3A_204 = arith.constant 0 : i32
      %dma_start3A_205 = tpu.memref_slice %arg4[%add3A_201, %dma_start3A_204] : memref<153600x128xf32, #tpu.memory_space<hbm>> -> memref<120x128xf32, #tpu.memory_space<hbm>>
      tpu.enqueue_dma source(%arg8 : memref<120x128xf32, #tpu.memory_space<vmem>>) target(%dma_start3A_205 : memref<120x128xf32, #tpu.memory_space<hbm>>) target_semaphore(%arg24 : memref<!tpu.dma_semaphore, #tpu.memory_space<semaphore_mem>>)
      %dma_wait3A_206 = arith.constant 0 : i32
      %dma_wait3A_207 = tpu.memref_slice %arg5[%add3A_102, %dma_wait3A_206] : memref<40x120xi32, #tpu.memory_space<vmem>> -> memref<1x120xi32, #tpu.memory_space<vmem>>
      %dma_wait3A_208 = tpu.memref_squeeze %dma_wait3A_207 : memref<1x120xi32, #tpu.memory_space<vmem>> -> memref<120xi32, #tpu.memory_space<vmem>>
      %dma_wait3A_209 = arith.constant 0 : i32
      %dma_wait3A_210 = arith.constant 0 : i32
      %dma_wait3A_211 = tpu.memref_slice %arg2[%dma_wait3A_209, %dma_wait3A_210] : memref<100000x128xf32, #tpu.memory_space<hbm>> -> memref<100000x128xf32, #tpu.memory_space<hbm>>
      tpu.wait_indirect_dma semaphore(%arg17 : memref<!tpu.dma_semaphore, #tpu.memory_space<semaphore_mem>>) src(%dma_wait3A_211 : memref<100000x128xf32, #tpu.memory_space<hbm>>) dst(%arg9 : memref<120x128xf32, #tpu.memory_space<vmem>>)
      %add3A_212 = arith.constant 3 : i32
      %add3A_213 = arith.addi %mul3A_60, %add3A_212 : i32
      %mul3A_214 = arith.constant 120 : i32
      %mul3A_215 = arith.muli %add3A_213, %mul3A_214 : i32
      %add3A_216 = arith.addi %mul3A_2, %mul3A_215 : i32
      %dma_start3A_217 = arith.constant 0 : i32
      %dma_start3A_218 = tpu.memref_slice %arg4[%add3A_216, %dma_start3A_217] : memref<153600x128xf32, #tpu.memory_space<hbm>> -> memref<120x128xf32, #tpu.memory_space<hbm>>
      %dma_start3A_219 = arith.constant 0 : i32
      %dma_start3A_220 = tpu.memref_slice %arg4[%add3A_216, %dma_start3A_219] : memref<153600x128xf32, #tpu.memory_space<hbm>> -> memref<120x128xf32, #tpu.memory_space<hbm>>
      tpu.enqueue_dma source(%arg9 : memref<120x128xf32, #tpu.memory_space<vmem>>) target(%dma_start3A_220 : memref<120x128xf32, #tpu.memory_space<hbm>>) target_semaphore(%arg25 : memref<!tpu.dma_semaphore, #tpu.memory_space<semaphore_mem>>)
      %dma_wait3A_221 = arith.constant 0 : i32
      %dma_wait3A_222 = tpu.memref_slice %arg5[%add3A_115, %dma_wait3A_221] : memref<40x120xi32, #tpu.memory_space<vmem>> -> memref<1x120xi32, #tpu.memory_space<vmem>>
      %dma_wait3A_223 = tpu.memref_squeeze %dma_wait3A_222 : memref<1x120xi32, #tpu.memory_space<vmem>> -> memref<120xi32, #tpu.memory_space<vmem>>
      %dma_wait3A_224 = arith.constant 0 : i32
      %dma_wait3A_225 = arith.constant 0 : i32
      %dma_wait3A_226 = tpu.memref_slice %arg2[%dma_wait3A_224, %dma_wait3A_225] : memref<100000x128xf32, #tpu.memory_space<hbm>> -> memref<100000x128xf32, #tpu.memory_space<hbm>>
      tpu.wait_indirect_dma semaphore(%arg18 : memref<!tpu.dma_semaphore, #tpu.memory_space<semaphore_mem>>) src(%dma_wait3A_226 : memref<100000x128xf32, #tpu.memory_space<hbm>>) dst(%arg10 : memref<120x128xf32, #tpu.memory_space<vmem>>)
      %add3A_227 = arith.constant 4 : i32
      %add3A_228 = arith.addi %mul3A_60, %add3A_227 : i32
      %mul3A_229 = arith.constant 120 : i32
      %mul3A_230 = arith.muli %add3A_228, %mul3A_229 : i32
      %add3A_231 = arith.addi %mul3A_2, %mul3A_230 : i32
      %dma_start3A_232 = arith.constant 0 : i32
      %dma_start3A_233 = tpu.memref_slice %arg4[%add3A_231, %dma_start3A_232] : memref<153600x128xf32, #tpu.memory_space<hbm>> -> memref<120x128xf32, #tpu.memory_space<hbm>>
      %dma_start3A_234 = arith.constant 0 : i32
      %dma_start3A_235 = tpu.memref_slice %arg4[%add3A_231, %dma_start3A_234] : memref<153600x128xf32, #tpu.memory_space<hbm>> -> memref<120x128xf32, #tpu.memory_space<hbm>>
      tpu.enqueue_dma source(%arg10 : memref<120x128xf32, #tpu.memory_space<vmem>>) target(%dma_start3A_235 : memref<120x128xf32, #tpu.memory_space<hbm>>) target_semaphore(%arg26 : memref<!tpu.dma_semaphore, #tpu.memory_space<semaphore_mem>>)
      %dma_wait3A_236 = arith.constant 0 : i32
      %dma_wait3A_237 = tpu.memref_slice %arg5[%add3A_128, %dma_wait3A_236] : memref<40x120xi32, #tpu.memory_space<vmem>> -> memref<1x120xi32, #tpu.memory_space<vmem>>
      %dma_wait3A_238 = tpu.memref_squeeze %dma_wait3A_237 : memref<1x120xi32, #tpu.memory_space<vmem>> -> memref<120xi32, #tpu.memory_space<vmem>>
      %dma_wait3A_239 = arith.constant 0 : i32
      %dma_wait3A_240 = arith.constant 0 : i32
      %dma_wait3A_241 = tpu.memref_slice %arg2[%dma_wait3A_239, %dma_wait3A_240] : memref<100000x128xf32, #tpu.memory_space<hbm>> -> memref<100000x128xf32, #tpu.memory_space<hbm>>
      tpu.wait_indirect_dma semaphore(%arg19 : memref<!tpu.dma_semaphore, #tpu.memory_space<semaphore_mem>>) src(%dma_wait3A_241 : memref<100000x128xf32, #tpu.memory_space<hbm>>) dst(%arg11 : memref<120x128xf32, #tpu.memory_space<vmem>>)
      %add3A_242 = arith.constant 5 : i32
      %add3A_243 = arith.addi %mul3A_60, %add3A_242 : i32
      %mul3A_244 = arith.constant 120 : i32
      %mul3A_245 = arith.muli %add3A_243, %mul3A_244 : i32
      %add3A_246 = arith.addi %mul3A_2, %mul3A_245 : i32
      %dma_start3A_247 = arith.constant 0 : i32
      %dma_start3A_248 = tpu.memref_slice %arg4[%add3A_246, %dma_start3A_247] : memref<153600x128xf32, #tpu.memory_space<hbm>> -> memref<120x128xf32, #tpu.memory_space<hbm>>
      %dma_start3A_249 = arith.constant 0 : i32
      %dma_start3A_250 = tpu.memref_slice %arg4[%add3A_246, %dma_start3A_249] : memref<153600x128xf32, #tpu.memory_space<hbm>> -> memref<120x128xf32, #tpu.memory_space<hbm>>
      tpu.enqueue_dma source(%arg11 : memref<120x128xf32, #tpu.memory_space<vmem>>) target(%dma_start3A_250 : memref<120x128xf32, #tpu.memory_space<hbm>>) target_semaphore(%arg27 : memref<!tpu.dma_semaphore, #tpu.memory_space<semaphore_mem>>)
      %dma_wait3A_251 = arith.constant 0 : i32
      %dma_wait3A_252 = tpu.memref_slice %arg5[%add3A_141, %dma_wait3A_251] : memref<40x120xi32, #tpu.memory_space<vmem>> -> memref<1x120xi32, #tpu.memory_space<vmem>>
      %dma_wait3A_253 = tpu.memref_squeeze %dma_wait3A_252 : memref<1x120xi32, #tpu.memory_space<vmem>> -> memref<120xi32, #tpu.memory_space<vmem>>
      %dma_wait3A_254 = arith.constant 0 : i32
      %dma_wait3A_255 = arith.constant 0 : i32
      %dma_wait3A_256 = tpu.memref_slice %arg2[%dma_wait3A_254, %dma_wait3A_255] : memref<100000x128xf32, #tpu.memory_space<hbm>> -> memref<100000x128xf32, #tpu.memory_space<hbm>>
      tpu.wait_indirect_dma semaphore(%arg20 : memref<!tpu.dma_semaphore, #tpu.memory_space<semaphore_mem>>) src(%dma_wait3A_256 : memref<100000x128xf32, #tpu.memory_space<hbm>>) dst(%arg12 : memref<120x128xf32, #tpu.memory_space<vmem>>)
      %add3A_257 = arith.constant 6 : i32
      %add3A_258 = arith.addi %mul3A_60, %add3A_257 : i32
      %mul3A_259 = arith.constant 120 : i32
      %mul3A_260 = arith.muli %add3A_258, %mul3A_259 : i32
      %add3A_261 = arith.addi %mul3A_2, %mul3A_260 : i32
      %dma_start3A_262 = arith.constant 0 : i32
      %dma_start3A_263 = tpu.memref_slice %arg4[%add3A_261, %dma_start3A_262] : memref<153600x128xf32, #tpu.memory_space<hbm>> -> memref<120x128xf32, #tpu.memory_space<hbm>>
      %dma_start3A_264 = arith.constant 0 : i32
      %dma_start3A_265 = tpu.memref_slice %arg4[%add3A_261, %dma_start3A_264] : memref<153600x128xf32, #tpu.memory_space<hbm>> -> memref<120x128xf32, #tpu.memory_space<hbm>>
      tpu.enqueue_dma source(%arg12 : memref<120x128xf32, #tpu.memory_space<vmem>>) target(%dma_start3A_265 : memref<120x128xf32, #tpu.memory_space<hbm>>) target_semaphore(%arg28 : memref<!tpu.dma_semaphore, #tpu.memory_space<semaphore_mem>>)
      %dma_wait3A_266 = arith.constant 0 : i32
      %dma_wait3A_267 = tpu.memref_slice %arg5[%add3A_154, %dma_wait3A_266] : memref<40x120xi32, #tpu.memory_space<vmem>> -> memref<1x120xi32, #tpu.memory_space<vmem>>
      %dma_wait3A_268 = tpu.memref_squeeze %dma_wait3A_267 : memref<1x120xi32, #tpu.memory_space<vmem>> -> memref<120xi32, #tpu.memory_space<vmem>>
      %dma_wait3A_269 = arith.constant 0 : i32
      %dma_wait3A_270 = arith.constant 0 : i32
      %dma_wait3A_271 = tpu.memref_slice %arg2[%dma_wait3A_269, %dma_wait3A_270] : memref<100000x128xf32, #tpu.memory_space<hbm>> -> memref<100000x128xf32, #tpu.memory_space<hbm>>
      tpu.wait_indirect_dma semaphore(%arg21 : memref<!tpu.dma_semaphore, #tpu.memory_space<semaphore_mem>>) src(%dma_wait3A_271 : memref<100000x128xf32, #tpu.memory_space<hbm>>) dst(%arg13 : memref<120x128xf32, #tpu.memory_space<vmem>>)
      %add3A_272 = arith.constant 7 : i32
      %add3A_273 = arith.addi %mul3A_60, %add3A_272 : i32
      %mul3A_274 = arith.constant 120 : i32
      %mul3A_275 = arith.muli %add3A_273, %mul3A_274 : i32
      %add3A_276 = arith.addi %mul3A_2, %mul3A_275 : i32
      %dma_start3A_277 = arith.constant 0 : i32
      %dma_start3A_278 = tpu.memref_slice %arg4[%add3A_276, %dma_start3A_277] : memref<153600x128xf32, #tpu.memory_space<hbm>> -> memref<120x128xf32, #tpu.memory_space<hbm>>
      %dma_start3A_279 = arith.constant 0 : i32
      %dma_start3A_280 = tpu.memref_slice %arg4[%add3A_276, %dma_start3A_279] : memref<153600x128xf32, #tpu.memory_space<hbm>> -> memref<120x128xf32, #tpu.memory_space<hbm>>
      tpu.enqueue_dma source(%arg13 : memref<120x128xf32, #tpu.memory_space<vmem>>) target(%dma_start3A_280 : memref<120x128xf32, #tpu.memory_space<hbm>>) target_semaphore(%arg29 : memref<!tpu.dma_semaphore, #tpu.memory_space<semaphore_mem>>)
    }
    %scan3A_6 = arith.constant 5 : i32
    %dma_wait3A = arith.constant 0 : i32
    %dma_wait3A_7 = arith.constant 0 : i32
    %dma_wait3A_8 = tpu.memref_slice %arg4[%dma_wait3A, %dma_wait3A_7] : memref<153600x128xf32, #tpu.memory_space<hbm>> -> memref<120x128xf32, #tpu.memory_space<hbm>>
    %dma_wait3A_9 = arith.constant 0 : i32
    %dma_wait3A_10 = arith.constant 0 : i32
    %dma_wait3A_11 = tpu.memref_slice %arg4[%dma_wait3A_9, %dma_wait3A_10] : memref<153600x128xf32, #tpu.memory_space<hbm>> -> memref<120x128xf32, #tpu.memory_space<hbm>>
    tpu.wait_dma2 semaphore(%arg22 : memref<!tpu.dma_semaphore, #tpu.memory_space<semaphore_mem>>) src(%arg6 : memref<120x128xf32, #tpu.memory_space<vmem>>) dst(%dma_wait3A_11 : memref<120x128xf32, #tpu.memory_space<hbm>>)
    %dma_wait3A_12 = arith.constant 0 : i32
    %dma_wait3A_13 = arith.constant 0 : i32
    %dma_wait3A_14 = tpu.memref_slice %arg4[%dma_wait3A_12, %dma_wait3A_13] : memref<153600x128xf32, #tpu.memory_space<hbm>> -> memref<120x128xf32, #tpu.memory_space<hbm>>
    %dma_wait3A_15 = arith.constant 0 : i32
    %dma_wait3A_16 = arith.constant 0 : i32
    %dma_wait3A_17 = tpu.memref_slice %arg4[%dma_wait3A_15, %dma_wait3A_16] : memref<153600x128xf32, #tpu.memory_space<hbm>> -> memref<120x128xf32, #tpu.memory_space<hbm>>
    tpu.wait_dma2 semaphore(%arg23 : memref<!tpu.dma_semaphore, #tpu.memory_space<semaphore_mem>>) src(%arg7 : memref<120x128xf32, #tpu.memory_space<vmem>>) dst(%dma_wait3A_17 : memref<120x128xf32, #tpu.memory_space<hbm>>)
    %dma_wait3A_18 = arith.constant 0 : i32
    %dma_wait3A_19 = arith.constant 0 : i32
    %dma_wait3A_20 = tpu.memref_slice %arg4[%dma_wait3A_18, %dma_wait3A_19] : memref<153600x128xf32, #tpu.memory_space<hbm>> -> memref<120x128xf32, #tpu.memory_space<hbm>>
    %dma_wait3A_21 = arith.constant 0 : i32
    %dma_wait3A_22 = arith.constant 0 : i32
    %dma_wait3A_23 = tpu.memref_slice %arg4[%dma_wait3A_21, %dma_wait3A_22] : memref<153600x128xf32, #tpu.memory_space<hbm>> -> memref<120x128xf32, #tpu.memory_space<hbm>>
    tpu.wait_dma2 semaphore(%arg24 : memref<!tpu.dma_semaphore, #tpu.memory_space<semaphore_mem>>) src(%arg8 : memref<120x128xf32, #tpu.memory_space<vmem>>) dst(%dma_wait3A_23 : memref<120x128xf32, #tpu.memory_space<hbm>>)
    %dma_wait3A_24 = arith.constant 0 : i32
    %dma_wait3A_25 = arith.constant 0 : i32
    %dma_wait3A_26 = tpu.memref_slice %arg4[%dma_wait3A_24, %dma_wait3A_25] : memref<153600x128xf32, #tpu.memory_space<hbm>> -> memref<120x128xf32, #tpu.memory_space<hbm>>
    %dma_wait3A_27 = arith.constant 0 : i32
    %dma_wait3A_28 = arith.constant 0 : i32
    %dma_wait3A_29 = tpu.memref_slice %arg4[%dma_wait3A_27, %dma_wait3A_28] : memref<153600x128xf32, #tpu.memory_space<hbm>> -> memref<120x128xf32, #tpu.memory_space<hbm>>
    tpu.wait_dma2 semaphore(%arg25 : memref<!tpu.dma_semaphore, #tpu.memory_space<semaphore_mem>>) src(%arg9 : memref<120x128xf32, #tpu.memory_space<vmem>>) dst(%dma_wait3A_29 : memref<120x128xf32, #tpu.memory_space<hbm>>)
    %dma_wait3A_30 = arith.constant 0 : i32
    %dma_wait3A_31 = arith.constant 0 : i32
    %dma_wait3A_32 = tpu.memref_slice %arg4[%dma_wait3A_30, %dma_wait3A_31] : memref<153600x128xf32, #tpu.memory_space<hbm>> -> memref<120x128xf32, #tpu.memory_space<hbm>>
    %dma_wait3A_33 = arith.constant 0 : i32
    %dma_wait3A_34 = arith.constant 0 : i32
    %dma_wait3A_35 = tpu.memref_slice %arg4[%dma_wait3A_33, %dma_wait3A_34] : memref<153600x128xf32, #tpu.memory_space<hbm>> -> memref<120x128xf32, #tpu.memory_space<hbm>>
    tpu.wait_dma2 semaphore(%arg26 : memref<!tpu.dma_semaphore, #tpu.memory_space<semaphore_mem>>) src(%arg10 : memref<120x128xf32, #tpu.memory_space<vmem>>) dst(%dma_wait3A_35 : memref<120x128xf32, #tpu.memory_space<hbm>>)
    %dma_wait3A_36 = arith.constant 0 : i32
    %dma_wait3A_37 = arith.constant 0 : i32
    %dma_wait3A_38 = tpu.memref_slice %arg4[%dma_wait3A_36, %dma_wait3A_37] : memref<153600x128xf32, #tpu.memory_space<hbm>> -> memref<120x128xf32, #tpu.memory_space<hbm>>
    %dma_wait3A_39 = arith.constant 0 : i32
    %dma_wait3A_40 = arith.constant 0 : i32
    %dma_wait3A_41 = tpu.memref_slice %arg4[%dma_wait3A_39, %dma_wait3A_40] : memref<153600x128xf32, #tpu.memory_space<hbm>> -> memref<120x128xf32, #tpu.memory_space<hbm>>
    tpu.wait_dma2 semaphore(%arg27 : memref<!tpu.dma_semaphore, #tpu.memory_space<semaphore_mem>>) src(%arg11 : memref<120x128xf32, #tpu.memory_space<vmem>>) dst(%dma_wait3A_41 : memref<120x128xf32, #tpu.memory_space<hbm>>)
    %dma_wait3A_42 = arith.constant 0 : i32
    %dma_wait3A_43 = arith.constant 0 : i32
    %dma_wait3A_44 = tpu.memref_slice %arg4[%dma_wait3A_42, %dma_wait3A_43] : memref<153600x128xf32, #tpu.memory_space<hbm>> -> memref<120x128xf32, #tpu.memory_space<hbm>>
    %dma_wait3A_45 = arith.constant 0 : i32
    %dma_wait3A_46 = arith.constant 0 : i32
    %dma_wait3A_47 = tpu.memref_slice %arg4[%dma_wait3A_45, %dma_wait3A_46] : memref<153600x128xf32, #tpu.memory_space<hbm>> -> memref<120x128xf32, #tpu.memory_space<hbm>>
    tpu.wait_dma2 semaphore(%arg28 : memref<!tpu.dma_semaphore, #tpu.memory_space<semaphore_mem>>) src(%arg12 : memref<120x128xf32, #tpu.memory_space<vmem>>) dst(%dma_wait3A_47 : memref<120x128xf32, #tpu.memory_space<hbm>>)
    %dma_wait3A_48 = arith.constant 0 : i32
    %dma_wait3A_49 = arith.constant 0 : i32
    %dma_wait3A_50 = tpu.memref_slice %arg4[%dma_wait3A_48, %dma_wait3A_49] : memref<153600x128xf32, #tpu.memory_space<hbm>> -> memref<120x128xf32, #tpu.memory_space<hbm>>
    %dma_wait3A_51 = arith.constant 0 : i32
    %dma_wait3A_52 = arith.constant 0 : i32
    %dma_wait3A_53 = tpu.memref_slice %arg4[%dma_wait3A_51, %dma_wait3A_52] : memref<153600x128xf32, #tpu.memory_space<hbm>> -> memref<120x128xf32, #tpu.memory_space<hbm>>
    tpu.wait_dma2 semaphore(%arg29 : memref<!tpu.dma_semaphore, #tpu.memory_space<semaphore_mem>>) src(%arg13 : memref<120x128xf32, #tpu.memory_space<vmem>>) dst(%dma_wait3A_53 : memref<120x128xf32, #tpu.memory_space<hbm>>)
    return
  }
}

module attributes {stable_mosaic.version = 14 : i64} {
  func.func @_dense_body(%arg0: i32, %arg1: memref<400x128xf32, #tpu.memory_space<vmem>>, %arg2: memref<3x5x400x128xf32, #tpu.memory_space<vmem>>, %arg3: memref<3x5x400x128xf32, #tpu.memory_space<vmem>>, %arg4: memref<3x128x256xbf16, #tpu.memory_space<vmem>>, %arg5: memref<3x128x256xbf16, #tpu.memory_space<vmem>>, %arg6: memref<3x256xf32, #tpu.memory_space<vmem>>, %arg7: memref<3x128x128xbf16, #tpu.memory_space<vmem>>, %arg8: memref<3x128x128xbf16, #tpu.memory_space<vmem>>, %arg9: memref<3x128xf32, #tpu.memory_space<vmem>>, %arg10: memref<6x64xf32, #tpu.memory_space<vmem>>, %arg11: memref<64x64xf32, #tpu.memory_space<vmem>>, %arg12: memref<64xf32, #tpu.memory_space<vmem>>, %arg13: memref<400x64xf32, #tpu.memory_space<vmem>>) attributes {dimension_semantics = [#tpu.dimension_semantics<arbitrary>], iteration_bounds = array<i64: 25>, scalar_prefetch = 0 : i64, scratch_operands = 0 : i64, tpu.core_type = #tpu.core_type<tc>, window_params = [{transform_indices = @transform_0, window_bounds = array<i64: 400, 128>}, {transform_indices = @transform_1, window_bounds = array<i64: 3, 5, 400, 128>}, {transform_indices = @transform_2, window_bounds = array<i64: 3, 5, 400, 128>}, {pipeline_mode = #tpu.pipeline_mode<synchronous>, transform_indices = @transform_3, window_bounds = array<i64: 3, 128, 256>}, {pipeline_mode = #tpu.pipeline_mode<synchronous>, transform_indices = @transform_4, window_bounds = array<i64: 3, 128, 256>}, {pipeline_mode = #tpu.pipeline_mode<synchronous>, transform_indices = @transform_5, window_bounds = array<i64: 3, 256>}, {pipeline_mode = #tpu.pipeline_mode<synchronous>, transform_indices = @transform_6, window_bounds = array<i64: 3, 128, 128>}, {pipeline_mode = #tpu.pipeline_mode<synchronous>, transform_indices = @transform_7, window_bounds = array<i64: 3, 128, 128>}, {pipeline_mode = #tpu.pipeline_mode<synchronous>, transform_indices = @transform_8, window_bounds = array<i64: 3, 128>}, {pipeline_mode = #tpu.pipeline_mode<synchronous>, transform_indices = @transform_9, window_bounds = array<i64: 6, 64>}, {pipeline_mode = #tpu.pipeline_mode<synchronous>, transform_indices = @transform_10, window_bounds = array<i64: 64, 64>}, {pipeline_mode = #tpu.pipeline_mode<synchronous>, transform_indices = @transform_11, window_bounds = array<i64: 64>}, {transform_indices = @transform_12, window_bounds = array<i64: 400, 64>}]} {
    %get3A = arith.constant 0 : index
    %get3A_0 = arith.constant 0 : index
    %get3A_1 = vector.load %arg1[%get3A, %get3A_0] : memref<400x128xf32, #tpu.memory_space<vmem>>, vector<400x128xf32>
    %convert_element_type3A = arith.truncf %get3A_1 : vector<400x128xf32> to vector<400x128xbf16>
    %broadcast_in_dim3A = arith.constant 0.000000e+00 : f32
    %broadcast_in_dim3A_2 = vector.broadcast %broadcast_in_dim3A : f32 to vector<400x64xf32>
    %get3A_3 = arith.constant 0 : index
    %get3A_4 = arith.constant 0 : index
    %get3A_5 = arith.constant 0 : index
    %get3A_6 = arith.constant 0 : index
    %get3A_7 = vector.load %arg2[%get3A_3, %get3A_4, %get3A_5, %get3A_6] : memref<3x5x400x128xf32, #tpu.memory_space<vmem>>, vector<1x5x400x128xf32>
    %get3A_8 = vector.shape_cast %get3A_7 : vector<1x5x400x128xf32> to vector<5x400x128xf32>
    %slice3A = vector.extract_strided_slice %get3A_8 {offsets = [0, 0, 0], sizes = [1, 400, 128], strides = [1, 1, 1]} : vector<5x400x128xf32> to vector<1x400x128xf32>
    %squeeze3A = vector.shape_cast %slice3A : vector<1x400x128xf32> to vector<400x128xf32>
    %slice3A_9 = vector.extract_strided_slice %get3A_8 {offsets = [1, 0, 0], sizes = [1, 400, 128], strides = [1, 1, 1]} : vector<5x400x128xf32> to vector<1x400x128xf32>
    %squeeze3A_10 = vector.shape_cast %slice3A_9 : vector<1x400x128xf32> to vector<400x128xf32>
    %add3A = arith.addf %squeeze3A, %squeeze3A_10 : vector<400x128xf32>
    %slice3A_11 = vector.extract_strided_slice %get3A_8 {offsets = [2, 0, 0], sizes = [1, 400, 128], strides = [1, 1, 1]} : vector<5x400x128xf32> to vector<1x400x128xf32>
    %squeeze3A_12 = vector.shape_cast %slice3A_11 : vector<1x400x128xf32> to vector<400x128xf32>
    %add3A_13 = arith.addf %add3A, %squeeze3A_12 : vector<400x128xf32>
    %slice3A_14 = vector.extract_strided_slice %get3A_8 {offsets = [3, 0, 0], sizes = [1, 400, 128], strides = [1, 1, 1]} : vector<5x400x128xf32> to vector<1x400x128xf32>
    %squeeze3A_15 = vector.shape_cast %slice3A_14 : vector<1x400x128xf32> to vector<400x128xf32>
    %add3A_16 = arith.addf %add3A_13, %squeeze3A_15 : vector<400x128xf32>
    %slice3A_17 = vector.extract_strided_slice %get3A_8 {offsets = [4, 0, 0], sizes = [1, 400, 128], strides = [1, 1, 1]} : vector<5x400x128xf32> to vector<1x400x128xf32>
    %squeeze3A_18 = vector.shape_cast %slice3A_17 : vector<1x400x128xf32> to vector<400x128xf32>
    %add3A_19 = arith.addf %add3A_16, %squeeze3A_18 : vector<400x128xf32>
    %mul3A = arith.constant 2.000000e-01 : f32
    %mul3A_20 = vector.broadcast %mul3A : f32 to vector<400x128xf32>
    %mul3A_21 = arith.mulf %add3A_19, %mul3A_20 : vector<400x128xf32>
    %get3A_22 = arith.constant 0 : index
    %get3A_23 = arith.constant 0 : index
    %get3A_24 = arith.constant 0 : index
    %get3A_25 = arith.constant 0 : index
    %get3A_26 = vector.load %arg3[%get3A_22, %get3A_23, %get3A_24, %get3A_25] : memref<3x5x400x128xf32, #tpu.memory_space<vmem>>, vector<1x5x400x128xf32>
    %get3A_27 = vector.shape_cast %get3A_26 : vector<1x5x400x128xf32> to vector<5x400x128xf32>
    %mul3A_28 = arith.constant 5.000000e-01 : f32
    %mul3A_29 = vector.broadcast %mul3A_28 : f32 to vector<5x400x128xf32>
    %mul3A_30 = arith.mulf %get3A_27, %mul3A_29 : vector<5x400x128xf32>
    %convert_element_type3A_31 = arith.truncf %get3A_8 : vector<5x400x128xf32> to vector<5x400x128xbf16>
    %reshape3A = vector.shape_cast %convert_element_type3A_31 : vector<5x400x128xbf16> to vector<2000x128xbf16>
    %concatenate3A = tpu.concatenate %convert_element_type3A, %reshape3A in 0 : vector<400x128xbf16>, vector<2000x128xbf16> -> vector<2400x128xbf16>
    %convert_element_type3A_32 = arith.truncf %mul3A_21 : vector<400x128xf32> to vector<400x128xbf16>
    %convert_element_type3A_33 = arith.truncf %mul3A_30 : vector<5x400x128xf32> to vector<5x400x128xbf16>
    %reshape3A_34 = vector.shape_cast %convert_element_type3A_33 : vector<5x400x128xbf16> to vector<2000x128xbf16>
    %concatenate3A_35 = tpu.concatenate %convert_element_type3A_32, %reshape3A_34 in 0 : vector<400x128xbf16>, vector<2000x128xbf16> -> vector<2400x128xbf16>
    %get3A_36 = arith.constant 0 : index
    %get3A_37 = arith.constant 0 : index
    %get3A_38 = arith.constant 0 : index
    %get3A_39 = vector.load %arg4[%get3A_36, %get3A_37, %get3A_38] : memref<3x128x256xbf16, #tpu.memory_space<vmem>>, vector<1x128x256xbf16>
    %get3A_40 = vector.shape_cast %get3A_39 : vector<1x128x256xbf16> to vector<128x256xbf16>
    %dot_general3A = arith.constant dense<0.000000e+00> : vector<2400x256xf32>
    %dot_general3A_41 = tpu.matmul %concatenate3A, %get3A_40, %dot_general3A {dimension_numbers = #tpu.dot_dimension_numbers<[1], [0], [0], [1], [0, 0, 1, 1], [], []>, transpose_lhs_hint = false} : vector<2400x128xbf16>, vector<128x256xbf16>, vector<2400x256xf32> -> vector<2400x256xf32>
    %get3A_42 = arith.constant 0 : index
    %get3A_43 = arith.constant 0 : index
    %get3A_44 = arith.constant 0 : index
    %get3A_45 = vector.load %arg5[%get3A_42, %get3A_43, %get3A_44] : memref<3x128x256xbf16, #tpu.memory_space<vmem>>, vector<1x128x256xbf16>
    %get3A_46 = vector.shape_cast %get3A_45 : vector<1x128x256xbf16> to vector<128x256xbf16>
    %dot_general3A_47 = arith.constant dense<0.000000e+00> : vector<2400x256xf32>
    %dot_general3A_48 = tpu.matmul %concatenate3A_35, %get3A_46, %dot_general3A_47 {dimension_numbers = #tpu.dot_dimension_numbers<[1], [0], [0], [1], [0, 0, 1, 1], [], []>, transpose_lhs_hint = false} : vector<2400x128xbf16>, vector<128x256xbf16>, vector<2400x256xf32> -> vector<2400x256xf32>
    %add3A_49 = arith.addf %dot_general3A_41, %dot_general3A_48 : vector<2400x256xf32>
    %get3A_50 = arith.constant 0 : index
    %get3A_51 = arith.constant 0 : index
    %get3A_52 = vector.load %arg6[%get3A_50, %get3A_51] : memref<3x256xf32, #tpu.memory_space<vmem>>, vector<1x256xf32>
    %get3A_53 = vector.shape_cast %get3A_52 : vector<1x256xf32> to vector<256xf32>
    %broadcast_in_dim3A_54 = vector.shape_cast %get3A_53 : vector<256xf32> to vector<1x256xf32>
    %add3A_55 = vector.broadcast %broadcast_in_dim3A_54 : vector<1x256xf32> to vector<2400x256xf32>
    %add3A_56 = arith.addf %add3A_49, %add3A_55 : vector<2400x256xf32>
    %slice3A_57 = vector.extract_strided_slice %add3A_56 {offsets = [0, 0], sizes = [2400, 128], strides = [1, 1]} : vector<2400x256xf32> to vector<2400x128xf32>
    %slice3A_58 = vector.extract_strided_slice %add3A_56 {offsets = [0, 128], sizes = [2400, 128], strides = [1, 1]} : vector<2400x256xf32> to vector<2400x128xf32>
    %add3A_59 = arith.constant 0.000000e+00 : f32
    %add3A_60 = vector.broadcast %add3A_59 : f32 to vector<2400x128xf32>
    %add3A_61 = arith.addf %add3A_60, %slice3A_58 : vector<2400x128xf32>
    %ge3A = arith.constant 1.000000e+00 : f32
    %ge3A_62 = vector.broadcast %ge3A : f32 to vector<2400x128xf32>
    %ge3A_63 = arith.cmpf oge, %add3A_61, %ge3A_62 : vector<2400x128xf32>
    %convert_element_type3A_64 = arith.extui %ge3A_63 : vector<2400x128xi1> to vector<2400x128xi32>
    %convert_element_type3A_65 = arith.sitofp %convert_element_type3A_64 : vector<2400x128xi32> to vector<2400x128xf32>
    %sub3A = arith.constant 1.000000e+00 : f32
    %sub3A_66 = vector.broadcast %sub3A : f32 to vector<2400x128xf32>
    %sub3A_67 = arith.subf %sub3A_66, %convert_element_type3A_65 : vector<2400x128xf32>
    %mul3A_68 = arith.mulf %add3A_61, %sub3A_67 : vector<2400x128xf32>
    %logistic3A = arith.negf %slice3A_57 : vector<2400x128xf32>
    %logistic3A_69 = math.exp %logistic3A : vector<2400x128xf32>
    %logistic3A_70 = arith.constant 1.000000e+00 : f32
    %logistic3A_71 = vector.broadcast %logistic3A_70 : f32 to vector<2400x128xf32>
    %logistic3A_72 = arith.addf %logistic3A_71, %logistic3A_69 : vector<2400x128xf32>
    %logistic3A_73 = arith.divf %logistic3A_71, %logistic3A_72 : vector<2400x128xf32>
    %mul3A_74 = arith.mulf %logistic3A_73, %convert_element_type3A_65 : vector<2400x128xf32>
    %convert_element_type3A_75 = arith.truncf %mul3A_74 : vector<2400x128xf32> to vector<2400x128xbf16>
    %slice3A_76 = vector.extract_strided_slice %convert_element_type3A_75 {offsets = [0, 0], sizes = [400, 128], strides = [1, 1]} : vector<2400x128xbf16> to vector<400x128xbf16>
    %slice3A_77 = vector.extract_strided_slice %convert_element_type3A_75 {offsets = [400, 0], sizes = [2000, 128], strides = [1, 1]} : vector<2400x128xbf16> to vector<2000x128xbf16>
    %reshape3A_78 = vector.shape_cast %slice3A_77 : vector<2000x128xbf16> to vector<5x400x128xbf16>
    %convert_element_type3A_79 = arith.extf %reshape3A_78 : vector<5x400x128xbf16> to vector<5x400x128xf32>
    %slice3A_80 = vector.extract_strided_slice %convert_element_type3A_79 {offsets = [0, 0, 0], sizes = [1, 400, 128], strides = [1, 1, 1]} : vector<5x400x128xf32> to vector<1x400x128xf32>
    %squeeze3A_81 = vector.shape_cast %slice3A_80 : vector<1x400x128xf32> to vector<400x128xf32>
    %slice3A_82 = vector.extract_strided_slice %convert_element_type3A_79 {offsets = [1, 0, 0], sizes = [1, 400, 128], strides = [1, 1, 1]} : vector<5x400x128xf32> to vector<1x400x128xf32>
    %squeeze3A_83 = vector.shape_cast %slice3A_82 : vector<1x400x128xf32> to vector<400x128xf32>
    %add3A_84 = arith.addf %squeeze3A_81, %squeeze3A_83 : vector<400x128xf32>
    %slice3A_85 = vector.extract_strided_slice %convert_element_type3A_79 {offsets = [2, 0, 0], sizes = [1, 400, 128], strides = [1, 1, 1]} : vector<5x400x128xf32> to vector<1x400x128xf32>
    %squeeze3A_86 = vector.shape_cast %slice3A_85 : vector<1x400x128xf32> to vector<400x128xf32>
    %add3A_87 = arith.addf %add3A_84, %squeeze3A_86 : vector<400x128xf32>
    %slice3A_88 = vector.extract_strided_slice %convert_element_type3A_79 {offsets = [3, 0, 0], sizes = [1, 400, 128], strides = [1, 1, 1]} : vector<5x400x128xf32> to vector<1x400x128xf32>
    %squeeze3A_89 = vector.shape_cast %slice3A_88 : vector<1x400x128xf32> to vector<400x128xf32>
    %add3A_90 = arith.addf %add3A_87, %squeeze3A_89 : vector<400x128xf32>
    %slice3A_91 = vector.extract_strided_slice %convert_element_type3A_79 {offsets = [4, 0, 0], sizes = [1, 400, 128], strides = [1, 1, 1]} : vector<5x400x128xf32> to vector<1x400x128xf32>
    %squeeze3A_92 = vector.shape_cast %slice3A_91 : vector<1x400x128xf32> to vector<400x128xf32>
    %add3A_93 = arith.addf %add3A_90, %squeeze3A_92 : vector<400x128xf32>
    %mul3A_94 = arith.constant 2.000000e-01 : f32
    %mul3A_95 = vector.broadcast %mul3A_94 : f32 to vector<400x128xf32>
    %mul3A_96 = arith.mulf %add3A_93, %mul3A_95 : vector<400x128xf32>
    %convert_element_type3A_97 = arith.truncf %mul3A_96 : vector<400x128xf32> to vector<400x128xbf16>
    %get3A_98 = arith.constant 0 : index
    %get3A_99 = arith.constant 0 : index
    %get3A_100 = arith.constant 0 : index
    %get3A_101 = vector.load %arg7[%get3A_98, %get3A_99, %get3A_100] : memref<3x128x128xbf16, #tpu.memory_space<vmem>>, vector<1x128x128xbf16>
    %get3A_102 = vector.shape_cast %get3A_101 : vector<1x128x128xbf16> to vector<128x128xbf16>
    %dot_general3A_103 = arith.constant dense<0.000000e+00> : vector<400x128xf32>
    %dot_general3A_104 = tpu.matmul %slice3A_76, %get3A_102, %dot_general3A_103 {dimension_numbers = #tpu.dot_dimension_numbers<[1], [0], [0], [1], [0, 0, 1, 1], [], []>, transpose_lhs_hint = false} : vector<400x128xbf16>, vector<128x128xbf16>, vector<400x128xf32> -> vector<400x128xf32>
    %get3A_105 = arith.constant 0 : index
    %get3A_106 = arith.constant 0 : index
    %get3A_107 = arith.constant 0 : index
    %get3A_108 = vector.load %arg8[%get3A_105, %get3A_106, %get3A_107] : memref<3x128x128xbf16, #tpu.memory_space<vmem>>, vector<1x128x128xbf16>
    %get3A_109 = vector.shape_cast %get3A_108 : vector<1x128x128xbf16> to vector<128x128xbf16>
    %dot_general3A_110 = arith.constant dense<0.000000e+00> : vector<400x128xf32>
    %dot_general3A_111 = tpu.matmul %convert_element_type3A_97, %get3A_109, %dot_general3A_110 {dimension_numbers = #tpu.dot_dimension_numbers<[1], [0], [0], [1], [0, 0, 1, 1], [], []>, transpose_lhs_hint = false} : vector<400x128xbf16>, vector<128x128xbf16>, vector<400x128xf32> -> vector<400x128xf32>
    %add3A_112 = arith.addf %dot_general3A_104, %dot_general3A_111 : vector<400x128xf32>
    %get3A_113 = arith.constant 0 : index
    %get3A_114 = arith.constant 0 : index
    %get3A_115 = vector.load %arg9[%get3A_113, %get3A_114] : memref<3x128xf32, #tpu.memory_space<vmem>>, vector<1x128xf32>
    %get3A_116 = vector.shape_cast %get3A_115 : vector<1x128xf32> to vector<128xf32>
    %broadcast_in_dim3A_117 = vector.shape_cast %get3A_116 : vector<128xf32> to vector<1x128xf32>
    %add3A_118 = vector.broadcast %broadcast_in_dim3A_117 : vector<1x128xf32> to vector<400x128xf32>
    %add3A_119 = arith.addf %add3A_112, %add3A_118 : vector<400x128xf32>
    %slice3A_120 = vector.extract_strided_slice %add3A_119 {offsets = [0, 0], sizes = [400, 64], strides = [1, 1]} : vector<400x128xf32> to vector<400x64xf32>
    %slice3A_121 = vector.extract_strided_slice %add3A_119 {offsets = [0, 64], sizes = [400, 64], strides = [1, 1]} : vector<400x128xf32> to vector<400x64xf32>
    %add3A_122 = arith.constant 0.000000e+00 : f32
    %add3A_123 = vector.broadcast %add3A_122 : f32 to vector<400x64xf32>
    %add3A_124 = arith.addf %add3A_123, %slice3A_121 : vector<400x64xf32>
    %ge3A_125 = arith.constant 1.000000e+00 : f32
    %ge3A_126 = vector.broadcast %ge3A_125 : f32 to vector<400x64xf32>
    %ge3A_127 = arith.cmpf oge, %add3A_124, %ge3A_126 : vector<400x64xf32>
    %convert_element_type3A_128 = arith.extui %ge3A_127 : vector<400x64xi1> to vector<400x64xi32>
    %convert_element_type3A_129 = arith.sitofp %convert_element_type3A_128 : vector<400x64xi32> to vector<400x64xf32>
    %sub3A_130 = arith.constant 1.000000e+00 : f32
    %sub3A_131 = vector.broadcast %sub3A_130 : f32 to vector<400x64xf32>
    %sub3A_132 = arith.subf %sub3A_131, %convert_element_type3A_129 : vector<400x64xf32>
    %mul3A_133 = arith.mulf %add3A_124, %sub3A_132 : vector<400x64xf32>
    %logistic3A_134 = arith.negf %slice3A_120 : vector<400x64xf32>
    %logistic3A_135 = math.exp %logistic3A_134 : vector<400x64xf32>
    %logistic3A_136 = arith.constant 1.000000e+00 : f32
    %logistic3A_137 = vector.broadcast %logistic3A_136 : f32 to vector<400x64xf32>
    %logistic3A_138 = arith.addf %logistic3A_137, %logistic3A_135 : vector<400x64xf32>
    %logistic3A_139 = arith.divf %logistic3A_137, %logistic3A_138 : vector<400x64xf32>
    %mul3A_140 = arith.mulf %logistic3A_139, %convert_element_type3A_129 : vector<400x64xf32>
    %get3A_141 = arith.constant 0 : index
    %get3A_142 = arith.constant 0 : index
    %get3A_143 = vector.load %arg10[%get3A_141, %get3A_142] : memref<6x64xf32, #tpu.memory_space<vmem>>, vector<1x64xf32>
    %get3A_144 = vector.shape_cast %get3A_143 : vector<1x64xf32> to vector<64xf32>
    %broadcast_in_dim3A_145 = vector.shape_cast %get3A_144 : vector<64xf32> to vector<1x64xf32>
    %mul3A_146 = vector.broadcast %broadcast_in_dim3A_145 : vector<1x64xf32> to vector<400x64xf32>
    %mul3A_147 = arith.mulf %mul3A_140, %mul3A_146 : vector<400x64xf32>
    %add3A_148 = arith.addf %broadcast_in_dim3A_2, %mul3A_147 : vector<400x64xf32>
    %get3A_149 = arith.constant 1 : index
    %get3A_150 = arith.constant 0 : index
    %get3A_151 = arith.constant 0 : index
    %get3A_152 = vector.load %arg4[%get3A_149, %get3A_150, %get3A_151] : memref<3x128x256xbf16, #tpu.memory_space<vmem>>, vector<1x128x256xbf16>
    %get3A_153 = vector.shape_cast %get3A_152 : vector<1x128x256xbf16> to vector<128x256xbf16>
    %dot_general3A_154 = arith.constant dense<0.000000e+00> : vector<2400x256xf32>
    %dot_general3A_155 = tpu.matmul %concatenate3A, %get3A_153, %dot_general3A_154 {dimension_numbers = #tpu.dot_dimension_numbers<[1], [0], [0], [1], [0, 0, 1, 1], [], []>, transpose_lhs_hint = false} : vector<2400x128xbf16>, vector<128x256xbf16>, vector<2400x256xf32> -> vector<2400x256xf32>
    %get3A_156 = arith.constant 1 : index
    %get3A_157 = arith.constant 0 : index
    %get3A_158 = arith.constant 0 : index
    %get3A_159 = vector.load %arg5[%get3A_156, %get3A_157, %get3A_158] : memref<3x128x256xbf16, #tpu.memory_space<vmem>>, vector<1x128x256xbf16>
    %get3A_160 = vector.shape_cast %get3A_159 : vector<1x128x256xbf16> to vector<128x256xbf16>
    %dot_general3A_161 = arith.constant dense<0.000000e+00> : vector<2400x256xf32>
    %dot_general3A_162 = tpu.matmul %concatenate3A_35, %get3A_160, %dot_general3A_161 {dimension_numbers = #tpu.dot_dimension_numbers<[1], [0], [0], [1], [0, 0, 1, 1], [], []>, transpose_lhs_hint = false} : vector<2400x128xbf16>, vector<128x256xbf16>, vector<2400x256xf32> -> vector<2400x256xf32>
    %add3A_163 = arith.addf %dot_general3A_155, %dot_general3A_162 : vector<2400x256xf32>
    %get3A_164 = arith.constant 1 : index
    %get3A_165 = arith.constant 0 : index
    %get3A_166 = vector.load %arg6[%get3A_164, %get3A_165] : memref<3x256xf32, #tpu.memory_space<vmem>>, vector<1x256xf32>
    %get3A_167 = vector.shape_cast %get3A_166 : vector<1x256xf32> to vector<256xf32>
    %broadcast_in_dim3A_168 = vector.shape_cast %get3A_167 : vector<256xf32> to vector<1x256xf32>
    %add3A_169 = vector.broadcast %broadcast_in_dim3A_168 : vector<1x256xf32> to vector<2400x256xf32>
    %add3A_170 = arith.addf %add3A_163, %add3A_169 : vector<2400x256xf32>
    %slice3A_171 = vector.extract_strided_slice %add3A_170 {offsets = [0, 0], sizes = [2400, 128], strides = [1, 1]} : vector<2400x256xf32> to vector<2400x128xf32>
    %slice3A_172 = vector.extract_strided_slice %add3A_170 {offsets = [0, 128], sizes = [2400, 128], strides = [1, 1]} : vector<2400x256xf32> to vector<2400x128xf32>
    %add3A_173 = arith.constant 0.000000e+00 : f32
    %add3A_174 = vector.broadcast %add3A_173 : f32 to vector<2400x128xf32>
    %add3A_175 = arith.addf %add3A_174, %slice3A_172 : vector<2400x128xf32>
    %ge3A_176 = arith.constant 1.000000e+00 : f32
    %ge3A_177 = vector.broadcast %ge3A_176 : f32 to vector<2400x128xf32>
    %ge3A_178 = arith.cmpf oge, %add3A_175, %ge3A_177 : vector<2400x128xf32>
    %convert_element_type3A_179 = arith.extui %ge3A_178 : vector<2400x128xi1> to vector<2400x128xi32>
    %convert_element_type3A_180 = arith.sitofp %convert_element_type3A_179 : vector<2400x128xi32> to vector<2400x128xf32>
    %sub3A_181 = arith.constant 1.000000e+00 : f32
    %sub3A_182 = vector.broadcast %sub3A_181 : f32 to vector<2400x128xf32>
    %sub3A_183 = arith.subf %sub3A_182, %convert_element_type3A_180 : vector<2400x128xf32>
    %mul3A_184 = arith.mulf %add3A_175, %sub3A_183 : vector<2400x128xf32>
    %logistic3A_185 = arith.negf %slice3A_171 : vector<2400x128xf32>
    %logistic3A_186 = math.exp %logistic3A_185 : vector<2400x128xf32>
    %logistic3A_187 = arith.constant 1.000000e+00 : f32
    %logistic3A_188 = vector.broadcast %logistic3A_187 : f32 to vector<2400x128xf32>
    %logistic3A_189 = arith.addf %logistic3A_188, %logistic3A_186 : vector<2400x128xf32>
    %logistic3A_190 = arith.divf %logistic3A_188, %logistic3A_189 : vector<2400x128xf32>
    %mul3A_191 = arith.mulf %logistic3A_190, %convert_element_type3A_180 : vector<2400x128xf32>
    %convert_element_type3A_192 = arith.truncf %mul3A_191 : vector<2400x128xf32> to vector<2400x128xbf16>
    %slice3A_193 = vector.extract_strided_slice %convert_element_type3A_192 {offsets = [0, 0], sizes = [400, 128], strides = [1, 1]} : vector<2400x128xbf16> to vector<400x128xbf16>
    %slice3A_194 = vector.extract_strided_slice %convert_element_type3A_192 {offsets = [400, 0], sizes = [2000, 128], strides = [1, 1]} : vector<2400x128xbf16> to vector<2000x128xbf16>
    %reshape3A_195 = vector.shape_cast %slice3A_194 : vector<2000x128xbf16> to vector<5x400x128xbf16>
    %convert_element_type3A_196 = arith.extf %reshape3A_195 : vector<5x400x128xbf16> to vector<5x400x128xf32>
    %slice3A_197 = vector.extract_strided_slice %convert_element_type3A_196 {offsets = [0, 0, 0], sizes = [1, 400, 128], strides = [1, 1, 1]} : vector<5x400x128xf32> to vector<1x400x128xf32>
    %squeeze3A_198 = vector.shape_cast %slice3A_197 : vector<1x400x128xf32> to vector<400x128xf32>
    %slice3A_199 = vector.extract_strided_slice %convert_element_type3A_196 {offsets = [1, 0, 0], sizes = [1, 400, 128], strides = [1, 1, 1]} : vector<5x400x128xf32> to vector<1x400x128xf32>
    %squeeze3A_200 = vector.shape_cast %slice3A_199 : vector<1x400x128xf32> to vector<400x128xf32>
    %add3A_201 = arith.addf %squeeze3A_198, %squeeze3A_200 : vector<400x128xf32>
    %slice3A_202 = vector.extract_strided_slice %convert_element_type3A_196 {offsets = [2, 0, 0], sizes = [1, 400, 128], strides = [1, 1, 1]} : vector<5x400x128xf32> to vector<1x400x128xf32>
    %squeeze3A_203 = vector.shape_cast %slice3A_202 : vector<1x400x128xf32> to vector<400x128xf32>
    %add3A_204 = arith.addf %add3A_201, %squeeze3A_203 : vector<400x128xf32>
    %slice3A_205 = vector.extract_strided_slice %convert_element_type3A_196 {offsets = [3, 0, 0], sizes = [1, 400, 128], strides = [1, 1, 1]} : vector<5x400x128xf32> to vector<1x400x128xf32>
    %squeeze3A_206 = vector.shape_cast %slice3A_205 : vector<1x400x128xf32> to vector<400x128xf32>
    %add3A_207 = arith.addf %add3A_204, %squeeze3A_206 : vector<400x128xf32>
    %slice3A_208 = vector.extract_strided_slice %convert_element_type3A_196 {offsets = [4, 0, 0], sizes = [1, 400, 128], strides = [1, 1, 1]} : vector<5x400x128xf32> to vector<1x400x128xf32>
    %squeeze3A_209 = vector.shape_cast %slice3A_208 : vector<1x400x128xf32> to vector<400x128xf32>
    %add3A_210 = arith.addf %add3A_207, %squeeze3A_209 : vector<400x128xf32>
    %mul3A_211 = arith.constant 2.000000e-01 : f32
    %mul3A_212 = vector.broadcast %mul3A_211 : f32 to vector<400x128xf32>
    %mul3A_213 = arith.mulf %add3A_210, %mul3A_212 : vector<400x128xf32>
    %convert_element_type3A_214 = arith.truncf %mul3A_213 : vector<400x128xf32> to vector<400x128xbf16>
    %get3A_215 = arith.constant 1 : index
    %get3A_216 = arith.constant 0 : index
    %get3A_217 = arith.constant 0 : index
    %get3A_218 = vector.load %arg7[%get3A_215, %get3A_216, %get3A_217] : memref<3x128x128xbf16, #tpu.memory_space<vmem>>, vector<1x128x128xbf16>
    %get3A_219 = vector.shape_cast %get3A_218 : vector<1x128x128xbf16> to vector<128x128xbf16>
    %dot_general3A_220 = arith.constant dense<0.000000e+00> : vector<400x128xf32>
    %dot_general3A_221 = tpu.matmul %slice3A_193, %get3A_219, %dot_general3A_220 {dimension_numbers = #tpu.dot_dimension_numbers<[1], [0], [0], [1], [0, 0, 1, 1], [], []>, transpose_lhs_hint = false} : vector<400x128xbf16>, vector<128x128xbf16>, vector<400x128xf32> -> vector<400x128xf32>
    %get3A_222 = arith.constant 1 : index
    %get3A_223 = arith.constant 0 : index
    %get3A_224 = arith.constant 0 : index
    %get3A_225 = vector.load %arg8[%get3A_222, %get3A_223, %get3A_224] : memref<3x128x128xbf16, #tpu.memory_space<vmem>>, vector<1x128x128xbf16>
    %get3A_226 = vector.shape_cast %get3A_225 : vector<1x128x128xbf16> to vector<128x128xbf16>
    %dot_general3A_227 = arith.constant dense<0.000000e+00> : vector<400x128xf32>
    %dot_general3A_228 = tpu.matmul %convert_element_type3A_214, %get3A_226, %dot_general3A_227 {dimension_numbers = #tpu.dot_dimension_numbers<[1], [0], [0], [1], [0, 0, 1, 1], [], []>, transpose_lhs_hint = false} : vector<400x128xbf16>, vector<128x128xbf16>, vector<400x128xf32> -> vector<400x128xf32>
    %add3A_229 = arith.addf %dot_general3A_221, %dot_general3A_228 : vector<400x128xf32>
    %get3A_230 = arith.constant 1 : index
    %get3A_231 = arith.constant 0 : index
    %get3A_232 = vector.load %arg9[%get3A_230, %get3A_231] : memref<3x128xf32, #tpu.memory_space<vmem>>, vector<1x128xf32>
    %get3A_233 = vector.shape_cast %get3A_232 : vector<1x128xf32> to vector<128xf32>
    %broadcast_in_dim3A_234 = vector.shape_cast %get3A_233 : vector<128xf32> to vector<1x128xf32>
    %add3A_235 = vector.broadcast %broadcast_in_dim3A_234 : vector<1x128xf32> to vector<400x128xf32>
    %add3A_236 = arith.addf %add3A_229, %add3A_235 : vector<400x128xf32>
    %slice3A_237 = vector.extract_strided_slice %add3A_236 {offsets = [0, 0], sizes = [400, 64], strides = [1, 1]} : vector<400x128xf32> to vector<400x64xf32>
    %slice3A_238 = vector.extract_strided_slice %add3A_236 {offsets = [0, 64], sizes = [400, 64], strides = [1, 1]} : vector<400x128xf32> to vector<400x64xf32>
    %add3A_239 = arith.constant 0.000000e+00 : f32
    %add3A_240 = vector.broadcast %add3A_239 : f32 to vector<400x64xf32>
    %add3A_241 = arith.addf %add3A_240, %slice3A_238 : vector<400x64xf32>
    %ge3A_242 = arith.constant 1.000000e+00 : f32
    %ge3A_243 = vector.broadcast %ge3A_242 : f32 to vector<400x64xf32>
    %ge3A_244 = arith.cmpf oge, %add3A_241, %ge3A_243 : vector<400x64xf32>
    %convert_element_type3A_245 = arith.extui %ge3A_244 : vector<400x64xi1> to vector<400x64xi32>
    %convert_element_type3A_246 = arith.sitofp %convert_element_type3A_245 : vector<400x64xi32> to vector<400x64xf32>
    %sub3A_247 = arith.constant 1.000000e+00 : f32
    %sub3A_248 = vector.broadcast %sub3A_247 : f32 to vector<400x64xf32>
    %sub3A_249 = arith.subf %sub3A_248, %convert_element_type3A_246 : vector<400x64xf32>
    %mul3A_250 = arith.mulf %add3A_241, %sub3A_249 : vector<400x64xf32>
    %logistic3A_251 = arith.negf %slice3A_237 : vector<400x64xf32>
    %logistic3A_252 = math.exp %logistic3A_251 : vector<400x64xf32>
    %logistic3A_253 = arith.constant 1.000000e+00 : f32
    %logistic3A_254 = vector.broadcast %logistic3A_253 : f32 to vector<400x64xf32>
    %logistic3A_255 = arith.addf %logistic3A_254, %logistic3A_252 : vector<400x64xf32>
    %logistic3A_256 = arith.divf %logistic3A_254, %logistic3A_255 : vector<400x64xf32>
    %mul3A_257 = arith.mulf %logistic3A_256, %convert_element_type3A_246 : vector<400x64xf32>
    %get3A_258 = arith.constant 1 : index
    %get3A_259 = arith.constant 0 : index
    %get3A_260 = vector.load %arg10[%get3A_258, %get3A_259] : memref<6x64xf32, #tpu.memory_space<vmem>>, vector<1x64xf32>
    %get3A_261 = vector.shape_cast %get3A_260 : vector<1x64xf32> to vector<64xf32>
    %broadcast_in_dim3A_262 = vector.shape_cast %get3A_261 : vector<64xf32> to vector<1x64xf32>
    %mul3A_263 = vector.broadcast %broadcast_in_dim3A_262 : vector<1x64xf32> to vector<400x64xf32>
    %mul3A_264 = arith.mulf %mul3A_257, %mul3A_263 : vector<400x64xf32>
    %add3A_265 = arith.addf %add3A_148, %mul3A_264 : vector<400x64xf32>
    %get3A_266 = arith.constant 1 : index
    %get3A_267 = arith.constant 0 : index
    %get3A_268 = arith.constant 0 : index
    %get3A_269 = arith.constant 0 : index
    %get3A_270 = vector.load %arg2[%get3A_266, %get3A_267, %get3A_268, %get3A_269] : memref<3x5x400x128xf32, #tpu.memory_space<vmem>>, vector<1x5x400x128xf32>
    %get3A_271 = vector.shape_cast %get3A_270 : vector<1x5x400x128xf32> to vector<5x400x128xf32>
    %slice3A_272 = vector.extract_strided_slice %get3A_271 {offsets = [0, 0, 0], sizes = [1, 400, 128], strides = [1, 1, 1]} : vector<5x400x128xf32> to vector<1x400x128xf32>
    %squeeze3A_273 = vector.shape_cast %slice3A_272 : vector<1x400x128xf32> to vector<400x128xf32>
    %slice3A_274 = vector.extract_strided_slice %get3A_271 {offsets = [1, 0, 0], sizes = [1, 400, 128], strides = [1, 1, 1]} : vector<5x400x128xf32> to vector<1x400x128xf32>
    %squeeze3A_275 = vector.shape_cast %slice3A_274 : vector<1x400x128xf32> to vector<400x128xf32>
    %add3A_276 = arith.addf %squeeze3A_273, %squeeze3A_275 : vector<400x128xf32>
    %slice3A_277 = vector.extract_strided_slice %get3A_271 {offsets = [2, 0, 0], sizes = [1, 400, 128], strides = [1, 1, 1]} : vector<5x400x128xf32> to vector<1x400x128xf32>
    %squeeze3A_278 = vector.shape_cast %slice3A_277 : vector<1x400x128xf32> to vector<400x128xf32>
    %add3A_279 = arith.addf %add3A_276, %squeeze3A_278 : vector<400x128xf32>
    %slice3A_280 = vector.extract_strided_slice %get3A_271 {offsets = [3, 0, 0], sizes = [1, 400, 128], strides = [1, 1, 1]} : vector<5x400x128xf32> to vector<1x400x128xf32>
    %squeeze3A_281 = vector.shape_cast %slice3A_280 : vector<1x400x128xf32> to vector<400x128xf32>
    %add3A_282 = arith.addf %add3A_279, %squeeze3A_281 : vector<400x128xf32>
    %slice3A_283 = vector.extract_strided_slice %get3A_271 {offsets = [4, 0, 0], sizes = [1, 400, 128], strides = [1, 1, 1]} : vector<5x400x128xf32> to vector<1x400x128xf32>
    %squeeze3A_284 = vector.shape_cast %slice3A_283 : vector<1x400x128xf32> to vector<400x128xf32>
    %add3A_285 = arith.addf %add3A_282, %squeeze3A_284 : vector<400x128xf32>
    %mul3A_286 = arith.constant 2.000000e-01 : f32
    %mul3A_287 = vector.broadcast %mul3A_286 : f32 to vector<400x128xf32>
    %mul3A_288 = arith.mulf %add3A_285, %mul3A_287 : vector<400x128xf32>
    %get3A_289 = arith.constant 1 : index
    %get3A_290 = arith.constant 0 : index
    %get3A_291 = arith.constant 0 : index
    %get3A_292 = arith.constant 0 : index
    %get3A_293 = vector.load %arg3[%get3A_289, %get3A_290, %get3A_291, %get3A_292] : memref<3x5x400x128xf32, #tpu.memory_space<vmem>>, vector<1x5x400x128xf32>
    %get3A_294 = vector.shape_cast %get3A_293 : vector<1x5x400x128xf32> to vector<5x400x128xf32>
    %mul3A_295 = arith.constant 5.000000e-01 : f32
    %mul3A_296 = vector.broadcast %mul3A_295 : f32 to vector<5x400x128xf32>
    %mul3A_297 = arith.mulf %get3A_294, %mul3A_296 : vector<5x400x128xf32>
    %convert_element_type3A_298 = arith.truncf %get3A_271 : vector<5x400x128xf32> to vector<5x400x128xbf16>
    %reshape3A_299 = vector.shape_cast %convert_element_type3A_298 : vector<5x400x128xbf16> to vector<2000x128xbf16>
    %concatenate3A_300 = tpu.concatenate %convert_element_type3A, %reshape3A_299 in 0 : vector<400x128xbf16>, vector<2000x128xbf16> -> vector<2400x128xbf16>
    %convert_element_type3A_301 = arith.truncf %mul3A_288 : vector<400x128xf32> to vector<400x128xbf16>
    %convert_element_type3A_302 = arith.truncf %mul3A_297 : vector<5x400x128xf32> to vector<5x400x128xbf16>
    %reshape3A_303 = vector.shape_cast %convert_element_type3A_302 : vector<5x400x128xbf16> to vector<2000x128xbf16>
    %concatenate3A_304 = tpu.concatenate %convert_element_type3A_301, %reshape3A_303 in 0 : vector<400x128xbf16>, vector<2000x128xbf16> -> vector<2400x128xbf16>
    %get3A_305 = arith.constant 0 : index
    %get3A_306 = arith.constant 0 : index
    %get3A_307 = arith.constant 0 : index
    %get3A_308 = vector.load %arg4[%get3A_305, %get3A_306, %get3A_307] : memref<3x128x256xbf16, #tpu.memory_space<vmem>>, vector<1x128x256xbf16>
    %get3A_309 = vector.shape_cast %get3A_308 : vector<1x128x256xbf16> to vector<128x256xbf16>
    %dot_general3A_310 = arith.constant dense<0.000000e+00> : vector<2400x256xf32>
    %dot_general3A_311 = tpu.matmul %concatenate3A_300, %get3A_309, %dot_general3A_310 {dimension_numbers = #tpu.dot_dimension_numbers<[1], [0], [0], [1], [0, 0, 1, 1], [], []>, transpose_lhs_hint = false} : vector<2400x128xbf16>, vector<128x256xbf16>, vector<2400x256xf32> -> vector<2400x256xf32>
    %get3A_312 = arith.constant 0 : index
    %get3A_313 = arith.constant 0 : index
    %get3A_314 = arith.constant 0 : index
    %get3A_315 = vector.load %arg5[%get3A_312, %get3A_313, %get3A_314] : memref<3x128x256xbf16, #tpu.memory_space<vmem>>, vector<1x128x256xbf16>
    %get3A_316 = vector.shape_cast %get3A_315 : vector<1x128x256xbf16> to vector<128x256xbf16>
    %dot_general3A_317 = arith.constant dense<0.000000e+00> : vector<2400x256xf32>
    %dot_general3A_318 = tpu.matmul %concatenate3A_304, %get3A_316, %dot_general3A_317 {dimension_numbers = #tpu.dot_dimension_numbers<[1], [0], [0], [1], [0, 0, 1, 1], [], []>, transpose_lhs_hint = false} : vector<2400x128xbf16>, vector<128x256xbf16>, vector<2400x256xf32> -> vector<2400x256xf32>
    %add3A_319 = arith.addf %dot_general3A_311, %dot_general3A_318 : vector<2400x256xf32>
    %get3A_320 = arith.constant 0 : index
    %get3A_321 = arith.constant 0 : index
    %get3A_322 = vector.load %arg6[%get3A_320, %get3A_321] : memref<3x256xf32, #tpu.memory_space<vmem>>, vector<1x256xf32>
    %get3A_323 = vector.shape_cast %get3A_322 : vector<1x256xf32> to vector<256xf32>
    %broadcast_in_dim3A_324 = vector.shape_cast %get3A_323 : vector<256xf32> to vector<1x256xf32>
    %add3A_325 = vector.broadcast %broadcast_in_dim3A_324 : vector<1x256xf32> to vector<2400x256xf32>
    %add3A_326 = arith.addf %add3A_319, %add3A_325 : vector<2400x256xf32>
    %slice3A_327 = vector.extract_strided_slice %add3A_326 {offsets = [0, 0], sizes = [2400, 128], strides = [1, 1]} : vector<2400x256xf32> to vector<2400x128xf32>
    %slice3A_328 = vector.extract_strided_slice %add3A_326 {offsets = [0, 128], sizes = [2400, 128], strides = [1, 1]} : vector<2400x256xf32> to vector<2400x128xf32>
    %add3A_329 = arith.addf %mul3A_68, %slice3A_328 : vector<2400x128xf32>
    %ge3A_330 = arith.constant 1.000000e+00 : f32
    %ge3A_331 = vector.broadcast %ge3A_330 : f32 to vector<2400x128xf32>
    %ge3A_332 = arith.cmpf oge, %add3A_329, %ge3A_331 : vector<2400x128xf32>
    %convert_element_type3A_333 = arith.extui %ge3A_332 : vector<2400x128xi1> to vector<2400x128xi32>
    %convert_element_type3A_334 = arith.sitofp %convert_element_type3A_333 : vector<2400x128xi32> to vector<2400x128xf32>
    %sub3A_335 = arith.constant 1.000000e+00 : f32
    %sub3A_336 = vector.broadcast %sub3A_335 : f32 to vector<2400x128xf32>
    %sub3A_337 = arith.subf %sub3A_336, %convert_element_type3A_334 : vector<2400x128xf32>
    %mul3A_338 = arith.mulf %add3A_329, %sub3A_337 : vector<2400x128xf32>
    %logistic3A_339 = arith.negf %slice3A_327 : vector<2400x128xf32>
    %logistic3A_340 = math.exp %logistic3A_339 : vector<2400x128xf32>
    %logistic3A_341 = arith.constant 1.000000e+00 : f32
    %logistic3A_342 = vector.broadcast %logistic3A_341 : f32 to vector<2400x128xf32>
    %logistic3A_343 = arith.addf %logistic3A_342, %logistic3A_340 : vector<2400x128xf32>
    %logistic3A_344 = arith.divf %logistic3A_342, %logistic3A_343 : vector<2400x128xf32>
    %mul3A_345 = arith.mulf %logistic3A_344, %convert_element_type3A_334 : vector<2400x128xf32>
    %convert_element_type3A_346 = arith.truncf %mul3A_345 : vector<2400x128xf32> to vector<2400x128xbf16>
    %slice3A_347 = vector.extract_strided_slice %convert_element_type3A_346 {offsets = [0, 0], sizes = [400, 128], strides = [1, 1]} : vector<2400x128xbf16> to vector<400x128xbf16>
    %slice3A_348 = vector.extract_strided_slice %convert_element_type3A_346 {offsets = [400, 0], sizes = [2000, 128], strides = [1, 1]} : vector<2400x128xbf16> to vector<2000x128xbf16>
    %reshape3A_349 = vector.shape_cast %slice3A_348 : vector<2000x128xbf16> to vector<5x400x128xbf16>
    %convert_element_type3A_350 = arith.extf %reshape3A_349 : vector<5x400x128xbf16> to vector<5x400x128xf32>
    %slice3A_351 = vector.extract_strided_slice %convert_element_type3A_350 {offsets = [0, 0, 0], sizes = [1, 400, 128], strides = [1, 1, 1]} : vector<5x400x128xf32> to vector<1x400x128xf32>
    %squeeze3A_352 = vector.shape_cast %slice3A_351 : vector<1x400x128xf32> to vector<400x128xf32>
    %slice3A_353 = vector.extract_strided_slice %convert_element_type3A_350 {offsets = [1, 0, 0], sizes = [1, 400, 128], strides = [1, 1, 1]} : vector<5x400x128xf32> to vector<1x400x128xf32>
    %squeeze3A_354 = vector.shape_cast %slice3A_353 : vector<1x400x128xf32> to vector<400x128xf32>
    %add3A_355 = arith.addf %squeeze3A_352, %squeeze3A_354 : vector<400x128xf32>
    %slice3A_356 = vector.extract_strided_slice %convert_element_type3A_350 {offsets = [2, 0, 0], sizes = [1, 400, 128], strides = [1, 1, 1]} : vector<5x400x128xf32> to vector<1x400x128xf32>
    %squeeze3A_357 = vector.shape_cast %slice3A_356 : vector<1x400x128xf32> to vector<400x128xf32>
    %add3A_358 = arith.addf %add3A_355, %squeeze3A_357 : vector<400x128xf32>
    %slice3A_359 = vector.extract_strided_slice %convert_element_type3A_350 {offsets = [3, 0, 0], sizes = [1, 400, 128], strides = [1, 1, 1]} : vector<5x400x128xf32> to vector<1x400x128xf32>
    %squeeze3A_360 = vector.shape_cast %slice3A_359 : vector<1x400x128xf32> to vector<400x128xf32>
    %add3A_361 = arith.addf %add3A_358, %squeeze3A_360 : vector<400x128xf32>
    %slice3A_362 = vector.extract_strided_slice %convert_element_type3A_350 {offsets = [4, 0, 0], sizes = [1, 400, 128], strides = [1, 1, 1]} : vector<5x400x128xf32> to vector<1x400x128xf32>
    %squeeze3A_363 = vector.shape_cast %slice3A_362 : vector<1x400x128xf32> to vector<400x128xf32>
    %add3A_364 = arith.addf %add3A_361, %squeeze3A_363 : vector<400x128xf32>
    %mul3A_365 = arith.constant 2.000000e-01 : f32
    %mul3A_366 = vector.broadcast %mul3A_365 : f32 to vector<400x128xf32>
    %mul3A_367 = arith.mulf %add3A_364, %mul3A_366 : vector<400x128xf32>
    %convert_element_type3A_368 = arith.truncf %mul3A_367 : vector<400x128xf32> to vector<400x128xbf16>
    %get3A_369 = arith.constant 0 : index
    %get3A_370 = arith.constant 0 : index
    %get3A_371 = arith.constant 0 : index
    %get3A_372 = vector.load %arg7[%get3A_369, %get3A_370, %get3A_371] : memref<3x128x128xbf16, #tpu.memory_space<vmem>>, vector<1x128x128xbf16>
    %get3A_373 = vector.shape_cast %get3A_372 : vector<1x128x128xbf16> to vector<128x128xbf16>
    %dot_general3A_374 = arith.constant dense<0.000000e+00> : vector<400x128xf32>
    %dot_general3A_375 = tpu.matmul %slice3A_347, %get3A_373, %dot_general3A_374 {dimension_numbers = #tpu.dot_dimension_numbers<[1], [0], [0], [1], [0, 0, 1, 1], [], []>, transpose_lhs_hint = false} : vector<400x128xbf16>, vector<128x128xbf16>, vector<400x128xf32> -> vector<400x128xf32>
    %get3A_376 = arith.constant 0 : index
    %get3A_377 = arith.constant 0 : index
    %get3A_378 = arith.constant 0 : index
    %get3A_379 = vector.load %arg8[%get3A_376, %get3A_377, %get3A_378] : memref<3x128x128xbf16, #tpu.memory_space<vmem>>, vector<1x128x128xbf16>
    %get3A_380 = vector.shape_cast %get3A_379 : vector<1x128x128xbf16> to vector<128x128xbf16>
    %dot_general3A_381 = arith.constant dense<0.000000e+00> : vector<400x128xf32>
    %dot_general3A_382 = tpu.matmul %convert_element_type3A_368, %get3A_380, %dot_general3A_381 {dimension_numbers = #tpu.dot_dimension_numbers<[1], [0], [0], [1], [0, 0, 1, 1], [], []>, transpose_lhs_hint = false} : vector<400x128xbf16>, vector<128x128xbf16>, vector<400x128xf32> -> vector<400x128xf32>
    %add3A_383 = arith.addf %dot_general3A_375, %dot_general3A_382 : vector<400x128xf32>
    %get3A_384 = arith.constant 0 : index
    %get3A_385 = arith.constant 0 : index
    %get3A_386 = vector.load %arg9[%get3A_384, %get3A_385] : memref<3x128xf32, #tpu.memory_space<vmem>>, vector<1x128xf32>
    %get3A_387 = vector.shape_cast %get3A_386 : vector<1x128xf32> to vector<128xf32>
    %broadcast_in_dim3A_388 = vector.shape_cast %get3A_387 : vector<128xf32> to vector<1x128xf32>
    %add3A_389 = vector.broadcast %broadcast_in_dim3A_388 : vector<1x128xf32> to vector<400x128xf32>
    %add3A_390 = arith.addf %add3A_383, %add3A_389 : vector<400x128xf32>
    %slice3A_391 = vector.extract_strided_slice %add3A_390 {offsets = [0, 0], sizes = [400, 64], strides = [1, 1]} : vector<400x128xf32> to vector<400x64xf32>
    %slice3A_392 = vector.extract_strided_slice %add3A_390 {offsets = [0, 64], sizes = [400, 64], strides = [1, 1]} : vector<400x128xf32> to vector<400x64xf32>
    %add3A_393 = arith.addf %mul3A_133, %slice3A_392 : vector<400x64xf32>
    %ge3A_394 = arith.constant 1.000000e+00 : f32
    %ge3A_395 = vector.broadcast %ge3A_394 : f32 to vector<400x64xf32>
    %ge3A_396 = arith.cmpf oge, %add3A_393, %ge3A_395 : vector<400x64xf32>
    %convert_element_type3A_397 = arith.extui %ge3A_396 : vector<400x64xi1> to vector<400x64xi32>
    %convert_element_type3A_398 = arith.sitofp %convert_element_type3A_397 : vector<400x64xi32> to vector<400x64xf32>
    %sub3A_399 = arith.constant 1.000000e+00 : f32
    %sub3A_400 = vector.broadcast %sub3A_399 : f32 to vector<400x64xf32>
    %sub3A_401 = arith.subf %sub3A_400, %convert_element_type3A_398 : vector<400x64xf32>
    %mul3A_402 = arith.mulf %add3A_393, %sub3A_401 : vector<400x64xf32>
    %logistic3A_403 = arith.negf %slice3A_391 : vector<400x64xf32>
    %logistic3A_404 = math.exp %logistic3A_403 : vector<400x64xf32>
    %logistic3A_405 = arith.constant 1.000000e+00 : f32
    %logistic3A_406 = vector.broadcast %logistic3A_405 : f32 to vector<400x64xf32>
    %logistic3A_407 = arith.addf %logistic3A_406, %logistic3A_404 : vector<400x64xf32>
    %logistic3A_408 = arith.divf %logistic3A_406, %logistic3A_407 : vector<400x64xf32>
    %mul3A_409 = arith.mulf %logistic3A_408, %convert_element_type3A_398 : vector<400x64xf32>
    %get3A_410 = arith.constant 2 : index
    %get3A_411 = arith.constant 0 : index
    %get3A_412 = vector.load %arg10[%get3A_410, %get3A_411] : memref<6x64xf32, #tpu.memory_space<vmem>>, vector<1x64xf32>
    %get3A_413 = vector.shape_cast %get3A_412 : vector<1x64xf32> to vector<64xf32>
    %broadcast_in_dim3A_414 = vector.shape_cast %get3A_413 : vector<64xf32> to vector<1x64xf32>
    %mul3A_415 = vector.broadcast %broadcast_in_dim3A_414 : vector<1x64xf32> to vector<400x64xf32>
    %mul3A_416 = arith.mulf %mul3A_409, %mul3A_415 : vector<400x64xf32>
    %add3A_417 = arith.addf %add3A_265, %mul3A_416 : vector<400x64xf32>
    %get3A_418 = arith.constant 2 : index
    %get3A_419 = arith.constant 0 : index
    %get3A_420 = arith.constant 0 : index
    %get3A_421 = arith.constant 0 : index
    %get3A_422 = vector.load %arg2[%get3A_418, %get3A_419, %get3A_420, %get3A_421] : memref<3x5x400x128xf32, #tpu.memory_space<vmem>>, vector<1x5x400x128xf32>
    %get3A_423 = vector.shape_cast %get3A_422 : vector<1x5x400x128xf32> to vector<5x400x128xf32>
    %slice3A_424 = vector.extract_strided_slice %get3A_423 {offsets = [0, 0, 0], sizes = [1, 400, 128], strides = [1, 1, 1]} : vector<5x400x128xf32> to vector<1x400x128xf32>
    %squeeze3A_425 = vector.shape_cast %slice3A_424 : vector<1x400x128xf32> to vector<400x128xf32>
    %slice3A_426 = vector.extract_strided_slice %get3A_423 {offsets = [1, 0, 0], sizes = [1, 400, 128], strides = [1, 1, 1]} : vector<5x400x128xf32> to vector<1x400x128xf32>
    %squeeze3A_427 = vector.shape_cast %slice3A_426 : vector<1x400x128xf32> to vector<400x128xf32>
    %add3A_428 = arith.addf %squeeze3A_425, %squeeze3A_427 : vector<400x128xf32>
    %slice3A_429 = vector.extract_strided_slice %get3A_423 {offsets = [2, 0, 0], sizes = [1, 400, 128], strides = [1, 1, 1]} : vector<5x400x128xf32> to vector<1x400x128xf32>
    %squeeze3A_430 = vector.shape_cast %slice3A_429 : vector<1x400x128xf32> to vector<400x128xf32>
    %add3A_431 = arith.addf %add3A_428, %squeeze3A_430 : vector<400x128xf32>
    %slice3A_432 = vector.extract_strided_slice %get3A_423 {offsets = [3, 0, 0], sizes = [1, 400, 128], strides = [1, 1, 1]} : vector<5x400x128xf32> to vector<1x400x128xf32>
    %squeeze3A_433 = vector.shape_cast %slice3A_432 : vector<1x400x128xf32> to vector<400x128xf32>
    %add3A_434 = arith.addf %add3A_431, %squeeze3A_433 : vector<400x128xf32>
    %slice3A_435 = vector.extract_strided_slice %get3A_423 {offsets = [4, 0, 0], sizes = [1, 400, 128], strides = [1, 1, 1]} : vector<5x400x128xf32> to vector<1x400x128xf32>
    %squeeze3A_436 = vector.shape_cast %slice3A_435 : vector<1x400x128xf32> to vector<400x128xf32>
    %add3A_437 = arith.addf %add3A_434, %squeeze3A_436 : vector<400x128xf32>
    %mul3A_438 = arith.constant 2.000000e-01 : f32
    %mul3A_439 = vector.broadcast %mul3A_438 : f32 to vector<400x128xf32>
    %mul3A_440 = arith.mulf %add3A_437, %mul3A_439 : vector<400x128xf32>
    %get3A_441 = arith.constant 2 : index
    %get3A_442 = arith.constant 0 : index
    %get3A_443 = arith.constant 0 : index
    %get3A_444 = arith.constant 0 : index
    %get3A_445 = vector.load %arg3[%get3A_441, %get3A_442, %get3A_443, %get3A_444] : memref<3x5x400x128xf32, #tpu.memory_space<vmem>>, vector<1x5x400x128xf32>
    %get3A_446 = vector.shape_cast %get3A_445 : vector<1x5x400x128xf32> to vector<5x400x128xf32>
    %mul3A_447 = arith.constant 5.000000e-01 : f32
    %mul3A_448 = vector.broadcast %mul3A_447 : f32 to vector<5x400x128xf32>
    %mul3A_449 = arith.mulf %get3A_446, %mul3A_448 : vector<5x400x128xf32>
    %convert_element_type3A_450 = arith.truncf %get3A_423 : vector<5x400x128xf32> to vector<5x400x128xbf16>
    %reshape3A_451 = vector.shape_cast %convert_element_type3A_450 : vector<5x400x128xbf16> to vector<2000x128xbf16>
    %concatenate3A_452 = tpu.concatenate %convert_element_type3A, %reshape3A_451 in 0 : vector<400x128xbf16>, vector<2000x128xbf16> -> vector<2400x128xbf16>
    %convert_element_type3A_453 = arith.truncf %mul3A_440 : vector<400x128xf32> to vector<400x128xbf16>
    %convert_element_type3A_454 = arith.truncf %mul3A_449 : vector<5x400x128xf32> to vector<5x400x128xbf16>
    %reshape3A_455 = vector.shape_cast %convert_element_type3A_454 : vector<5x400x128xbf16> to vector<2000x128xbf16>
    %concatenate3A_456 = tpu.concatenate %convert_element_type3A_453, %reshape3A_455 in 0 : vector<400x128xbf16>, vector<2000x128xbf16> -> vector<2400x128xbf16>
    %get3A_457 = arith.constant 0 : index
    %get3A_458 = arith.constant 0 : index
    %get3A_459 = arith.constant 0 : index
    %get3A_460 = vector.load %arg4[%get3A_457, %get3A_458, %get3A_459] : memref<3x128x256xbf16, #tpu.memory_space<vmem>>, vector<1x128x256xbf16>
    %get3A_461 = vector.shape_cast %get3A_460 : vector<1x128x256xbf16> to vector<128x256xbf16>
    %dot_general3A_462 = arith.constant dense<0.000000e+00> : vector<2400x256xf32>
    %dot_general3A_463 = tpu.matmul %concatenate3A_452, %get3A_461, %dot_general3A_462 {dimension_numbers = #tpu.dot_dimension_numbers<[1], [0], [0], [1], [0, 0, 1, 1], [], []>, transpose_lhs_hint = false} : vector<2400x128xbf16>, vector<128x256xbf16>, vector<2400x256xf32> -> vector<2400x256xf32>
    %get3A_464 = arith.constant 0 : index
    %get3A_465 = arith.constant 0 : index
    %get3A_466 = arith.constant 0 : index
    %get3A_467 = vector.load %arg5[%get3A_464, %get3A_465, %get3A_466] : memref<3x128x256xbf16, #tpu.memory_space<vmem>>, vector<1x128x256xbf16>
    %get3A_468 = vector.shape_cast %get3A_467 : vector<1x128x256xbf16> to vector<128x256xbf16>
    %dot_general3A_469 = arith.constant dense<0.000000e+00> : vector<2400x256xf32>
    %dot_general3A_470 = tpu.matmul %concatenate3A_456, %get3A_468, %dot_general3A_469 {dimension_numbers = #tpu.dot_dimension_numbers<[1], [0], [0], [1], [0, 0, 1, 1], [], []>, transpose_lhs_hint = false} : vector<2400x128xbf16>, vector<128x256xbf16>, vector<2400x256xf32> -> vector<2400x256xf32>
    %add3A_471 = arith.addf %dot_general3A_463, %dot_general3A_470 : vector<2400x256xf32>
    %get3A_472 = arith.constant 0 : index
    %get3A_473 = arith.constant 0 : index
    %get3A_474 = vector.load %arg6[%get3A_472, %get3A_473] : memref<3x256xf32, #tpu.memory_space<vmem>>, vector<1x256xf32>
    %get3A_475 = vector.shape_cast %get3A_474 : vector<1x256xf32> to vector<256xf32>
    %broadcast_in_dim3A_476 = vector.shape_cast %get3A_475 : vector<256xf32> to vector<1x256xf32>
    %add3A_477 = vector.broadcast %broadcast_in_dim3A_476 : vector<1x256xf32> to vector<2400x256xf32>
    %add3A_478 = arith.addf %add3A_471, %add3A_477 : vector<2400x256xf32>
    %slice3A_479 = vector.extract_strided_slice %add3A_478 {offsets = [0, 0], sizes = [2400, 128], strides = [1, 1]} : vector<2400x256xf32> to vector<2400x128xf32>
    %slice3A_480 = vector.extract_strided_slice %add3A_478 {offsets = [0, 128], sizes = [2400, 128], strides = [1, 1]} : vector<2400x256xf32> to vector<2400x128xf32>
    %add3A_481 = arith.addf %mul3A_338, %slice3A_480 : vector<2400x128xf32>
    %ge3A_482 = arith.constant 1.000000e+00 : f32
    %ge3A_483 = vector.broadcast %ge3A_482 : f32 to vector<2400x128xf32>
    %ge3A_484 = arith.cmpf oge, %add3A_481, %ge3A_483 : vector<2400x128xf32>
    %convert_element_type3A_485 = arith.extui %ge3A_484 : vector<2400x128xi1> to vector<2400x128xi32>
    %convert_element_type3A_486 = arith.sitofp %convert_element_type3A_485 : vector<2400x128xi32> to vector<2400x128xf32>
    %logistic3A_487 = arith.negf %slice3A_479 : vector<2400x128xf32>
    %logistic3A_488 = math.exp %logistic3A_487 : vector<2400x128xf32>
    %logistic3A_489 = arith.constant 1.000000e+00 : f32
    %logistic3A_490 = vector.broadcast %logistic3A_489 : f32 to vector<2400x128xf32>
    %logistic3A_491 = arith.addf %logistic3A_490, %logistic3A_488 : vector<2400x128xf32>
    %logistic3A_492 = arith.divf %logistic3A_490, %logistic3A_491 : vector<2400x128xf32>
    %mul3A_493 = arith.mulf %logistic3A_492, %convert_element_type3A_486 : vector<2400x128xf32>
    %convert_element_type3A_494 = arith.truncf %mul3A_493 : vector<2400x128xf32> to vector<2400x128xbf16>
    %slice3A_495 = vector.extract_strided_slice %convert_element_type3A_494 {offsets = [0, 0], sizes = [400, 128], strides = [1, 1]} : vector<2400x128xbf16> to vector<400x128xbf16>
    %slice3A_496 = vector.extract_strided_slice %convert_element_type3A_494 {offsets = [400, 0], sizes = [2000, 128], strides = [1, 1]} : vector<2400x128xbf16> to vector<2000x128xbf16>
    %reshape3A_497 = vector.shape_cast %slice3A_496 : vector<2000x128xbf16> to vector<5x400x128xbf16>
    %convert_element_type3A_498 = arith.extf %reshape3A_497 : vector<5x400x128xbf16> to vector<5x400x128xf32>
    %slice3A_499 = vector.extract_strided_slice %convert_element_type3A_498 {offsets = [0, 0, 0], sizes = [1, 400, 128], strides = [1, 1, 1]} : vector<5x400x128xf32> to vector<1x400x128xf32>
    %squeeze3A_500 = vector.shape_cast %slice3A_499 : vector<1x400x128xf32> to vector<400x128xf32>
    %slice3A_501 = vector.extract_strided_slice %convert_element_type3A_498 {offsets = [1, 0, 0], sizes = [1, 400, 128], strides = [1, 1, 1]} : vector<5x400x128xf32> to vector<1x400x128xf32>
    %squeeze3A_502 = vector.shape_cast %slice3A_501 : vector<1x400x128xf32> to vector<400x128xf32>
    %add3A_503 = arith.addf %squeeze3A_500, %squeeze3A_502 : vector<400x128xf32>
    %slice3A_504 = vector.extract_strided_slice %convert_element_type3A_498 {offsets = [2, 0, 0], sizes = [1, 400, 128], strides = [1, 1, 1]} : vector<5x400x128xf32> to vector<1x400x128xf32>
    %squeeze3A_505 = vector.shape_cast %slice3A_504 : vector<1x400x128xf32> to vector<400x128xf32>
    %add3A_506 = arith.addf %add3A_503, %squeeze3A_505 : vector<400x128xf32>
    %slice3A_507 = vector.extract_strided_slice %convert_element_type3A_498 {offsets = [3, 0, 0], sizes = [1, 400, 128], strides = [1, 1, 1]} : vector<5x400x128xf32> to vector<1x400x128xf32>
    %squeeze3A_508 = vector.shape_cast %slice3A_507 : vector<1x400x128xf32> to vector<400x128xf32>
    %add3A_509 = arith.addf %add3A_506, %squeeze3A_508 : vector<400x128xf32>
    %slice3A_510 = vector.extract_strided_slice %convert_element_type3A_498 {offsets = [4, 0, 0], sizes = [1, 400, 128], strides = [1, 1, 1]} : vector<5x400x128xf32> to vector<1x400x128xf32>
    %squeeze3A_511 = vector.shape_cast %slice3A_510 : vector<1x400x128xf32> to vector<400x128xf32>
    %add3A_512 = arith.addf %add3A_509, %squeeze3A_511 : vector<400x128xf32>
    %mul3A_513 = arith.constant 2.000000e-01 : f32
    %mul3A_514 = vector.broadcast %mul3A_513 : f32 to vector<400x128xf32>
    %mul3A_515 = arith.mulf %add3A_512, %mul3A_514 : vector<400x128xf32>
    %convert_element_type3A_516 = arith.truncf %mul3A_515 : vector<400x128xf32> to vector<400x128xbf16>
    %get3A_517 = arith.constant 0 : index
    %get3A_518 = arith.constant 0 : index
    %get3A_519 = arith.constant 0 : index
    %get3A_520 = vector.load %arg7[%get3A_517, %get3A_518, %get3A_519] : memref<3x128x128xbf16, #tpu.memory_space<vmem>>, vector<1x128x128xbf16>
    %get3A_521 = vector.shape_cast %get3A_520 : vector<1x128x128xbf16> to vector<128x128xbf16>
    %dot_general3A_522 = arith.constant dense<0.000000e+00> : vector<400x128xf32>
    %dot_general3A_523 = tpu.matmul %slice3A_495, %get3A_521, %dot_general3A_522 {dimension_numbers = #tpu.dot_dimension_numbers<[1], [0], [0], [1], [0, 0, 1, 1], [], []>, transpose_lhs_hint = false} : vector<400x128xbf16>, vector<128x128xbf16>, vector<400x128xf32> -> vector<400x128xf32>
    %get3A_524 = arith.constant 0 : index
    %get3A_525 = arith.constant 0 : index
    %get3A_526 = arith.constant 0 : index
    %get3A_527 = vector.load %arg8[%get3A_524, %get3A_525, %get3A_526] : memref<3x128x128xbf16, #tpu.memory_space<vmem>>, vector<1x128x128xbf16>
    %get3A_528 = vector.shape_cast %get3A_527 : vector<1x128x128xbf16> to vector<128x128xbf16>
    %dot_general3A_529 = arith.constant dense<0.000000e+00> : vector<400x128xf32>
    %dot_general3A_530 = tpu.matmul %convert_element_type3A_516, %get3A_528, %dot_general3A_529 {dimension_numbers = #tpu.dot_dimension_numbers<[1], [0], [0], [1], [0, 0, 1, 1], [], []>, transpose_lhs_hint = false} : vector<400x128xbf16>, vector<128x128xbf16>, vector<400x128xf32> -> vector<400x128xf32>
    %add3A_531 = arith.addf %dot_general3A_523, %dot_general3A_530 : vector<400x128xf32>
    %get3A_532 = arith.constant 0 : index
    %get3A_533 = arith.constant 0 : index
    %get3A_534 = vector.load %arg9[%get3A_532, %get3A_533] : memref<3x128xf32, #tpu.memory_space<vmem>>, vector<1x128xf32>
    %get3A_535 = vector.shape_cast %get3A_534 : vector<1x128xf32> to vector<128xf32>
    %broadcast_in_dim3A_536 = vector.shape_cast %get3A_535 : vector<128xf32> to vector<1x128xf32>
    %add3A_537 = vector.broadcast %broadcast_in_dim3A_536 : vector<1x128xf32> to vector<400x128xf32>
    %add3A_538 = arith.addf %add3A_531, %add3A_537 : vector<400x128xf32>
    %slice3A_539 = vector.extract_strided_slice %add3A_538 {offsets = [0, 0], sizes = [400, 64], strides = [1, 1]} : vector<400x128xf32> to vector<400x64xf32>
    %slice3A_540 = vector.extract_strided_slice %add3A_538 {offsets = [0, 64], sizes = [400, 64], strides = [1, 1]} : vector<400x128xf32> to vector<400x64xf32>
    %add3A_541 = arith.addf %mul3A_402, %slice3A_540 : vector<400x64xf32>
    %ge3A_542 = arith.constant 1.000000e+00 : f32
    %ge3A_543 = vector.broadcast %ge3A_542 : f32 to vector<400x64xf32>
    %ge3A_544 = arith.cmpf oge, %add3A_541, %ge3A_543 : vector<400x64xf32>
    %convert_element_type3A_545 = arith.extui %ge3A_544 : vector<400x64xi1> to vector<400x64xi32>
    %convert_element_type3A_546 = arith.sitofp %convert_element_type3A_545 : vector<400x64xi32> to vector<400x64xf32>
    %logistic3A_547 = arith.negf %slice3A_539 : vector<400x64xf32>
    %logistic3A_548 = math.exp %logistic3A_547 : vector<400x64xf32>
    %logistic3A_549 = arith.constant 1.000000e+00 : f32
    %logistic3A_550 = vector.broadcast %logistic3A_549 : f32 to vector<400x64xf32>
    %logistic3A_551 = arith.addf %logistic3A_550, %logistic3A_548 : vector<400x64xf32>
    %logistic3A_552 = arith.divf %logistic3A_550, %logistic3A_551 : vector<400x64xf32>
    %mul3A_553 = arith.mulf %logistic3A_552, %convert_element_type3A_546 : vector<400x64xf32>
    %get3A_554 = arith.constant 3 : index
    %get3A_555 = arith.constant 0 : index
    %get3A_556 = vector.load %arg10[%get3A_554, %get3A_555] : memref<6x64xf32, #tpu.memory_space<vmem>>, vector<1x64xf32>
    %get3A_557 = vector.shape_cast %get3A_556 : vector<1x64xf32> to vector<64xf32>
    %broadcast_in_dim3A_558 = vector.shape_cast %get3A_557 : vector<64xf32> to vector<1x64xf32>
    %mul3A_559 = vector.broadcast %broadcast_in_dim3A_558 : vector<1x64xf32> to vector<400x64xf32>
    %mul3A_560 = arith.mulf %mul3A_553, %mul3A_559 : vector<400x64xf32>
    %add3A_561 = arith.addf %add3A_417, %mul3A_560 : vector<400x64xf32>
    %get3A_562 = arith.constant 1 : index
    %get3A_563 = arith.constant 0 : index
    %get3A_564 = arith.constant 0 : index
    %get3A_565 = vector.load %arg4[%get3A_562, %get3A_563, %get3A_564] : memref<3x128x256xbf16, #tpu.memory_space<vmem>>, vector<1x128x256xbf16>
    %get3A_566 = vector.shape_cast %get3A_565 : vector<1x128x256xbf16> to vector<128x256xbf16>
    %dot_general3A_567 = arith.constant dense<0.000000e+00> : vector<2400x256xf32>
    %dot_general3A_568 = tpu.matmul %concatenate3A_452, %get3A_566, %dot_general3A_567 {dimension_numbers = #tpu.dot_dimension_numbers<[1], [0], [0], [1], [0, 0, 1, 1], [], []>, transpose_lhs_hint = false} : vector<2400x128xbf16>, vector<128x256xbf16>, vector<2400x256xf32> -> vector<2400x256xf32>
    %get3A_569 = arith.constant 1 : index
    %get3A_570 = arith.constant 0 : index
    %get3A_571 = arith.constant 0 : index
    %get3A_572 = vector.load %arg5[%get3A_569, %get3A_570, %get3A_571] : memref<3x128x256xbf16, #tpu.memory_space<vmem>>, vector<1x128x256xbf16>
    %get3A_573 = vector.shape_cast %get3A_572 : vector<1x128x256xbf16> to vector<128x256xbf16>
    %dot_general3A_574 = arith.constant dense<0.000000e+00> : vector<2400x256xf32>
    %dot_general3A_575 = tpu.matmul %concatenate3A_456, %get3A_573, %dot_general3A_574 {dimension_numbers = #tpu.dot_dimension_numbers<[1], [0], [0], [1], [0, 0, 1, 1], [], []>, transpose_lhs_hint = false} : vector<2400x128xbf16>, vector<128x256xbf16>, vector<2400x256xf32> -> vector<2400x256xf32>
    %add3A_576 = arith.addf %dot_general3A_568, %dot_general3A_575 : vector<2400x256xf32>
    %get3A_577 = arith.constant 1 : index
    %get3A_578 = arith.constant 0 : index
    %get3A_579 = vector.load %arg6[%get3A_577, %get3A_578] : memref<3x256xf32, #tpu.memory_space<vmem>>, vector<1x256xf32>
    %get3A_580 = vector.shape_cast %get3A_579 : vector<1x256xf32> to vector<256xf32>
    %broadcast_in_dim3A_581 = vector.shape_cast %get3A_580 : vector<256xf32> to vector<1x256xf32>
    %add3A_582 = vector.broadcast %broadcast_in_dim3A_581 : vector<1x256xf32> to vector<2400x256xf32>
    %add3A_583 = arith.addf %add3A_576, %add3A_582 : vector<2400x256xf32>
    %slice3A_584 = vector.extract_strided_slice %add3A_583 {offsets = [0, 0], sizes = [2400, 128], strides = [1, 1]} : vector<2400x256xf32> to vector<2400x128xf32>
    %slice3A_585 = vector.extract_strided_slice %add3A_583 {offsets = [0, 128], sizes = [2400, 128], strides = [1, 1]} : vector<2400x256xf32> to vector<2400x128xf32>
    %add3A_586 = arith.addf %mul3A_184, %slice3A_585 : vector<2400x128xf32>
    %ge3A_587 = arith.constant 1.000000e+00 : f32
    %ge3A_588 = vector.broadcast %ge3A_587 : f32 to vector<2400x128xf32>
    %ge3A_589 = arith.cmpf oge, %add3A_586, %ge3A_588 : vector<2400x128xf32>
    %convert_element_type3A_590 = arith.extui %ge3A_589 : vector<2400x128xi1> to vector<2400x128xi32>
    %convert_element_type3A_591 = arith.sitofp %convert_element_type3A_590 : vector<2400x128xi32> to vector<2400x128xf32>
    %logistic3A_592 = arith.negf %slice3A_584 : vector<2400x128xf32>
    %logistic3A_593 = math.exp %logistic3A_592 : vector<2400x128xf32>
    %logistic3A_594 = arith.constant 1.000000e+00 : f32
    %logistic3A_595 = vector.broadcast %logistic3A_594 : f32 to vector<2400x128xf32>
    %logistic3A_596 = arith.addf %logistic3A_595, %logistic3A_593 : vector<2400x128xf32>
    %logistic3A_597 = arith.divf %logistic3A_595, %logistic3A_596 : vector<2400x128xf32>
    %mul3A_598 = arith.mulf %logistic3A_597, %convert_element_type3A_591 : vector<2400x128xf32>
    %convert_element_type3A_599 = arith.truncf %mul3A_598 : vector<2400x128xf32> to vector<2400x128xbf16>
    %slice3A_600 = vector.extract_strided_slice %convert_element_type3A_599 {offsets = [0, 0], sizes = [400, 128], strides = [1, 1]} : vector<2400x128xbf16> to vector<400x128xbf16>
    %slice3A_601 = vector.extract_strided_slice %convert_element_type3A_599 {offsets = [400, 0], sizes = [2000, 128], strides = [1, 1]} : vector<2400x128xbf16> to vector<2000x128xbf16>
    %reshape3A_602 = vector.shape_cast %slice3A_601 : vector<2000x128xbf16> to vector<5x400x128xbf16>
    %convert_element_type3A_603 = arith.extf %reshape3A_602 : vector<5x400x128xbf16> to vector<5x400x128xf32>
    %slice3A_604 = vector.extract_strided_slice %convert_element_type3A_603 {offsets = [0, 0, 0], sizes = [1, 400, 128], strides = [1, 1, 1]} : vector<5x400x128xf32> to vector<1x400x128xf32>
    %squeeze3A_605 = vector.shape_cast %slice3A_604 : vector<1x400x128xf32> to vector<400x128xf32>
    %slice3A_606 = vector.extract_strided_slice %convert_element_type3A_603 {offsets = [1, 0, 0], sizes = [1, 400, 128], strides = [1, 1, 1]} : vector<5x400x128xf32> to vector<1x400x128xf32>
    %squeeze3A_607 = vector.shape_cast %slice3A_606 : vector<1x400x128xf32> to vector<400x128xf32>
    %add3A_608 = arith.addf %squeeze3A_605, %squeeze3A_607 : vector<400x128xf32>
    %slice3A_609 = vector.extract_strided_slice %convert_element_type3A_603 {offsets = [2, 0, 0], sizes = [1, 400, 128], strides = [1, 1, 1]} : vector<5x400x128xf32> to vector<1x400x128xf32>
    %squeeze3A_610 = vector.shape_cast %slice3A_609 : vector<1x400x128xf32> to vector<400x128xf32>
    %add3A_611 = arith.addf %add3A_608, %squeeze3A_610 : vector<400x128xf32>
    %slice3A_612 = vector.extract_strided_slice %convert_element_type3A_603 {offsets = [3, 0, 0], sizes = [1, 400, 128], strides = [1, 1, 1]} : vector<5x400x128xf32> to vector<1x400x128xf32>
    %squeeze3A_613 = vector.shape_cast %slice3A_612 : vector<1x400x128xf32> to vector<400x128xf32>
    %add3A_614 = arith.addf %add3A_611, %squeeze3A_613 : vector<400x128xf32>
    %slice3A_615 = vector.extract_strided_slice %convert_element_type3A_603 {offsets = [4, 0, 0], sizes = [1, 400, 128], strides = [1, 1, 1]} : vector<5x400x128xf32> to vector<1x400x128xf32>
    %squeeze3A_616 = vector.shape_cast %slice3A_615 : vector<1x400x128xf32> to vector<400x128xf32>
    %add3A_617 = arith.addf %add3A_614, %squeeze3A_616 : vector<400x128xf32>
    %mul3A_618 = arith.constant 2.000000e-01 : f32
    %mul3A_619 = vector.broadcast %mul3A_618 : f32 to vector<400x128xf32>
    %mul3A_620 = arith.mulf %add3A_617, %mul3A_619 : vector<400x128xf32>
    %convert_element_type3A_621 = arith.truncf %mul3A_620 : vector<400x128xf32> to vector<400x128xbf16>
    %get3A_622 = arith.constant 1 : index
    %get3A_623 = arith.constant 0 : index
    %get3A_624 = arith.constant 0 : index
    %get3A_625 = vector.load %arg7[%get3A_622, %get3A_623, %get3A_624] : memref<3x128x128xbf16, #tpu.memory_space<vmem>>, vector<1x128x128xbf16>
    %get3A_626 = vector.shape_cast %get3A_625 : vector<1x128x128xbf16> to vector<128x128xbf16>
    %dot_general3A_627 = arith.constant dense<0.000000e+00> : vector<400x128xf32>
    %dot_general3A_628 = tpu.matmul %slice3A_600, %get3A_626, %dot_general3A_627 {dimension_numbers = #tpu.dot_dimension_numbers<[1], [0], [0], [1], [0, 0, 1, 1], [], []>, transpose_lhs_hint = false} : vector<400x128xbf16>, vector<128x128xbf16>, vector<400x128xf32> -> vector<400x128xf32>
    %get3A_629 = arith.constant 1 : index
    %get3A_630 = arith.constant 0 : index
    %get3A_631 = arith.constant 0 : index
    %get3A_632 = vector.load %arg8[%get3A_629, %get3A_630, %get3A_631] : memref<3x128x128xbf16, #tpu.memory_space<vmem>>, vector<1x128x128xbf16>
    %get3A_633 = vector.shape_cast %get3A_632 : vector<1x128x128xbf16> to vector<128x128xbf16>
    %dot_general3A_634 = arith.constant dense<0.000000e+00> : vector<400x128xf32>
    %dot_general3A_635 = tpu.matmul %convert_element_type3A_621, %get3A_633, %dot_general3A_634 {dimension_numbers = #tpu.dot_dimension_numbers<[1], [0], [0], [1], [0, 0, 1, 1], [], []>, transpose_lhs_hint = false} : vector<400x128xbf16>, vector<128x128xbf16>, vector<400x128xf32> -> vector<400x128xf32>
    %add3A_636 = arith.addf %dot_general3A_628, %dot_general3A_635 : vector<400x128xf32>
    %get3A_637 = arith.constant 1 : index
    %get3A_638 = arith.constant 0 : index
    %get3A_639 = vector.load %arg9[%get3A_637, %get3A_638] : memref<3x128xf32, #tpu.memory_space<vmem>>, vector<1x128xf32>
    %get3A_640 = vector.shape_cast %get3A_639 : vector<1x128xf32> to vector<128xf32>
    %broadcast_in_dim3A_641 = vector.shape_cast %get3A_640 : vector<128xf32> to vector<1x128xf32>
    %add3A_642 = vector.broadcast %broadcast_in_dim3A_641 : vector<1x128xf32> to vector<400x128xf32>
    %add3A_643 = arith.addf %add3A_636, %add3A_642 : vector<400x128xf32>
    %slice3A_644 = vector.extract_strided_slice %add3A_643 {offsets = [0, 0], sizes = [400, 64], strides = [1, 1]} : vector<400x128xf32> to vector<400x64xf32>
    %slice3A_645 = vector.extract_strided_slice %add3A_643 {offsets = [0, 64], sizes = [400, 64], strides = [1, 1]} : vector<400x128xf32> to vector<400x64xf32>
    %add3A_646 = arith.addf %mul3A_250, %slice3A_645 : vector<400x64xf32>
    %ge3A_647 = arith.constant 1.000000e+00 : f32
    %ge3A_648 = vector.broadcast %ge3A_647 : f32 to vector<400x64xf32>
    %ge3A_649 = arith.cmpf oge, %add3A_646, %ge3A_648 : vector<400x64xf32>
    %convert_element_type3A_650 = arith.extui %ge3A_649 : vector<400x64xi1> to vector<400x64xi32>
    %convert_element_type3A_651 = arith.sitofp %convert_element_type3A_650 : vector<400x64xi32> to vector<400x64xf32>
    %logistic3A_652 = arith.negf %slice3A_644 : vector<400x64xf32>
    %logistic3A_653 = math.exp %logistic3A_652 : vector<400x64xf32>
    %logistic3A_654 = arith.constant 1.000000e+00 : f32
    %logistic3A_655 = vector.broadcast %logistic3A_654 : f32 to vector<400x64xf32>
    %logistic3A_656 = arith.addf %logistic3A_655, %logistic3A_653 : vector<400x64xf32>
    %logistic3A_657 = arith.divf %logistic3A_655, %logistic3A_656 : vector<400x64xf32>
    %mul3A_658 = arith.mulf %logistic3A_657, %convert_element_type3A_651 : vector<400x64xf32>
    %get3A_659 = arith.constant 4 : index
    %get3A_660 = arith.constant 0 : index
    %get3A_661 = vector.load %arg10[%get3A_659, %get3A_660] : memref<6x64xf32, #tpu.memory_space<vmem>>, vector<1x64xf32>
    %get3A_662 = vector.shape_cast %get3A_661 : vector<1x64xf32> to vector<64xf32>
    %broadcast_in_dim3A_663 = vector.shape_cast %get3A_662 : vector<64xf32> to vector<1x64xf32>
    %mul3A_664 = vector.broadcast %broadcast_in_dim3A_663 : vector<1x64xf32> to vector<400x64xf32>
    %mul3A_665 = arith.mulf %mul3A_658, %mul3A_664 : vector<400x64xf32>
    %add3A_666 = arith.addf %add3A_561, %mul3A_665 : vector<400x64xf32>
    %get3A_667 = arith.constant 2 : index
    %get3A_668 = arith.constant 0 : index
    %get3A_669 = arith.constant 0 : index
    %get3A_670 = vector.load %arg4[%get3A_667, %get3A_668, %get3A_669] : memref<3x128x256xbf16, #tpu.memory_space<vmem>>, vector<1x128x256xbf16>
    %get3A_671 = vector.shape_cast %get3A_670 : vector<1x128x256xbf16> to vector<128x256xbf16>
    %dot_general3A_672 = arith.constant dense<0.000000e+00> : vector<2400x256xf32>
    %dot_general3A_673 = tpu.matmul %concatenate3A_452, %get3A_671, %dot_general3A_672 {dimension_numbers = #tpu.dot_dimension_numbers<[1], [0], [0], [1], [0, 0, 1, 1], [], []>, transpose_lhs_hint = false} : vector<2400x128xbf16>, vector<128x256xbf16>, vector<2400x256xf32> -> vector<2400x256xf32>
    %get3A_674 = arith.constant 2 : index
    %get3A_675 = arith.constant 0 : index
    %get3A_676 = arith.constant 0 : index
    %get3A_677 = vector.load %arg5[%get3A_674, %get3A_675, %get3A_676] : memref<3x128x256xbf16, #tpu.memory_space<vmem>>, vector<1x128x256xbf16>
    %get3A_678 = vector.shape_cast %get3A_677 : vector<1x128x256xbf16> to vector<128x256xbf16>
    %dot_general3A_679 = arith.constant dense<0.000000e+00> : vector<2400x256xf32>
    %dot_general3A_680 = tpu.matmul %concatenate3A_456, %get3A_678, %dot_general3A_679 {dimension_numbers = #tpu.dot_dimension_numbers<[1], [0], [0], [1], [0, 0, 1, 1], [], []>, transpose_lhs_hint = false} : vector<2400x128xbf16>, vector<128x256xbf16>, vector<2400x256xf32> -> vector<2400x256xf32>
    %add3A_681 = arith.addf %dot_general3A_673, %dot_general3A_680 : vector<2400x256xf32>
    %get3A_682 = arith.constant 2 : index
    %get3A_683 = arith.constant 0 : index
    %get3A_684 = vector.load %arg6[%get3A_682, %get3A_683] : memref<3x256xf32, #tpu.memory_space<vmem>>, vector<1x256xf32>
    %get3A_685 = vector.shape_cast %get3A_684 : vector<1x256xf32> to vector<256xf32>
    %broadcast_in_dim3A_686 = vector.shape_cast %get3A_685 : vector<256xf32> to vector<1x256xf32>
    %add3A_687 = vector.broadcast %broadcast_in_dim3A_686 : vector<1x256xf32> to vector<2400x256xf32>
    %add3A_688 = arith.addf %add3A_681, %add3A_687 : vector<2400x256xf32>
    %slice3A_689 = vector.extract_strided_slice %add3A_688 {offsets = [0, 0], sizes = [2400, 128], strides = [1, 1]} : vector<2400x256xf32> to vector<2400x128xf32>
    %slice3A_690 = vector.extract_strided_slice %add3A_688 {offsets = [0, 128], sizes = [2400, 128], strides = [1, 1]} : vector<2400x256xf32> to vector<2400x128xf32>
    %add3A_691 = arith.constant 0.000000e+00 : f32
    %add3A_692 = vector.broadcast %add3A_691 : f32 to vector<2400x128xf32>
    %add3A_693 = arith.addf %add3A_692, %slice3A_690 : vector<2400x128xf32>
    %ge3A_694 = arith.constant 1.000000e+00 : f32
    %ge3A_695 = vector.broadcast %ge3A_694 : f32 to vector<2400x128xf32>
    %ge3A_696 = arith.cmpf oge, %add3A_693, %ge3A_695 : vector<2400x128xf32>
    %convert_element_type3A_697 = arith.extui %ge3A_696 : vector<2400x128xi1> to vector<2400x128xi32>
    %convert_element_type3A_698 = arith.sitofp %convert_element_type3A_697 : vector<2400x128xi32> to vector<2400x128xf32>
    %logistic3A_699 = arith.negf %slice3A_689 : vector<2400x128xf32>
    %logistic3A_700 = math.exp %logistic3A_699 : vector<2400x128xf32>
    %logistic3A_701 = arith.constant 1.000000e+00 : f32
    %logistic3A_702 = vector.broadcast %logistic3A_701 : f32 to vector<2400x128xf32>
    %logistic3A_703 = arith.addf %logistic3A_702, %logistic3A_700 : vector<2400x128xf32>
    %logistic3A_704 = arith.divf %logistic3A_702, %logistic3A_703 : vector<2400x128xf32>
    %mul3A_705 = arith.mulf %logistic3A_704, %convert_element_type3A_698 : vector<2400x128xf32>
    %convert_element_type3A_706 = arith.truncf %mul3A_705 : vector<2400x128xf32> to vector<2400x128xbf16>
    %slice3A_707 = vector.extract_strided_slice %convert_element_type3A_706 {offsets = [0, 0], sizes = [400, 128], strides = [1, 1]} : vector<2400x128xbf16> to vector<400x128xbf16>
    %slice3A_708 = vector.extract_strided_slice %convert_element_type3A_706 {offsets = [400, 0], sizes = [2000, 128], strides = [1, 1]} : vector<2400x128xbf16> to vector<2000x128xbf16>
    %reshape3A_709 = vector.shape_cast %slice3A_708 : vector<2000x128xbf16> to vector<5x400x128xbf16>
    %convert_element_type3A_710 = arith.extf %reshape3A_709 : vector<5x400x128xbf16> to vector<5x400x128xf32>
    %slice3A_711 = vector.extract_strided_slice %convert_element_type3A_710 {offsets = [0, 0, 0], sizes = [1, 400, 128], strides = [1, 1, 1]} : vector<5x400x128xf32> to vector<1x400x128xf32>
    %squeeze3A_712 = vector.shape_cast %slice3A_711 : vector<1x400x128xf32> to vector<400x128xf32>
    %slice3A_713 = vector.extract_strided_slice %convert_element_type3A_710 {offsets = [1, 0, 0], sizes = [1, 400, 128], strides = [1, 1, 1]} : vector<5x400x128xf32> to vector<1x400x128xf32>
    %squeeze3A_714 = vector.shape_cast %slice3A_713 : vector<1x400x128xf32> to vector<400x128xf32>
    %add3A_715 = arith.addf %squeeze3A_712, %squeeze3A_714 : vector<400x128xf32>
    %slice3A_716 = vector.extract_strided_slice %convert_element_type3A_710 {offsets = [2, 0, 0], sizes = [1, 400, 128], strides = [1, 1, 1]} : vector<5x400x128xf32> to vector<1x400x128xf32>
    %squeeze3A_717 = vector.shape_cast %slice3A_716 : vector<1x400x128xf32> to vector<400x128xf32>
    %add3A_718 = arith.addf %add3A_715, %squeeze3A_717 : vector<400x128xf32>
    %slice3A_719 = vector.extract_strided_slice %convert_element_type3A_710 {offsets = [3, 0, 0], sizes = [1, 400, 128], strides = [1, 1, 1]} : vector<5x400x128xf32> to vector<1x400x128xf32>
    %squeeze3A_720 = vector.shape_cast %slice3A_719 : vector<1x400x128xf32> to vector<400x128xf32>
    %add3A_721 = arith.addf %add3A_718, %squeeze3A_720 : vector<400x128xf32>
    %slice3A_722 = vector.extract_strided_slice %convert_element_type3A_710 {offsets = [4, 0, 0], sizes = [1, 400, 128], strides = [1, 1, 1]} : vector<5x400x128xf32> to vector<1x400x128xf32>
    %squeeze3A_723 = vector.shape_cast %slice3A_722 : vector<1x400x128xf32> to vector<400x128xf32>
    %add3A_724 = arith.addf %add3A_721, %squeeze3A_723 : vector<400x128xf32>
    %mul3A_725 = arith.constant 2.000000e-01 : f32
    %mul3A_726 = vector.broadcast %mul3A_725 : f32 to vector<400x128xf32>
    %mul3A_727 = arith.mulf %add3A_724, %mul3A_726 : vector<400x128xf32>
    %convert_element_type3A_728 = arith.truncf %mul3A_727 : vector<400x128xf32> to vector<400x128xbf16>
    %get3A_729 = arith.constant 2 : index
    %get3A_730 = arith.constant 0 : index
    %get3A_731 = arith.constant 0 : index
    %get3A_732 = vector.load %arg7[%get3A_729, %get3A_730, %get3A_731] : memref<3x128x128xbf16, #tpu.memory_space<vmem>>, vector<1x128x128xbf16>
    %get3A_733 = vector.shape_cast %get3A_732 : vector<1x128x128xbf16> to vector<128x128xbf16>
    %dot_general3A_734 = arith.constant dense<0.000000e+00> : vector<400x128xf32>
    %dot_general3A_735 = tpu.matmul %slice3A_707, %get3A_733, %dot_general3A_734 {dimension_numbers = #tpu.dot_dimension_numbers<[1], [0], [0], [1], [0, 0, 1, 1], [], []>, transpose_lhs_hint = false} : vector<400x128xbf16>, vector<128x128xbf16>, vector<400x128xf32> -> vector<400x128xf32>
    %get3A_736 = arith.constant 2 : index
    %get3A_737 = arith.constant 0 : index
    %get3A_738 = arith.constant 0 : index
    %get3A_739 = vector.load %arg8[%get3A_736, %get3A_737, %get3A_738] : memref<3x128x128xbf16, #tpu.memory_space<vmem>>, vector<1x128x128xbf16>
    %get3A_740 = vector.shape_cast %get3A_739 : vector<1x128x128xbf16> to vector<128x128xbf16>
    %dot_general3A_741 = arith.constant dense<0.000000e+00> : vector<400x128xf32>
    %dot_general3A_742 = tpu.matmul %convert_element_type3A_728, %get3A_740, %dot_general3A_741 {dimension_numbers = #tpu.dot_dimension_numbers<[1], [0], [0], [1], [0, 0, 1, 1], [], []>, transpose_lhs_hint = false} : vector<400x128xbf16>, vector<128x128xbf16>, vector<400x128xf32> -> vector<400x128xf32>
    %add3A_743 = arith.addf %dot_general3A_735, %dot_general3A_742 : vector<400x128xf32>
    %get3A_744 = arith.constant 2 : index
    %get3A_745 = arith.constant 0 : index
    %get3A_746 = vector.load %arg9[%get3A_744, %get3A_745] : memref<3x128xf32, #tpu.memory_space<vmem>>, vector<1x128xf32>
    %get3A_747 = vector.shape_cast %get3A_746 : vector<1x128xf32> to vector<128xf32>
    %broadcast_in_dim3A_748 = vector.shape_cast %get3A_747 : vector<128xf32> to vector<1x128xf32>
    %add3A_749 = vector.broadcast %broadcast_in_dim3A_748 : vector<1x128xf32> to vector<400x128xf32>
    %add3A_750 = arith.addf %add3A_743, %add3A_749 : vector<400x128xf32>
    %slice3A_751 = vector.extract_strided_slice %add3A_750 {offsets = [0, 0], sizes = [400, 64], strides = [1, 1]} : vector<400x128xf32> to vector<400x64xf32>
    %slice3A_752 = vector.extract_strided_slice %add3A_750 {offsets = [0, 64], sizes = [400, 64], strides = [1, 1]} : vector<400x128xf32> to vector<400x64xf32>
    %add3A_753 = arith.constant 0.000000e+00 : f32
    %add3A_754 = vector.broadcast %add3A_753 : f32 to vector<400x64xf32>
    %add3A_755 = arith.addf %add3A_754, %slice3A_752 : vector<400x64xf32>
    %ge3A_756 = arith.constant 1.000000e+00 : f32
    %ge3A_757 = vector.broadcast %ge3A_756 : f32 to vector<400x64xf32>
    %ge3A_758 = arith.cmpf oge, %add3A_755, %ge3A_757 : vector<400x64xf32>
    %convert_element_type3A_759 = arith.extui %ge3A_758 : vector<400x64xi1> to vector<400x64xi32>
    %convert_element_type3A_760 = arith.sitofp %convert_element_type3A_759 : vector<400x64xi32> to vector<400x64xf32>
    %logistic3A_761 = arith.negf %slice3A_751 : vector<400x64xf32>
    %logistic3A_762 = math.exp %logistic3A_761 : vector<400x64xf32>
    %logistic3A_763 = arith.constant 1.000000e+00 : f32
    %logistic3A_764 = vector.broadcast %logistic3A_763 : f32 to vector<400x64xf32>
    %logistic3A_765 = arith.addf %logistic3A_764, %logistic3A_762 : vector<400x64xf32>
    %logistic3A_766 = arith.divf %logistic3A_764, %logistic3A_765 : vector<400x64xf32>
    %mul3A_767 = arith.mulf %logistic3A_766, %convert_element_type3A_760 : vector<400x64xf32>
    %get3A_768 = arith.constant 5 : index
    %get3A_769 = arith.constant 0 : index
    %get3A_770 = vector.load %arg10[%get3A_768, %get3A_769] : memref<6x64xf32, #tpu.memory_space<vmem>>, vector<1x64xf32>
    %get3A_771 = vector.shape_cast %get3A_770 : vector<1x64xf32> to vector<64xf32>
    %broadcast_in_dim3A_772 = vector.shape_cast %get3A_771 : vector<64xf32> to vector<1x64xf32>
    %mul3A_773 = vector.broadcast %broadcast_in_dim3A_772 : vector<1x64xf32> to vector<400x64xf32>
    %mul3A_774 = arith.mulf %mul3A_767, %mul3A_773 : vector<400x64xf32>
    %add3A_775 = arith.addf %add3A_666, %mul3A_774 : vector<400x64xf32>
    %get3A_776 = arith.constant 0 : index
    %get3A_777 = arith.constant 0 : index
    %get3A_778 = vector.load %arg11[%get3A_776, %get3A_777] : memref<64x64xf32, #tpu.memory_space<vmem>>, vector<64x64xf32>
    %dot_general3A_779 = arith.constant dense<0.000000e+00> : vector<400x64xf32>
    %dot_general3A_780 = tpu.matmul %add3A_775, %get3A_778, %dot_general3A_779 {dimension_numbers = #tpu.dot_dimension_numbers<[1], [0], [0], [1], [0, 0, 1, 1], [], []>, transpose_lhs_hint = false} : vector<400x64xf32>, vector<64x64xf32>, vector<400x64xf32> -> vector<400x64xf32>
    %get3A_781 = arith.constant 0 : index
    %get3A_782 = vector.load %arg12[%get3A_781] : memref<64xf32, #tpu.memory_space<vmem>>, vector<64xf32>
    %broadcast_in_dim3A_783 = vector.shape_cast %get3A_782 : vector<64xf32> to vector<1x64xf32>
    %add3A_784 = vector.broadcast %broadcast_in_dim3A_783 : vector<1x64xf32> to vector<400x64xf32>
    %add3A_785 = arith.addf %dot_general3A_780, %add3A_784 : vector<400x64xf32>
    %swap3A = arith.constant 0 : index
    %swap3A_786 = arith.constant 0 : index
    %swap3A_787 = vector.load %arg13[%swap3A, %swap3A_786] : memref<400x64xf32, #tpu.memory_space<vmem>>, vector<400x64xf32>
    tpu.vector_store %arg13[%swap3A, %swap3A_786], %add3A_785 {strides = array<i32>} : memref<400x64xf32, #tpu.memory_space<vmem>>, vector<400x64xf32>,
    return
  }
  func.func @transform_0(%arg0: i32) -> (i32, i32) {
    %c0_i32 = arith.constant 0 : i32
    %c0_i32_0 = arith.constant 0 : i32
    return %arg0, %c0_i32 : i32, i32
  }
  func.func @transform_1(%arg0: i32) -> (i32, i32, i32, i32) {
    %c0_i32 = arith.constant 0 : i32
    %c0_i32_0 = arith.constant 0 : i32
    %c0_i32_1 = arith.constant 0 : i32
    %c0_i32_2 = arith.constant 0 : i32
    return %c0_i32, %c0_i32_0, %arg0, %c0_i32_1 : i32, i32, i32, i32
  }
  func.func @transform_2(%arg0: i32) -> (i32, i32, i32, i32) {
    %c0_i32 = arith.constant 0 : i32
    %c0_i32_0 = arith.constant 0 : i32
    %c0_i32_1 = arith.constant 0 : i32
    %c0_i32_2 = arith.constant 0 : i32
    return %c0_i32, %c0_i32_0, %arg0, %c0_i32_1 : i32, i32, i32, i32
  }
  func.func @transform_3(%arg0: i32) -> (i32, i32, i32) {
    %c0_i32 = arith.constant 0 : i32
    %c0_i32_0 = arith.constant 0 : i32
    %c0_i32_1 = arith.constant 0 : i32
    %c0_i32_2 = arith.constant 0 : i32
    return %c0_i32, %c0_i32_0, %c0_i32_1 : i32, i32, i32
  }
  func.func @transform_4(%arg0: i32) -> (i32, i32, i32) {
    %c0_i32 = arith.constant 0 : i32
    %c0_i32_0 = arith.constant 0 : i32
    %c0_i32_1 = arith.constant 0 : i32
    %c0_i32_2 = arith.constant 0 : i32
    return %c0_i32, %c0_i32_0, %c0_i32_1 : i32, i32, i32
  }
  func.func @transform_5(%arg0: i32) -> (i32, i32) {
    %c0_i32 = arith.constant 0 : i32
    %c0_i32_0 = arith.constant 0 : i32
    %c0_i32_1 = arith.constant 0 : i32
    return %c0_i32, %c0_i32_0 : i32, i32
  }
  func.func @transform_6(%arg0: i32) -> (i32, i32, i32) {
    %c0_i32 = arith.constant 0 : i32
    %c0_i32_0 = arith.constant 0 : i32
    %c0_i32_1 = arith.constant 0 : i32
    %c0_i32_2 = arith.constant 0 : i32
    return %c0_i32, %c0_i32_0, %c0_i32_1 : i32, i32, i32
  }
  func.func @transform_7(%arg0: i32) -> (i32, i32, i32) {
    %c0_i32 = arith.constant 0 : i32
    %c0_i32_0 = arith.constant 0 : i32
    %c0_i32_1 = arith.constant 0 : i32
    %c0_i32_2 = arith.constant 0 : i32
    return %c0_i32, %c0_i32_0, %c0_i32_1 : i32, i32, i32
  }
  func.func @transform_8(%arg0: i32) -> (i32, i32) {
    %c0_i32 = arith.constant 0 : i32
    %c0_i32_0 = arith.constant 0 : i32
    %c0_i32_1 = arith.constant 0 : i32
    return %c0_i32, %c0_i32_0 : i32, i32
  }
  func.func @transform_9(%arg0: i32) -> (i32, i32) {
    %c0_i32 = arith.constant 0 : i32
    %c0_i32_0 = arith.constant 0 : i32
    %c0_i32_1 = arith.constant 0 : i32
    return %c0_i32, %c0_i32_0 : i32, i32
  }
  func.func @transform_10(%arg0: i32) -> (i32, i32) {
    %c0_i32 = arith.constant 0 : i32
    %c0_i32_0 = arith.constant 0 : i32
    %c0_i32_1 = arith.constant 0 : i32
    return %c0_i32, %c0_i32_0 : i32, i32
  }
  func.func @transform_11(%arg0: i32) -> i32 {
    %c0_i32 = arith.constant 0 : i32
    %c0_i32_0 = arith.constant 0 : i32
    return %c0_i32 : i32
  }
  func.func @transform_12(%arg0: i32) -> (i32, i32) {
    %c0_i32 = arith.constant 0 : i32
    %c0_i32_0 = arith.constant 0 : i32
    return %arg0, %c0_i32 : i32, i32
  }
}

</mosaic_0001>

<sc_bundles>
// kernel: kernel.12.cloned.1.call-start
scs
__scs_entry_jumppad:
0x0: {  	(pc) =	sbr.rel $0x88, $3  }
0x1: {  	(tag) =	ssettag $0x0;
	lr =	simm.s32 $0x1  }
0x2: {  	[smem:$0x3F85] =	sst lr;
	_ =	strace $0xD0000000  }
0x3: {  	_ = 	snop  }
0x4: {  	_ = 	snop  }
0x5: {  	_ = 	snop  }
0x6: {  	_ = 	snop  }
0x7: {  	_ = 	snop  }
__scs_overlays_trampoline_lowered:
0x8: {  	[smem:$0x3F94] =	sst s0  }
0x9: {  	[smem:$0x3F95] =	sst s1  }
0xa: {  	[smem:$0x3F96] =	sst s2  }
0xb: {  	[smem:$0x3F97] =	sst s3  }
0xc: {  	[smem:$0x3F98] =	sst s4  }
0xd: {  	[smem:$0x3F99] =	sst s5  }
0xe: {  	[smem:$0x3F9A] =	sst s6  }
0xf: {  	[smem:$0x3F9B] =	sst s7  }
0x10: {  	[smem:$0x3F9C] =	sst s8  }
0x11: {  	[smem:$0x3F9D] =	sst s9;
	s0 =	simm.s32 @!p0 $0x0  }
0x12: {  	s1 =	sld [smem:$0x3F83];
	s0 =	simm.s32 @p0 $0x1  }
0x13: {  	[smem:$0x3F9E] =	sst s0;
	s0 =	simm.s32 @!p1 $0x0  }
0x14: {  	s2 =	sld [smem:$0x3F82];
	s0 =	simm.s32 @p1 $0x1  }
0x15: {  	[smem:$0x3F9F] =	sst s0;
	s0 =	simm.s32 @!p2 $0x0  }
0x16: {  	s3 =	sld [smem:$0x3FDB];
	s0 =	simm.s32 @p2 $0x1  }
0x17: {  	s4 =	simm.s32 $0x1BF5;
	[smem:$0x3FA1] =	sst s0  }
0x18: {  	s0 =	sld [smem:$0x3F84];
	_ =	swait.ge [sflag:s4], $0x0  }
0x19: {  	s7 =	sld [smem:$0x3F85]  }
0x1a: {  	s8 =	sadd.s32 $0xFFFFE003, lr  }
0x1b: {  	s9 =	sadd.s32 $0xFFFFFEF7, lr;
	s5 =	simm.s32 $0xFFFFFFFF;
	p2 =	slt.u32 s8, $0xFFFFF086  }
0x1c: {  	p1 =	slt.u32 s9, $0xF7A;
	s5 =	simm.s32 @!p2 $0x0  }
0x1d: {  	s5 =	simm.s32 @p1 $0x1;
	p0 =	seq.s32 s7, s2  }
0x1e: {  	s7 =	smul.u32 @!p0 $0xF7A, s2;
	p2 =	seq.s32 @!p0 s5, $0x0  }
0x1f: {  	s9 =	smul.u32 $0xF7A, s1;
	s8 =	simm.s32 @!p0 $0x1BF5;
	p2 =	por !p2, p0  }
0x20: {  	[sflag:s8] =	ssyncset.s32 @!p0 $0xFFFFF086;
	s6 =	sadd.s32 @!p0 s3, s7;
	s7 =	simm.s32 @!p0 $0x108  }
0x21: {  	s3 =	sadd.s32 s3, s9;
	s6 =	sadd.s32 @!p0 $0x88, s6;
	s7 =	simm.s32 @p2 $0x1082  }
0x22: {  	[simem:s7], [sflag:s8] =	dma.local @!p0 [hbm:s6], $0xF7A  }
0x23: {  	s9 =	sor.u32 $0xD0000000, s2;
	s6 =	simm.s32 $0x108;
	_ =	swait.ge @!p0 [sflag:s8], $0x0  }
0x24: {  	s3 =	sadd.s32 $0x88, s3;
	s6 =	simm.s32 @!p1 $0x1082;
	[sflag:s4] =	ssyncset.s32 $0xFFFFF086  }
0x25: {  	[simem:s6], [sflag:s4] =	dma.local [hbm:s3], $0xF7A  }
0x26: {  	[smem:$0x3F85] =	sst s1;
	(tag) =	ssettag s2;
	_ =	strace s9  }
0x27: {  	s1 =	sld [smem:$0x3F95]  }
0x28: {  	s2 =	sld [smem:$0x3F96]  }
0x29: {  	s4 =	sld [smem:$0x3F98]  }
0x2a: {  	p0 =	seq.s32 s5, $0x0;
	s5 =	sld [smem:$0x3F99]  }
0x2b: {  	s6 =	sld [smem:$0x3F9A]  }
0x2c: {  	s7 =	sld [smem:$0x3F9B]  }
0x2d: {  	s3 =	simm.s32 $0x108;
	s8 =	sld [smem:$0x3F9C]  }
0x2e: {  	s3 =	simm.s32 @!p0 $0x1082;
	s9 =	sld [smem:$0x3F9D]  }
0x2f: {  	lr =	sadd.s32 s0, s3;
	s0 =	sld [smem:$0x3F94]  }
0x30: {  	s3 =	sld [smem:$0x3F97]  }
0x31: {  	[smem:$0x3FA0] =	sst s10  }
0x32: {  	s10 =	sld [smem:$0x3F9E];
	_ =	sdelay $0x3  }
0x33: {  	p0 =	seq.s32 s10, $0x1;
	s10 =	sld [smem:$0x3FA0];
	_ =	sdelay $0x3  }
0x34: {  	[smem:$0x3FA0] =	sst s10  }
0x35: {  	s10 =	sld [smem:$0x3F9F];
	_ =	sdelay $0x3  }
0x36: {  	p1 =	seq.s32 s10, $0x1;
	s10 =	sld [smem:$0x3FA0];
	_ =	sdelay $0x3  }
0x37: {  	[smem:$0x3FA0] =	sst s10  }
0x38: {  	s10 =	sld [smem:$0x3FA1]  }
0x39: {  	_ = 	snop;
	(pc) =	sbr.ind lr, $3  }
0x3a: {  	_ = 	snop  }
0x3b: {  	_ = 	snop  }
0x3c: {  	p2 =	seq.s32 s10, $0x1;
	s10 =	sld [smem:$0x3FA0]  }
0x3d: {  	_ =	shalt  }
0x3e: {  	_ =	shalt  }
0x3f: {  	_ =	shalt  }
0x40: {  	_ =	shalt  }
0x41: {  	_ =	shalt  }
0x42: {  	_ =	shalt  }
0x43: {  	_ =	shalt  }
0x44: {  	_ =	shalt  }
0x45: {  	_ =	shalt  }
0x46: {  	_ =	shalt  }
0x47: {  	_ =	shalt  }
0x48: {  	_ =	shalt  }
0x49: {  	_ =	shalt  }
0x4a: {  	_ =	shalt  }
0x4b: {  	_ =	shalt  }
0x4c: {  	_ =	shalt  }
0x4d: {  	_ =	shalt  }
0x4e: {  	_ =	shalt  }
0x4f: {  	_ =	shalt  }
0x50: {  	_ =	shalt  }
0x51: {  	_ =	shalt  }
0x52: {  	_ =	shalt  }
0x53: {  	_ =	shalt  }
0x54: {  	_ =	shalt  }
0x55: {  	_ =	shalt  }
0x56: {  	_ =	shalt  }
0x57: {  	_ =	shalt  }
0x58: {  	_ =	shalt  }
0x59: {  	_ =	shalt  }
0x5a: {  	_ =	shalt  }
0x5b: {  	_ =	shalt  }
0x5c: {  	_ =	shalt  }
0x5d: {  	_ =	shalt  }
0x5e: {  	_ =	shalt  }
0x5f: {  	_ =	shalt  }
0x60: {  	_ =	shalt  }
0x61: {  	_ =	shalt  }
0x62: {  	_ =	shalt  }
0x63: {  	_ =	shalt  }
0x64: {  	_ =	shalt  }
0x65: {  	_ =	shalt  }
0x66: {  	_ =	shalt  }
0x67: {  	_ =	shalt  }
0x68: {  	_ =	shalt  }
0x69: {  	_ =	shalt  }
0x6a: {  	_ =	shalt  }
0x6b: {  	_ =	shalt  }
0x6c: {  	_ =	shalt  }
0x6d: {  	_ =	shalt  }
0x6e: {  	_ =	shalt  }
0x6f: {  	_ =	shalt  }
0x70: {  	_ =	shalt  }
0x71: {  	_ =	shalt  }
0x72: {  	_ =	shalt  }
0x73: {  	_ =	shalt  }
0x74: {  	_ =	shalt  }
0x75: {  	_ =	shalt  }
0x76: {  	_ =	shalt  }
0x77: {  	_ =	shalt  }
0x78: {  	_ =	shalt  }
0x79: {  	_ =	shalt  }
0x7a: {  	_ =	shalt  }
0x7b: {  	_ =	shalt  }
0x7c: {  	_ =	shalt  }
0x7d: {  	_ =	shalt  }
0x7e: {  	_ =	shalt  }
0x7f: {  	_ =	shalt  }
0x80: {  	_ =	shalt  }
0x81: {  	_ =	shalt  }
0x82: {  	_ =	shalt  }
0x83: {  	_ =	shalt  }
0x84: {  	_ =	shalt  }
0x85: {  	_ =	shalt  }
0x86: {  	_ =	shalt  }
0x87: {  	_ =	shalt  }
.Lfunc_end0:
.L_simem_size_0:
called_computation.2_lowered:
.L_overlay_start_0:
0x88: {  	s2 =	sld [smem:$0x3FD9]  }
0x89: {  	s3 =	sld [smem:$0x3FFE];
	_ =	sdelay $0x1  }
0x8a: {  	s1 =	srdreg.scid  }
0x8b: {  	s0 =	sand.u32 $0x1, s1  }
0x8c: {  	s17 =	sshll.u32 s0, $0xA;
	s2 =	sadd.s32 s3, s2  }
0x8d: {  	s2 =	sadd.s32 s2, s17  }
0x8e: {  	[smem:$0x3FAC] =	sst s2  }
0x8f: {  	_ = 	snop  }
0x90: {  	s18 =	sld [smem:$0x3FC9];
	(tm) =	ssettm $0x1  }
0x91: {  	s19 =	sld [smem:$0x3FFB];
	_ =	sdelay $0x3  }
0x92: {  	_ =	strace s19  }
0x93: {  	s2 =	sld [smem:$0x3FFC];
	_ =	sdelay $0x3  }
0x94: {  	_ =	strace s2  }
0x95: {  	s2 =	sld [smem:$0x3FFD];
	_ =	sdelay $0x3  }
0x96: {  	_ =	strace s2  }
0x97: {  	_ =	strace $0x8FFFFFFF  }
0x98: {  	s20 =	sld [smem:$0x3FDB];
	_ =	sdelay $0x1  }
0x99: {  	s4 =	simm.s32 $_scs_section_size  }
0x9a: {  	s5 =	simm.s32 $_size__tile_overlayer_lowered;
	s6 =	simm.s32 $_tile_overlayer_lowered  }
0x9b: {  	s7 =	simm.s32 $0x1BFF;
	s21 =	sshll.u32 s6, $0x1;
	s4 =	sadd.s32 s4, s20  }
0x9c: {  	s22 =	simm.s32 $0x0;
	s5 =	sshll.u32 s5, $0x1;
	s6 =	sadd.s32 s21, s4  }
0x9d: {  	[timem:s22], [sflag:s7] =	dma.local [hbm:s6], s5  }
0x9e: {  	_ =	swait.ge [sflag:s7], s5  }
0x9f: {  	s5 =	ssub.s32 $0x0, s5;
	[sflag:s7] =	ssyncset.done $0x0  }
0xa0: {  	[sflag:s7] =	ssyncadd.s32 s5;
	_ =	sdelay $0x1  }
0xa1: {  	s23 =	simm.s32 $0x1B8B  }
0xa2: {  	_ =	swait.ge [sflag:s23], $0x1  }
0xa3: {  	[sflag:s23] =	ssyncset.done $0x0  }
0xa4: {  	[sflag:s23] =	ssyncadd.s32 $0xFFFFFFFF  }
0xa5: {  	s5 =	sld [smem:$0x0]  }
0xa6: {  	s6 =	sand.u32 $0xFFFFFFFE, s1  }
0xa7: {  	p0 =	sne.s32 s1, s6  }
0xa8: {  	s6 =	sshll.u32 @p0 s6, $0xE  }
0xa9: {  	s6 =	sadd.s32 @p0 $0x11B8D, s6;
	s7 =	sshll.u32 @p0 s5, $0x11  }
0xaa: {  	s6 =	sor.u32 @p0 s7, s6  }
0xab: {  	[sflag:s6] =	ssyncadd.remote.s32 @p0 $0x1;
	_ =	sdelay $0x1  }
0xac: {  	s6 =	simm.s32 @p0 $0x1B8D  }
0xad: {  	_ =	swait.eq @p0 [sflag:s6], $0x1  }
0xae: {  	[sflag:s6] =	ssyncadd.s32 @p0 $0xFFFFFFFF  }
0xaf: {  	s7 =	sshll.u32 @!p0 s1, $0xE  }
0xb0: {  	s7 =	sor.u32 @!p0 $0x4000, s7;
	s6 =	simm.s32 @!p0 $0x1B8D  }
0xb1: {  	s5 =	sshll.u32 @!p0 s5, $0x11;
	s7 =	sadd.s32 @!p0 $0x11B8D, s7;
	_ =	swait.eq @!p0 [sflag:s6], $0x1  }
0xb2: {  	s5 =	sor.u32 @!p0 s5, s7;
	[sflag:s6] =	ssyncadd.s32 @!p0 $0xFFFFFFFF  }
0xb3: {  	s25 =	simm.s32 $0x1B8E;
	s24 =	sld [smem:$0x3FFE];
	[sflag:s5] =	ssyncadd.remote.s32 @!p0 $0x1  }
0xb4: {  	s26 =	simm.s32 $execute0_lowered;
	[smem:$0x3FD2] =	sst s25  }
0xb5: {  	s6 =	sshll.u32 s26, $0x1;
	_ =	strace $0x80000049;
	[dreg:$0x1] =	wrdreg $0xFFFFFFFF  }
0xb6: {  	s28 =	simm.s32 $_size_execute0_lowered;
	s4 =	sadd.s32 s4, s6;
	[dreg:$0x0] =	wrdreg $0x0  }
0xb7: {  	s6 =	sshll.u32 s28, $0x1;
	[dreg:$0x2] =	wrdreg s4  }
0xb8: {  	[dreg:$0x3] =	wrdreg s6  }
0xb9: {  	[dreg:$0x4] =	wrdreg $0xC0  }
0xba: {  	_ =	task [dreg:s22], $0x5FFFF  }
0xbb: {  	[dreg:$0x1] =	wrdreg $0xFFFFFFFF  }
0xbc: {  	[dreg:$0x0] =	wrdreg $0x60  }
0xbd: {  	[dreg:$0x2] =	wrdreg s18  }
0xbe: {  	[dreg:$0x3] =	wrdreg s24  }
0xbf: {  	[dreg:$0x4] =	wrdreg $0xB  }
0xc0: {  	_ =	task.clear_ibuf [dreg:s22], $0x5FFFF;
	_ =	strace $0x90000049  }
0xc1: {  	s29 =	simm.s32 $0xB;
	_ =	strace $0x8000004B  }
0xc2: {  	_ =	swait.ge [sflag:s29], $0x1  }
0xc3: {  	[sflag:s29] =	ssyncadd.s32 $0xFFFFFFFF  }
0xc4: {  	_ =	strace $0x9000004B  }
0xc5: {  	_ =	sfence  }
0xc6: {  	s30 =	sld [smem:$0x0];
	_ =	sdelay $0x2  }
0xc7: {  	s31 =	sshll.u32 s1, $0xD;
	s1 =	sshrl.u32 s1, $0x2  }
0xc8: {  	s4 =	sand.u32 $0x4000, s31;
	s1 =	sadd.s32 s1, s30  }
0xc9: {  	s0 =	sor.u32 s4, s0;
	s1 =	sshll.u32 s1, $0x11  }
0xca: {  	s0 =	sor.u32 s1, s0  }
0xcb: {  	s0 =	sadd.s32 $0x8F2B, s0  }
0xcc: {  	[sflag:s0] =	ssyncadd.remote.s32 $0x1  }
0xcd: {  	_ =	sfence.sel $0xFFFF  }
0xce: {  	[dreg:$0x0] =	wrdreg $0xFFFFFFFF;
	(pc) =	sbr.abs _section_cstart, $3  }
0xcf: {  	[dreg:$0x1] =	wrdreg $0xFFFFFFFF  }
0xd0: {  	_ =	task.clear_ibuf [dreg:s22], $0x2FFFF;
	_ =	strace $0x9FFFFFFF  }
0xd1: {  	(tm) =	ssettm $0x7FFFFFFF  }
tec
execute0_lowered:
.L_overlay_start_1:
0x0: {  	(tag) =	ssettag $0x1  }
0x1: {  	s2 =	rddreg [dreg:$0x0]  }
0x2: {  	s0 =	srdreg.scid;
	s9 =	stileid.u32  }
0x3: {  	s1 =	rddreg [dreg:$0x1];
	s3 =	simm.s32 $0x0;
	s12 =	simm.s32 $0x78  }
0x4: {  	s18 =	simm.s32 $0x3;
	s20 =	simm.s32 $0x4;
	s22 =	simm.s32 $0x5  }
0x5: {  	s23 =	simm.s32 $0x6;
	s24 =	simm.s32 $0x7;
	s25 =	simm.s32 $0x8  }
0x6: {  	s26 =	simm.s32 $0x9;
	s0 =	sand.u32 $0x1, s0;
	s4 =	sshll.u32 s9, $0x1  }
0x7: {  	s28 =	simm.s32 $0xA;
	s5 =	sor.u32 s0, s4;
	s6 =	ssub.s32 $0x2, s0  }
0x8: {  	[smem:$0x7FF] =	sst s3;
	s4 =	smul.u32 $0x280, s5;
	s8 =	sshrl.u32 s6, $0x1  }
0x9: {  	s9 =	smul.u32 $0x25800, s9;
	_ =	strace $0x8000004A;
	s29 =	ssub.s32 s6, s8  }
0xa: {  	s7 =	sadd.s32 s4, s1;
	s4 =	sadd.s32 $0x37200, s1;
	s1 =	smax.u32 s29, $0x1  }
0xb: {  	s0 =	smul.u32 $0x12C00, s0;
	s30 =	sadd.s32 $0x32200, s7;
	[dreg:$0x5] =	wrdreg s1  }
0xc: {  	s31 =	sadd.s32 s9, s4;
	s7 =	sadd.s32 $0x2D200, s7;
	[dreg:$0x3] =	wrdreg s30  }
0xd: {  	s16 =	simm.s32 $0x11800;
	[dreg:$0x4] =	wrdreg s7;
	s0 =	sadd.s32 s0, s31  }
0xe: {  	s5 =	smul.u32 $0x12C0, s5;
	s6 =	simm.s32 $0x0;
	[dreg:$0x6] =	wrdreg s0  }
.LBB2_1:
0xf: {  	[dreg:$0x7] =	wrdreg s6  }
0x10: {  	s0 =	rddreg [dreg:$0x3];
	s1 =	simm.s32 $0x10  }
0x11: {  	[tilespmem:s3], [sflag:$0x10] =	stream.linear.gather [hbm4b:s0+s3], $0x1400, $0x38;
	[tilespmem:$0x15400] =	vst v63  }
0x12: {  	_ =	swait.ge [sflag:s1], $0x1400  }
0x13: {  	[sflag:s1] =	ssyncset.done $0x0  }
0x14: {  	s21 =	simm.s32 $0x1400;
	s19 =	rddreg [dreg:$0x4];
	[sflag:s1] =	ssyncadd.s32 $0xFFFFEC00  }
0x15: {  	[tilespmem:s21], [sflag:$0x10] =	stream.linear.gather [hbm4b:s19+s3], $0x1400, $0x38;
	[tilespmem:$0x15400] =	vst v63  }
0x16: {  	_ =	swait.ge [sflag:s1], $0x1400  }
0x17: {  	p0 =	por $0x0, $0x0;
	[sflag:s1] =	ssyncset.done $0x0  }
0x18: {  	s0 =	simm.s32 @p0 $0xB;
	[sflag:s1] =	ssyncadd.s32 $0xFFFFEC00  }
0x19: {  	_ =	swait.ge @p0 [sflag:s0], $0x3C00  }
0x1a: {  	s6 =	simm.s32 @p0 $0xC;
	s7 =	simm.s32 @p0 $0x0;
	[sflag:s0] =	ssyncset.done @p0 $0x0  }
0x1b: {  	s8 =	simm.s32 @p0 $0x78;
	s1 =	simm.s32 @p0 $0x2800;
	[sflag:s0] =	ssyncadd.s32 @p0 $0xFFFFC400  }
0x1c: {  	[tilespmem:s1], [sflag:$0x1] =	stream.indirect.gather @p0 [hbm4b:s2+s8], $0x80, s7, s8, $0xb8;
	[tilespmem:$0x15400] =	vst v63  }
0x1d: {  	_ =	swait.ge @p0 [sflag:s6], $0x3C00  }
0x1e: {  	s0 =	simm.s32 @p0 $0x80;
	[sflag:s6] =	ssyncset.done @p0 $0x0  }
0x1f: {  	s1 =	simm.s32 @p0 $0x6400;
	s7 =	simm.s32 @p0 $0xD;
	[sflag:s6] =	ssyncadd.s32 @p0 $0xFFFFC400  }
0x20: {  	[tilespmem:s1], [sflag:$0x2] =	stream.indirect.gather @p0 [hbm4b:s2+s8], $0x80, s0, s8, $0xb8;
	[tilespmem:$0x15400] =	vst v63  }
0x21: {  	_ =	swait.ge @p0 [sflag:s7], $0x3C00  }
0x22: {  	s6 =	simm.s32 @p0 $0xE;
	[sflag:s7] =	ssyncset.done @p0 $0x0  }
0x23: {  	s0 =	simm.s32 @p0 $0x100;
	s1 =	simm.s32 @p0 $0xA000;
	[sflag:s7] =	ssyncadd.s32 @p0 $0xFFFFC400  }
0x24: {  	[tilespmem:s1], [sflag:$0x3] =	stream.indirect.gather @p0 [hbm4b:s2+s8], $0x80, s0, s8, $0xb8;
	[tilespmem:$0x15400] =	vst v63  }
0x25: {  	_ =	swait.ge @p0 [sflag:s6], $0x3C00  }
0x26: {  	s7 =	simm.s32 @p0 $0xF;
	[sflag:s6] =	ssyncset.done @p0 $0x0  }
0x27: {  	s0 =	simm.s32 @p0 $0x180;
	s1 =	simm.s32 @p0 $0xDC00;
	[sflag:s6] =	ssyncadd.s32 @p0 $0xFFFFC400  }
0x28: {  	[tilespmem:s1], [sflag:$0x4] =	stream.indirect.gather @p0 [hbm4b:s2+s8], $0x80, s0, s8, $0xb8;
	[tilespmem:$0x15400] =	vst v63  }
0x29: {  	_ =	swait.ge @p0 [sflag:s7], $0x3C00  }
0x2a: {  	s6 =	simm.s32 @!p0 $0x0;
	[sflag:s7] =	ssyncset.done @p0 $0x0  }
0x2b: {  	s0 =	simm.s32 @!p0 $0x2800;
	s1 =	simm.s32 @!p0 $0x78;
	[sflag:s7] =	ssyncadd.s32 @p0 $0xFFFFC400  }
0x2c: {  	[tilespmem:s0], [sflag:$0x1] =	stream.indirect.gather @!p0 [hbm4b:s2+s1], $0x80, s6, s1, $0xb8;
	[tilespmem:$0x15400] =	vst v63  }
0x2d: {  	s0 =	simm.s32 @!p0 $0x80;
	s6 =	simm.s32 @!p0 $0x6400  }
0x2e: {  	[tilespmem:s6], [sflag:$0x2] =	stream.indirect.gather @!p0 [hbm4b:s2+s1], $0x80, s0, s1, $0xb8;
	[tilespmem:$0x15400] =	vst v63  }
0x2f: {  	s0 =	simm.s32 @!p0 $0x100;
	s6 =	simm.s32 @!p0 $0xA000  }
0x30: {  	[tilespmem:s6], [sflag:$0x3] =	stream.indirect.gather @!p0 [hbm4b:s2+s1], $0x80, s0, s1, $0xb8;
	[tilespmem:$0x15400] =	vst v63  }
0x31: {  	s0 =	simm.s32 @!p0 $0x180;
	s6 =	simm.s32 @!p0 $0xDC00  }
0x32: {  	[tilespmem:s6], [sflag:$0x4] =	stream.indirect.gather @!p0 [hbm4b:s2+s1], $0x80, s0, s1, $0xb8;
	[tilespmem:$0x15400] =	vst v63  }
0x33: {  	s10 =	simm.s32 $0x1;
	s8 =	simm.s32 $0x11800;
	s7 =	simm.s32 $0x200  }
0x34: {  	[tilespmem:s8], [sflag:$0x5] =	stream.indirect.gather [hbm4b:s2+s12], $0x80, s7, s12, $0xb8;
	[tilespmem:$0x15400] =	vst v63  }
0x35: {  	s0 =	simm.s32 $0x0;
	_ =	swait.ge [sflag:s10], $0x3C00  }
0x36: {  	s11 =	simm.s32 $0x2800;
	s0 =	simm.s32 @!p0 $0x0;
	[sflag:s10] =	ssyncset.done $0x0  }
0x37: {  	s13 =	simm.s32 $0x2;
	s0 =	sadd.s32 $0x1400, s0;
	[sflag:s10] =	ssyncadd.s32 $0xFFFFC400  }
0x38: {  	[tilespmem:s11], [sflag:$0x6] =	stream.indirect.gather.add.f32 [hbm:s2], $0x80, s0, s12, $0xb8;
	[tilespmem:$0x15400] =	vst v63  }
0x39: {  	s0 =	simm.s32 @p0 $0x80;
	_ =	swait.ge [sflag:s13], $0x3C00  }
0x3a: {  	s0 =	simm.s32 @!p0 $0x80;
	[sflag:s13] =	ssyncset.done $0x0  }
0x3b: {  	s14 =	simm.s32 $0x6400;
	s0 =	sadd.s32 $0x1400, s0;
	[sflag:s13] =	ssyncadd.s32 $0xFFFFC400  }
0x3c: {  	[tilespmem:s14], [sflag:$0x7] =	stream.indirect.gather.add.f32 [hbm:s2], $0x80, s0, s12, $0xb8;
	[tilespmem:$0x15400] =	vst v63  }
0x3d: {  	s0 =	simm.s32 @p0 $0x100;
	_ =	swait.ge [sflag:s18], $0x3C00  }
0x3e: {  	s0 =	simm.s32 @!p0 $0x100;
	[sflag:s18] =	ssyncset.done $0x0  }
0x3f: {  	s9 =	simm.s32 $0xA000;
	s0 =	sadd.s32 $0x1400, s0;
	[sflag:s18] =	ssyncadd.s32 $0xFFFFC400  }
0x40: {  	[tilespmem:s9], [sflag:$0x8] =	stream.indirect.gather.add.f32 [hbm:s2], $0x80, s0, s12, $0xb8;
	[tilespmem:$0x15400] =	vst v63  }
0x41: {  	s0 =	simm.s32 @p0 $0x180;
	_ =	swait.ge [sflag:s20], $0x3C00  }
0x42: {  	s0 =	simm.s32 @!p0 $0x180;
	[sflag:s20] =	ssyncset.done $0x0  }
0x43: {  	s10 =	simm.s32 $0xDC00;
	s0 =	sadd.s32 $0x1400, s0;
	[sflag:s20] =	ssyncadd.s32 $0xFFFFC400  }
0x44: {  	[tilespmem:s10], [sflag:$0x9] =	stream.indirect.gather.add.f32 [hbm:s2], $0x80, s0, s12, $0xb8;
	[tilespmem:$0x15400] =	vst v63  }
0x45: {  	_ =	swait.ge [sflag:s22], $0x3C00  }
0x46: {  	[sflag:s22] =	ssyncset.done $0x0  }
0x47: {  	s15 =	simm.s32 $0x1600;
	[sflag:s22] =	ssyncadd.s32 $0xFFFFC400  }
0x48: {  	[tilespmem:s8], [sflag:$0xA] =	stream.indirect.gather.add.f32 [hbm:s2], $0x80, s15, s12, $0xb8;
	[tilespmem:$0x15400] =	vst v63  }
0x49: {  	s30 =	simm.s32 $0xA00;
	_ =	swait.ge [sflag:s23], $0x3C00  }
0x4a: {  	s31 =	simm.s32 $0x1400;
	s0 =	simm.s32 @p0 $0x78;
	[sflag:s23] =	ssyncset.done $0x0  }
0x4b: {  	s0 =	simm.s32 @!p0 $0x78;
	s17 =	rddreg [dreg:$0x6];
	[sflag:s23] =	ssyncadd.s32 $0xFFFFC400  }
0x4c: {  	[hbm4b:s17+s3] =	stream.linear.scatter [tilespmem:s11], [sflag:$0xB], $0x3C00, $0x38;
	[tilespmem:$0x15400] =	vst v63  }
0x4d: {  	s1 =	simm.s32 @p0 $0xF0;
	s0 =	sadd.s32 s5, s0;
	_ =	swait.ge [sflag:s24], $0x3C00  }
0x4e: {  	s6 =	simm.s32 $0x168;
	s0 =	sshll.u32 s0, $0x4;
	[sflag:s24] =	ssyncset.done $0x0  }
0x4f: {  	s1 =	simm.s32 @!p0 $0xF0;
	s0 =	sadd.s32 s4, s0;
	[sflag:s24] =	ssyncadd.s32 $0xFFFFC400  }
0x50: {  	[hbm4b:s0+s3] =	stream.linear.scatter [tilespmem:s14], [sflag:$0xC], $0x3C00, $0x38;
	[tilespmem:$0x15400] =	vst v63  }
0x51: {  	s6 =	simm.s32 @!p0 $0x168;
	s19 =	sadd.s32 s5, s1;
	_ =	swait.ge [sflag:s25], $0x3C00  }
0x52: {  	s21 =	sadd.s32 s5, s6;
	s0 =	sshll.u32 s19, $0x4;
	[sflag:s25] =	ssyncset.done $0x0  }
0x53: {  	s1 =	sshll.u32 s21, $0x4;
	s0 =	sadd.s32 s4, s0;
	[sflag:s25] =	ssyncadd.s32 $0xFFFFC400  }
0x54: {  	[hbm4b:s0+s3] =	stream.linear.scatter [tilespmem:s9], [sflag:$0xD], $0x3C00, $0x38;
	[tilespmem:$0x15400] =	vst v63  }
0x55: {  	s29 =	simm.s32 $0x280;
	s1 =	sadd.s32 s4, s1;
	_ =	swait.ge [sflag:s26], $0x3C00  }
0x56: {  	p0 =	por $0x1, $0x1;
	s8 =	sadd.s32 $0x2580, s17;
	[sflag:s26] =	ssyncset.done $0x0  }
0x57: {  	s6 =	sadd.s32 $0x1E00, s8;
	s11 =	simm.s32 $0x3C0;
	[sflag:s26] =	ssyncadd.s32 $0xFFFFC400  }
0x58: {  	[hbm4b:s1+s3] =	stream.linear.scatter [tilespmem:s10], [sflag:$0xE], $0x3C00, $0x38;
	[tilespmem:$0x15400] =	vst v63  }
0x59: {  	s0 =	sadd.s32 $0x1E00, s17;
	s1 =	sadd.s32 $0x2580, s8;
	_ =	swait.ge [sflag:s28], $0x3C00  }
.LBB2_2:
0x5a: {  	s10 =	simm.s32 @p0 $0xB;
	s7 =	smov.u32 s11  }
0x5b: {  	[sflag:s28] =	ssyncset.done $0x0;
	s9 =	smov.u32 s31;
	s7 =	simm.s32 @!p0 $0x168  }
0x5c: {  	s31 =	sadd.s32 $0xA00, s31;
	s7 =	sadd.s32 s5, s7;
	[sflag:s28] =	ssyncadd.s32 $0xFFFFC400  }
0x5d: {  	[hbm4b:s0+s3] =	stream.linear.scatter [tilespmem:s16], [sflag:$0xF], $0x3C00, $0x38;
	[tilespmem:$0x15400] =	vst v63  }
0x5e: {  	s15 =	simm.s32 @p0 $0xC;
	s0 =	simm.s32 @p0 $0x2800;
	_ =	swait.ge @p0 [sflag:s10], $0x3C00  }
0x5f: {  	s17 =	sshra.s32 @p0 s30, $0x2;
	s19 =	simm.s32 @p0 $0x78;
	[sflag:s10] =	ssyncset.done @p0 $0x0  }
0x60: {  	s21 =	sadd.s32 @p0 $0x80, s17;
	s13 =	sadd.s32 @p0 $0x100, s17;
	[sflag:s10] =	ssyncadd.s32 @p0 $0xFFFFC400  }
0x61: {  	[tilespmem:s0], [sflag:$0x1] =	stream.indirect.gather @p0 [hbm4b:s2+s19], $0x80, s17, s19, $0xb8;
	[tilespmem:$0x15400] =	vst v63  }
0x62: {  	s10 =	sshll.u32 s7, $0x4;
	s17 =	sadd.s32 @p0 $0x180, s17;
	_ =	swait.ge @p0 [sflag:s15], $0x3C00  }
0x63: {  	s7 =	simm.s32 @p0 $0xD;
	s0 =	simm.s32 @p0 $0x6400;
	[sflag:s15] =	ssyncset.done @p0 $0x0  }
0x64: {  	s14 =	sadd.s32 $0x1E00, s1;
	p1 =	sne.s32 s31, $0x5000;
	[sflag:s15] =	ssyncadd.s32 @p0 $0xFFFFC400  }
0x65: {  	[tilespmem:s0], [sflag:$0x2] =	stream.indirect.gather @p0 [hbm4b:s2+s19], $0x80, s21, s19, $0xb8;
	[tilespmem:$0x15400] =	vst v63  }
0x66: {  	s0 =	smov.u32 s6;
	s6 =	smov.u32 s14;
	_ =	swait.ge @p0 [sflag:s7], $0x3C00  }
0x67: {  	s15 =	simm.s32 @p0 $0xE;
	s14 =	simm.s32 @p0 $0xA000;
	[sflag:s7] =	ssyncset.done @p0 $0x0  }
0x68: {  	[sflag:s7] =	ssyncadd.s32 @p0 $0xFFFFC400  }
0x69: {  	[tilespmem:s14], [sflag:$0x3] =	stream.indirect.gather @p0 [hbm4b:s2+s19], $0x80, s13, s19, $0xb8;
	[tilespmem:$0x15400] =	vst v63  }
0x6a: {  	_ =	swait.ge @p0 [sflag:s15], $0x3C00  }
0x6b: {  	s7 =	simm.s32 @p0 $0xDC00;
	s13 =	simm.s32 @p0 $0xF;
	[sflag:s15] =	ssyncset.done @p0 $0x0  }
0x6c: {  	[sflag:s15] =	ssyncadd.s32 @p0 $0xFFFFC400  }
0x6d: {  	[tilespmem:s7], [sflag:$0x4] =	stream.indirect.gather @p0 [hbm4b:s2+s19], $0x80, s17, s19, $0xb8;
	[tilespmem:$0x15400] =	vst v63  }
0x6e: {  	s7 =	simm.s32 @!p0 $0x2800;
	_ =	swait.ge @p0 [sflag:s13], $0x3C00  }
0x6f: {  	s14 =	simm.s32 @!p0 $0x78;
	s15 =	simm.s32 @!p0 $0x0;
	[sflag:s13] =	ssyncset.done @p0 $0x0  }
0x70: {  	[sflag:s13] =	ssyncadd.s32 @p0 $0xFFFFC400  }
0x71: {  	[tilespmem:s7], [sflag:$0x1] =	stream.indirect.gather @!p0 [hbm4b:s2+s14], $0x80, s15, s14, $0xb8;
	[tilespmem:$0x15400] =	vst v63  }
0x72: {  	s13 =	simm.s32 @!p0 $0x6400;
	s7 =	simm.s32 @!p0 $0x80  }
0x73: {  	[tilespmem:s13], [sflag:$0x2] =	stream.indirect.gather @!p0 [hbm4b:s2+s14], $0x80, s7, s14, $0xb8;
	[tilespmem:$0x15400] =	vst v63  }
0x74: {  	s7 =	simm.s32 @!p0 $0x100;
	s13 =	simm.s32 @!p0 $0xA000  }
0x75: {  	[tilespmem:s13], [sflag:$0x3] =	stream.indirect.gather @!p0 [hbm4b:s2+s14], $0x80, s7, s14, $0xb8;
	[tilespmem:$0x15400] =	vst v63  }
0x76: {  	s15 =	sshra.s32 s30, $0x2;
	s7 =	simm.s32 @!p0 $0x180;
	s13 =	simm.s32 @!p0 $0xDC00  }
0x77: {  	[tilespmem:s13], [sflag:$0x4] =	stream.indirect.gather @!p0 [hbm4b:s2+s14], $0x80, s7, s14, $0xb8;
	[tilespmem:$0x15400] =	vst v63  }
0x78: {  	s30 =	smov.u32 s9;
	s7 =	sadd.s32 $0x200, s15  }
0x79: {  	[tilespmem:s16], [sflag:$0x5] =	stream.indirect.gather [hbm4b:s2+s12], $0x80, s7, s12, $0xb8;
	[tilespmem:$0x15400] =	vst v63  }
0x7a: {  	s13 =	simm.s32 $0x1;
	s7 =	smov.u32 s29  }
0x7b: {  	s7 =	simm.s32 @!p0 $0x0;
	_ =	swait.ge [sflag:s13], $0x3C00  }
0x7c: {  	s9 =	sadd.s32 @p0 $0x80, s29;
	[sflag:s13] =	ssyncset.done $0x0;
	s7 =	sadd.s32 $0x1400, s7  }
0x7d: {  	s14 =	simm.s32 $0x2;
	[sflag:s13] =	ssyncadd.s32 $0xFFFFC400;
	s13 =	simm.s32 $0x2800  }
0x7e: {  	[tilespmem:s13], [sflag:$0x6] =	stream.indirect.gather.add.f32 [hbm:s2], $0x80, s7, s12, $0xb8;
	[tilespmem:$0x15400] =	vst v63  }
0x7f: {  	s9 =	simm.s32 @!p0 $0x80;
	_ =	swait.ge [sflag:s14], $0x3C00  }
0x80: {  	s7 =	sadd.s32 $0x1400, s9;
	[sflag:s14] =	ssyncset.done $0x0  }
0x81: {  	s9 =	sadd.s32 @p0 $0x100, s29;
	[sflag:s14] =	ssyncadd.s32 $0xFFFFC400;
	s14 =	simm.s32 $0x6400  }
0x82: {  	[tilespmem:s14], [sflag:$0x7] =	stream.indirect.gather.add.f32 [hbm:s2], $0x80, s7, s12, $0xb8;
	[tilespmem:$0x15400] =	vst v63  }
0x83: {  	s9 =	simm.s32 @!p0 $0x100;
	_ =	swait.ge [sflag:s18], $0x3C00  }
0x84: {  	s7 =	sadd.s32 $0x1400, s9;
	[sflag:s18] =	ssyncset.done $0x0  }
0x85: {  	s17 =	simm.s32 $0xA000;
	s9 =	sadd.s32 @p0 $0x180, s29;
	[sflag:s18] =	ssyncadd.s32 $0xFFFFC400  }
0x86: {  	[tilespmem:s17], [sflag:$0x8] =	stream.indirect.gather.add.f32 [hbm:s2], $0x80, s7, s12, $0xb8;
	[tilespmem:$0x15400] =	vst v63  }
0x87: {  	s9 =	simm.s32 @!p0 $0x180;
	_ =	swait.ge [sflag:s20], $0x3C00  }
0x88: {  	s7 =	sadd.s32 $0x1400, s9;
	[sflag:s20] =	ssyncset.done $0x0  }
0x89: {  	s19 =	simm.s32 $0xDC00;
	[sflag:s20] =	ssyncadd.s32 $0xFFFFC400  }
0x8a: {  	[tilespmem:s19], [sflag:$0x9] =	stream.indirect.gather.add.f32 [hbm:s2], $0x80, s7, s12, $0xb8;
	[tilespmem:$0x15400] =	vst v63  }
0x8b: {  	_ =	swait.ge [sflag:s22], $0x3C00  }
0x8c: {  	[sflag:s22] =	ssyncset.done $0x0  }
0x8d: {  	s7 =	sadd.s32 $0x1600, s15;
	[sflag:s22] =	ssyncadd.s32 $0xFFFFC400  }
0x8e: {  	[tilespmem:s16], [sflag:$0xA] =	stream.indirect.gather.add.f32 [hbm:s2], $0x80, s7, s12, $0xb8;
	[tilespmem:$0x15400] =	vst v63  }
0x8f: {  	_ =	swait.ge [sflag:s23], $0x3C00  }
0x90: {  	s7 =	sadd.s32 @p0 $0xFFFFFF10, s11;
	[sflag:s23] =	ssyncset.done $0x0  }
0x91: {  	s7 =	simm.s32 @!p0 $0x78;
	[sflag:s23] =	ssyncadd.s32 $0xFFFFC400  }
0x92: {  	[hbm4b:s8+s3] =	stream.linear.scatter [tilespmem:s13], [sflag:$0xB], $0x3C00, $0x38;
	[tilespmem:$0x15400] =	vst v63  }
0x93: {  	s7 =	sadd.s32 s5, s7;
	s8 =	smov.u32 s1;
	_ =	swait.ge [sflag:s24], $0x3C00  }
0x94: {  	s9 =	sadd.s32 @p0 $0xFFFFFF88, s11;
	s7 =	sshll.u32 s7, $0x4;
	[sflag:s24] =	ssyncset.done $0x0  }
0x95: {  	s9 =	simm.s32 @!p0 $0xF0;
	s7 =	sadd.s32 s4, s7;
	[sflag:s24] =	ssyncadd.s32 $0xFFFFC400  }
0x96: {  	[hbm4b:s7+s3] =	stream.linear.scatter [tilespmem:s14], [sflag:$0xC], $0x3C00, $0x38;
	[tilespmem:$0x15400] =	vst v63  }
0x97: {  	s7 =	sadd.s32 s5, s9;
	_ =	swait.ge [sflag:s25], $0x3C00  }
0x98: {  	s7 =	sshll.u32 s7, $0x4;
	[sflag:s25] =	ssyncset.done $0x0  }
0x99: {  	s7 =	sadd.s32 s4, s7;
	[sflag:s25] =	ssyncadd.s32 $0xFFFFC400  }
0x9a: {  	[hbm4b:s7+s3] =	stream.linear.scatter [tilespmem:s17], [sflag:$0xD], $0x3C00, $0x38;
	[tilespmem:$0x15400] =	vst v63  }
.Ltmp0:
0x9b: {  	_ =	swait.ge [sflag:s26], $0x3C00;
	(pc) =	sbr.rel @p1 .LBB2_2-.Ltmp0, $4  }
0x9c: {  	s7 =	sadd.s32 s4, s10;
	[sflag:s26] =	ssyncset.done $0x0  }
0x9d: {  	s29 =	sadd.s32 $0x280, s29;
	s1 =	sadd.s32 $0x2580, s1;
	[sflag:s26] =	ssyncadd.s32 $0xFFFFC400  }
0x9e: {  	[hbm4b:s7+s3] =	stream.linear.scatter [tilespmem:s19], [sflag:$0xE], $0x3C00, $0x38;
	[tilespmem:$0x15400] =	vst v63  }
0x9f: {  	s11 =	sadd.s32 $0x258, s11;
	p0 =	sne.s32 s30, $0x0;
	_ =	swait.ge [sflag:s28], $0x3C00  }
0xa0: {  	[sflag:s28] =	ssyncset.done $0x0  }
0xa1: {  	s1 =	simm.s32 @p0 $0xB;
	s10 =	simm.s32 $0x11800;
	[sflag:s28] =	ssyncadd.s32 $0xFFFFC400  }
0xa2: {  	[hbm4b:s0+s3] =	stream.linear.scatter [tilespmem:s10], [sflag:$0xF], $0x3C00, $0x38;
	[tilespmem:$0x15400] =	vst v63  }
0xa3: {  	_ =	swait.ge @p0 [sflag:s1], $0x3C00  }
0xa4: {  	s7 =	simm.s32 @p0 $0xC;
	s9 =	sshra.s32 @p0 s30, $0x2;
	[sflag:s1] =	ssyncset.done @p0 $0x0  }
0xa5: {  	s0 =	simm.s32 @p0 $0x2800;
	[sflag:s1] =	ssyncadd.s32 @p0 $0xFFFFC400;
	s1 =	simm.s32 @p0 $0x78  }
0xa6: {  	[tilespmem:s0], [sflag:$0x1] =	stream.indirect.gather @p0 [hbm4b:s2+s1], $0x80, s9, s1, $0xb8;
	[tilespmem:$0x15400] =	vst v63  }
0xa7: {  	_ =	swait.ge @p0 [sflag:s7], $0x3C00  }
0xa8: {  	[sflag:s7] =	ssyncset.done @p0 $0x0  }
0xa9: {  	s0 =	sadd.s32 @p0 $0x80, s9;
	[sflag:s7] =	ssyncadd.s32 @p0 $0xFFFFC400;
	s7 =	simm.s32 @p0 $0x6400  }
0xaa: {  	[tilespmem:s7], [sflag:$0x2] =	stream.indirect.gather @p0 [hbm4b:s2+s1], $0x80, s0, s1, $0xb8;
	[tilespmem:$0x15400] =	vst v63  }
0xab: {  	s0 =	simm.s32 @p0 $0xD  }
0xac: {  	_ =	swait.ge @p0 [sflag:s0], $0x3C00  }
0xad: {  	[sflag:s0] =	ssyncset.done @p0 $0x0  }
0xae: {  	s7 =	sadd.s32 @p0 $0x100, s9;
	[sflag:s0] =	ssyncadd.s32 @p0 $0xFFFFC400;
	s0 =	simm.s32 @p0 $0xA000  }
0xaf: {  	[tilespmem:s0], [sflag:$0x3] =	stream.indirect.gather @p0 [hbm4b:s2+s1], $0x80, s7, s1, $0xb8;
	[tilespmem:$0x15400] =	vst v63  }
0xb0: {  	s0 =	simm.s32 @p0 $0xE  }
0xb1: {  	_ =	swait.ge @p0 [sflag:s0], $0x3C00  }
0xb2: {  	[sflag:s0] =	ssyncset.done @p0 $0x0  }
0xb3: {  	s7 =	sadd.s32 @p0 $0x180, s9;
	[sflag:s0] =	ssyncadd.s32 @p0 $0xFFFFC400;
	s0 =	simm.s32 @p0 $0xDC00  }
0xb4: {  	[tilespmem:s0], [sflag:$0x4] =	stream.indirect.gather @p0 [hbm4b:s2+s1], $0x80, s7, s1, $0xb8;
	[tilespmem:$0x15400] =	vst v63  }
0xb5: {  	s0 =	simm.s32 @p0 $0xF  }
0xb6: {  	_ =	swait.ge @p0 [sflag:s0], $0x3C00  }
0xb7: {  	s1 =	simm.s32 @!p0 $0x2800;
	[sflag:s0] =	ssyncset.done @p0 $0x0  }
0xb8: {  	s7 =	simm.s32 @!p0 $0x78;
	[sflag:s0] =	ssyncadd.s32 @p0 $0xFFFFC400;
	s0 =	simm.s32 @!p0 $0x0  }
0xb9: {  	[tilespmem:s1], [sflag:$0x1] =	stream.indirect.gather @!p0 [hbm4b:s2+s7], $0x80, s0, s7, $0xb8;
	[tilespmem:$0x15400] =	vst v63  }
0xba: {  	s0 =	simm.s32 @!p0 $0x80;
	s1 =	simm.s32 @!p0 $0x6400  }
0xbb: {  	[tilespmem:s1], [sflag:$0x2] =	stream.indirect.gather @!p0 [hbm4b:s2+s7], $0x80, s0, s7, $0xb8;
	[tilespmem:$0x15400] =	vst v63  }
0xbc: {  	s0 =	simm.s32 @!p0 $0x100;
	s1 =	simm.s32 @!p0 $0xA000  }
0xbd: {  	[tilespmem:s1], [sflag:$0x3] =	stream.indirect.gather @!p0 [hbm4b:s2+s7], $0x80, s0, s7, $0xb8;
	[tilespmem:$0x15400] =	vst v63  }
0xbe: {  	s15 =	sshra.s32 s30, $0x2;
	s0 =	simm.s32 @!p0 $0x180;
	s1 =	simm.s32 @!p0 $0xDC00  }
0xbf: {  	[tilespmem:s1], [sflag:$0x4] =	stream.indirect.gather @!p0 [hbm4b:s2+s7], $0x80, s0, s7, $0xb8;
	[tilespmem:$0x15400] =	vst v63  }
0xc0: {  	s19 =	simm.s32 $0x1;
	s17 =	sadd.s32 $0x200, s15  }
0xc1: {  	[tilespmem:s10], [sflag:$0x5] =	stream.indirect.gather [hbm4b:s2+s12], $0x80, s17, s12, $0xb8;
	[tilespmem:$0x15400] =	vst v63  }
0xc2: {  	s1 =	smov.u32 s29;
	_ =	swait.ge [sflag:s19], $0x3C00  }
0xc3: {  	s21 =	simm.s32 $0x2800;
	s1 =	simm.s32 @!p0 $0x0;
	[sflag:s19] =	ssyncset.done $0x0  }
0xc4: {  	s30 =	simm.s32 $0x2;
	s1 =	sadd.s32 $0x1400, s1;
	[sflag:s19] =	ssyncadd.s32 $0xFFFFC400  }
0xc5: {  	[tilespmem:s21], [sflag:$0x6] =	stream.indirect.gather.add.f32 [hbm:s2], $0x80, s1, s12, $0xb8;
	[tilespmem:$0x15400] =	vst v63  }
0xc6: {  	s1 =	sadd.s32 @p0 $0x80, s29;
	_ =	swait.ge [sflag:s30], $0x3C00  }
0xc7: {  	s1 =	simm.s32 @!p0 $0x80;
	[sflag:s30] =	ssyncset.done $0x0  }
0xc8: {  	s31 =	simm.s32 $0x6400;
	s1 =	sadd.s32 $0x1400, s1;
	[sflag:s30] =	ssyncadd.s32 $0xFFFFC400  }
0xc9: {  	[tilespmem:s31], [sflag:$0x7] =	stream.indirect.gather.add.f32 [hbm:s2], $0x80, s1, s12, $0xb8;
	[tilespmem:$0x15400] =	vst v63  }
0xca: {  	s1 =	sadd.s32 @p0 $0x100, s29;
	_ =	swait.ge [sflag:s18], $0x3C00  }
0xcb: {  	s1 =	simm.s32 @!p0 $0x100;
	[sflag:s18] =	ssyncset.done $0x0  }
0xcc: {  	s13 =	simm.s32 $0xA000;
	s1 =	sadd.s32 $0x1400, s1;
	[sflag:s18] =	ssyncadd.s32 $0xFFFFC400  }
0xcd: {  	[tilespmem:s13], [sflag:$0x8] =	stream.indirect.gather.add.f32 [hbm:s2], $0x80, s1, s12, $0xb8;
	[tilespmem:$0x15400] =	vst v63  }
0xce: {  	s1 =	sadd.s32 @p0 $0x180, s29;
	_ =	swait.ge [sflag:s20], $0x3C00  }
0xcf: {  	s1 =	simm.s32 @!p0 $0x180;
	[sflag:s20] =	ssyncset.done $0x0  }
0xd0: {  	s14 =	simm.s32 $0xDC00;
	s1 =	sadd.s32 $0x1400, s1;
	[sflag:s20] =	ssyncadd.s32 $0xFFFFC400  }
0xd1: {  	[tilespmem:s14], [sflag:$0x9] =	stream.indirect.gather.add.f32 [hbm:s2], $0x80, s1, s12, $0xb8;
	[tilespmem:$0x15400] =	vst v63  }
0xd2: {  	_ =	swait.ge [sflag:s22], $0x3C00  }
0xd3: {  	[sflag:s22] =	ssyncset.done $0x0  }
0xd4: {  	s0 =	sadd.s32 $0x1600, s15;
	[sflag:s22] =	ssyncadd.s32 $0xFFFFC400  }
0xd5: {  	[tilespmem:s10], [sflag:$0xA] =	stream.indirect.gather.add.f32 [hbm:s2], $0x80, s0, s12, $0xb8;
	[tilespmem:$0x15400] =	vst v63  }
0xd6: {  	_ =	swait.ge [sflag:s23], $0x3C00  }
0xd7: {  	s0 =	sadd.s32 @p0 $0xFFFFFF10, s11;
	[sflag:s23] =	ssyncset.done $0x0  }
0xd8: {  	s0 =	simm.s32 @!p0 $0x78;
	[sflag:s23] =	ssyncadd.s32 $0xFFFFC400  }
0xd9: {  	[hbm4b:s8+s3] =	stream.linear.scatter [tilespmem:s21], [sflag:$0xB], $0x3C00, $0x38;
	[tilespmem:$0x15400] =	vst v63  }
0xda: {  	s0 =	sadd.s32 s5, s0;
	_ =	swait.ge [sflag:s24], $0x3C00  }
0xdb: {  	s0 =	sshll.u32 s0, $0x4;
	[sflag:s24] =	ssyncset.done $0x0  }
0xdc: {  	s0 =	sadd.s32 s4, s0;
	[sflag:s24] =	ssyncadd.s32 $0xFFFFC400  }
0xdd: {  	[hbm4b:s0+s3] =	stream.linear.scatter [tilespmem:s31], [sflag:$0xC], $0x3C00, $0x38;
	[tilespmem:$0x15400] =	vst v63  }
0xde: {  	s0 =	sadd.s32 @p0 $0xFFFFFF88, s11  }
0xdf: {  	s0 =	simm.s32 @!p0 $0xF0  }
0xe0: {  	_ =	swait.ge [sflag:s25], $0x3C00;
	s0 =	sadd.s32 s5, s0  }
0xe1: {  	[sflag:s25] =	ssyncset.done $0x0;
	s0 =	sshll.u32 s0, $0x4  }
0xe2: {  	s11 =	simm.s32 @!p0 $0x168;
	[sflag:s25] =	ssyncadd.s32 $0xFFFFC400;
	s0 =	sadd.s32 s4, s0  }
0xe3: {  	[hbm4b:s0+s3] =	stream.linear.scatter [tilespmem:s13], [sflag:$0xD], $0x3C00, $0x38;
	[tilespmem:$0x15400] =	vst v63  }
0xe4: {  	s13 =	sadd.s32 s5, s11;
	_ =	swait.ge [sflag:s26], $0x3C00  }
0xe5: {  	s0 =	sshll.u32 s13, $0x4;
	[sflag:s26] =	ssyncset.done $0x0  }
0xe6: {  	s0 =	sadd.s32 s4, s0;
	[sflag:s26] =	ssyncadd.s32 $0xFFFFC400  }
0xe7: {  	[hbm4b:s0+s3] =	stream.linear.scatter [tilespmem:s14], [sflag:$0xE], $0x3C00, $0x38;
	[tilespmem:$0x15400] =	vst v63  }
0xe8: {  	_ =	swait.ge [sflag:s28], $0x3C00  }
0xe9: {  	[sflag:s28] =	ssyncset.done $0x0  }
0xea: {  	s15 =	simm.s32 $0xB;
	[sflag:s28] =	ssyncadd.s32 $0xFFFFC400  }
0xeb: {  	[hbm4b:s6+s3] =	stream.linear.scatter [tilespmem:s10], [sflag:$0xF], $0x3C00, $0x38;
	[tilespmem:$0x15400] =	vst v63  }
0xec: {  	_ =	swait.ge [sflag:s15], $0x3C00  }
0xed: {  	[sflag:s15] =	ssyncset.done $0x0  }
0xee: {  	s17 =	simm.s32 $0xC;
	[sflag:s15] =	ssyncadd.s32 $0xFFFFC400  }
0xef: {  	_ =	swait.ge [sflag:s17], $0x3C00  }
0xf0: {  	[sflag:s17] =	ssyncset.done $0x0  }
0xf1: {  	s19 =	simm.s32 $0xD;
	[sflag:s17] =	ssyncadd.s32 $0xFFFFC400  }
0xf2: {  	_ =	swait.ge [sflag:s19], $0x3C00  }
0xf3: {  	[sflag:s19] =	ssyncset.done $0x0  }
0xf4: {  	s21 =	simm.s32 $0xE;
	[sflag:s19] =	ssyncadd.s32 $0xFFFFC400  }
0xf5: {  	_ =	swait.ge [sflag:s21], $0x3C00  }
0xf6: {  	[sflag:s21] =	ssyncset.done $0x0  }
0xf7: {  	s29 =	simm.s32 $0xF;
	[sflag:s21] =	ssyncadd.s32 $0xFFFFC400  }
0xf8: {  	_ =	swait.ge [sflag:s29], $0x3C00  }
0xf9: {  	s30 =	rddreg [dreg:$0x7]  }
0xfa: {  	s31 =	rddreg [dreg:$0x5];
	s6 =	sadd.s32 $0x1, s30  }
0xfb: {  	p0 =	sne.s32 s6, s31  }
.Ltmp1:
0xfc: {  	_ = 	snop;
	(pc) =	sbr.rel @p0 .LBB2_1-.Ltmp1, $3  }
0xfd: {  	_ =	sdelay $0x1  }
0xfe: {  	[sflag:s29] =	ssyncset.done $0x0  }
0xff: {  	[sflag:s29] =	ssyncadd.s32 $0xFFFFC400  }
0x100: {  	_ =	sfence.sel $0x180000  }
0x101: {  	[bflag:$0x0] =	sbarrier.arrive $0xFFFF  }
0x102: {  	_ =	strace $0x9000004A  }
0x103: {  	s0 =	stileid.u32;
	[bflag:$0x2] =	sbarrier.arrive $0xFFFF  }
0x104: {  	p0 =	sne.s32 s0, $0x0;
	s0 =	rddreg [dreg:$0x2]  }
0x105: {  	s0 =	sadd.s32 @!p0 $0x100000, s0  }
0x106: {  	[sflag:s0] =	ssyncadd.tile.s32 @!p0 $0x1;
	_ =	shalt  }
.Lfunc_end2:
_tile_overlayer_lowered:
.L_overlay_start_2:
0x107: {  	(tag) =	ssettag $0x2  }
0x108: {  	s0 =	rddreg [dreg:$0x0];
	s2 =	stileid.u32  }
0x109: {  	s1 =	rddreg [dreg:$0x1];
	p0 =	sne.s32 s2, $0x0  }
0x10a: {  	s3 =	rddreg [dreg:$0x2];
	[bflag:$0x3] =	sbarrier.arrive $0xFFFF;
	s2 =	simm.s32 @!p0 $0x1C10  }
0x10b: {  	[timem:s3], [sflag:s2] =	dma.local @!p0 [hbm:s0], s1  }
0x10c: {  	s0 =	simm.s32 @!p0 $0x10  }
0x10d: {  	_ =	swait.ge @!p0 [sflag:s0], s1  }
0x10e: {  	s1 =	ssub.s32 @!p0 $0x0, s1;
	[sflag:s0] =	ssyncset.done @!p0 $0x0  }
0x10f: {  	[sflag:s0] =	ssyncadd.s32 @!p0 s1  }
0x110: {  	[bflag:$0x3] =	sbarrier.arrive $0xFFFF  }
0x111: {  	_ =	shalt  }

// kernel: kernel.6.cloned.1.call-start
scs
__scs_entry_jumppad:
0x0: {  	(pc) =	sbr.rel $0x88, $3  }
0x1: {  	(tag) =	ssettag $0x0;
	lr =	simm.s32 $0x1  }
0x2: {  	[smem:$0x3F85] =	sst lr;
	_ =	strace $0xD0000000  }
0x3: {  	_ = 	snop  }
0x4: {  	_ = 	snop  }
0x5: {  	_ = 	snop  }
0x6: {  	_ = 	snop  }
0x7: {  	_ = 	snop  }
__scs_overlays_trampoline_lowered:
0x8: {  	[smem:$0x3F94] =	sst s0  }
0x9: {  	[smem:$0x3F95] =	sst s1  }
0xa: {  	[smem:$0x3F96] =	sst s2  }
0xb: {  	[smem:$0x3F97] =	sst s3  }
0xc: {  	[smem:$0x3F98] =	sst s4  }
0xd: {  	[smem:$0x3F99] =	sst s5  }
0xe: {  	[smem:$0x3F9A] =	sst s6  }
0xf: {  	[smem:$0x3F9B] =	sst s7  }
0x10: {  	[smem:$0x3F9C] =	sst s8  }
0x11: {  	[smem:$0x3F9D] =	sst s9;
	s0 =	simm.s32 @!p0 $0x0  }
0x12: {  	s1 =	sld [smem:$0x3F83];
	s0 =	simm.s32 @p0 $0x1  }
0x13: {  	[smem:$0x3F9E] =	sst s0;
	s0 =	simm.s32 @!p1 $0x0  }
0x14: {  	s2 =	sld [smem:$0x3F82];
	s0 =	simm.s32 @p1 $0x1  }
0x15: {  	[smem:$0x3F9F] =	sst s0;
	s0 =	simm.s32 @!p2 $0x0  }
0x16: {  	s3 =	sld [smem:$0x3FDB];
	s0 =	simm.s32 @p2 $0x1  }
0x17: {  	s4 =	simm.s32 $0x1BF5;
	[smem:$0x3FA1] =	sst s0  }
0x18: {  	s0 =	sld [smem:$0x3F84];
	_ =	swait.ge [sflag:s4], $0x0  }
0x19: {  	s7 =	sld [smem:$0x3F85]  }
0x1a: {  	s8 =	sadd.s32 $0xFFFFE003, lr  }
0x1b: {  	s9 =	sadd.s32 $0xFFFFFEF7, lr;
	s5 =	simm.s32 $0xFFFFFFFF;
	p2 =	slt.u32 s8, $0xFFFFF086  }
0x1c: {  	p1 =	slt.u32 s9, $0xF7A;
	s5 =	simm.s32 @!p2 $0x0  }
0x1d: {  	s5 =	simm.s32 @p1 $0x1;
	p0 =	seq.s32 s7, s2  }
0x1e: {  	s7 =	smul.u32 @!p0 $0xF7A, s2;
	p2 =	seq.s32 @!p0 s5, $0x0  }
0x1f: {  	s9 =	smul.u32 $0xF7A, s1;
	s8 =	simm.s32 @!p0 $0x1BF5;
	p2 =	por !p2, p0  }
0x20: {  	[sflag:s8] =	ssyncset.s32 @!p0 $0xFFFFF086;
	s6 =	sadd.s32 @!p0 s3, s7;
	s7 =	simm.s32 @!p0 $0x108  }
0x21: {  	s3 =	sadd.s32 s3, s9;
	s6 =	sadd.s32 @!p0 $0x88, s6;
	s7 =	simm.s32 @p2 $0x1082  }
0x22: {  	[simem:s7], [sflag:s8] =	dma.local @!p0 [hbm:s6], $0xF7A  }
0x23: {  	s9 =	sor.u32 $0xD0000000, s2;
	s6 =	simm.s32 $0x108;
	_ =	swait.ge @!p0 [sflag:s8], $0x0  }
0x24: {  	s3 =	sadd.s32 $0x88, s3;
	s6 =	simm.s32 @!p1 $0x1082;
	[sflag:s4] =	ssyncset.s32 $0xFFFFF086  }
0x25: {  	[simem:s6], [sflag:s4] =	dma.local [hbm:s3], $0xF7A  }
0x26: {  	[smem:$0x3F85] =	sst s1;
	(tag) =	ssettag s2;
	_ =	strace s9  }
0x27: {  	s1 =	sld [smem:$0x3F95]  }
0x28: {  	s2 =	sld [smem:$0x3F96]  }
0x29: {  	s4 =	sld [smem:$0x3F98]  }
0x2a: {  	p0 =	seq.s32 s5, $0x0;
	s5 =	sld [smem:$0x3F99]  }
0x2b: {  	s6 =	sld [smem:$0x3F9A]  }
0x2c: {  	s7 =	sld [smem:$0x3F9B]  }
0x2d: {  	s3 =	simm.s32 $0x108;
	s8 =	sld [smem:$0x3F9C]  }
0x2e: {  	s3 =	simm.s32 @!p0 $0x1082;
	s9 =	sld [smem:$0x3F9D]  }
0x2f: {  	lr =	sadd.s32 s0, s3;
	s0 =	sld [smem:$0x3F94]  }
0x30: {  	s3 =	sld [smem:$0x3F97]  }
0x31: {  	[smem:$0x3FA0] =	sst s10  }
0x32: {  	s10 =	sld [smem:$0x3F9E];
	_ =	sdelay $0x3  }
0x33: {  	p0 =	seq.s32 s10, $0x1;
	s10 =	sld [smem:$0x3FA0];
	_ =	sdelay $0x3  }
0x34: {  	[smem:$0x3FA0] =	sst s10  }
0x35: {  	s10 =	sld [smem:$0x3F9F];
	_ =	sdelay $0x3  }
0x36: {  	p1 =	seq.s32 s10, $0x1;
	s10 =	sld [smem:$0x3FA0];
	_ =	sdelay $0x3  }
0x37: {  	[smem:$0x3FA0] =	sst s10  }
0x38: {  	s10 =	sld [smem:$0x3FA1]  }
0x39: {  	_ = 	snop;
	(pc) =	sbr.ind lr, $3  }
0x3a: {  	_ = 	snop  }
0x3b: {  	_ = 	snop  }
0x3c: {  	p2 =	seq.s32 s10, $0x1;
	s10 =	sld [smem:$0x3FA0]  }
0x3d: {  	_ =	shalt  }
0x3e: {  	_ =	shalt  }
0x3f: {  	_ =	shalt  }
0x40: {  	_ =	shalt  }
0x41: {  	_ =	shalt  }
0x42: {  	_ =	shalt  }
0x43: {  	_ =	shalt  }
0x44: {  	_ =	shalt  }
0x45: {  	_ =	shalt  }
0x46: {  	_ =	shalt  }
0x47: {  	_ =	shalt  }
0x48: {  	_ =	shalt  }
0x49: {  	_ =	shalt  }
0x4a: {  	_ =	shalt  }
0x4b: {  	_ =	shalt  }
0x4c: {  	_ =	shalt  }
0x4d: {  	_ =	shalt  }
0x4e: {  	_ =	shalt  }
0x4f: {  	_ =	shalt  }
0x50: {  	_ =	shalt  }
0x51: {  	_ =	shalt  }
0x52: {  	_ =	shalt  }
0x53: {  	_ =	shalt  }
0x54: {  	_ =	shalt  }
0x55: {  	_ =	shalt  }
0x56: {  	_ =	shalt  }
0x57: {  	_ =	shalt  }
0x58: {  	_ =	shalt  }
0x59: {  	_ =	shalt  }
0x5a: {  	_ =	shalt  }
0x5b: {  	_ =	shalt  }
0x5c: {  	_ =	shalt  }
0x5d: {  	_ =	shalt  }
0x5e: {  	_ =	shalt  }
0x5f: {  	_ =	shalt  }
0x60: {  	_ =	shalt  }
0x61: {  	_ =	shalt  }
0x62: {  	_ =	shalt  }
0x63: {  	_ =	shalt  }
0x64: {  	_ =	shalt  }
0x65: {  	_ =	shalt  }
0x66: {  	_ =	shalt  }
0x67: {  	_ =	shalt  }
0x68: {  	_ =	shalt  }
0x69: {  	_ =	shalt  }
0x6a: {  	_ =	shalt  }
0x6b: {  	_ =	shalt  }
0x6c: {  	_ =	shalt  }
0x6d: {  	_ =	shalt  }
0x6e: {  	_ =	shalt  }
0x6f: {  	_ =	shalt  }
0x70: {  	_ =	shalt  }
0x71: {  	_ =	shalt  }
0x72: {  	_ =	shalt  }
0x73: {  	_ =	shalt  }
0x74: {  	_ =	shalt  }
0x75: {  	_ =	shalt  }
0x76: {  	_ =	shalt  }
0x77: {  	_ =	shalt  }
0x78: {  	_ =	shalt  }
0x79: {  	_ =	shalt  }
0x7a: {  	_ =	shalt  }
0x7b: {  	_ =	shalt  }
0x7c: {  	_ =	shalt  }
0x7d: {  	_ =	shalt  }
0x7e: {  	_ =	shalt  }
0x7f: {  	_ =	shalt  }
0x80: {  	_ =	shalt  }
0x81: {  	_ =	shalt  }
0x82: {  	_ =	shalt  }
0x83: {  	_ =	shalt  }
0x84: {  	_ =	shalt  }
0x85: {  	_ =	shalt  }
0x86: {  	_ =	shalt  }
0x87: {  	_ =	shalt  }
.Lfunc_end0:
.L_simem_size_0:
called_computation_lowered:
.L_overlay_start_0:
0x88: {  	s2 =	sld [smem:$0x3FD9]  }
0x89: {  	s3 =	sld [smem:$0x3FFE];
	_ =	sdelay $0x1  }
0x8a: {  	s1 =	srdreg.scid  }
0x8b: {  	s0 =	sand.u32 $0x1, s1  }
0x8c: {  	s17 =	sshll.u32 s0, $0xA;
	s2 =	sadd.s32 s3, s2  }
0x8d: {  	s2 =	sadd.s32 s2, s17  }
0x8e: {  	[smem:$0x3FAC] =	sst s2  }
0x8f: {  	_ = 	snop  }
0x90: {  	s2 =	sld [smem:$0x3FC9];
	(tm) =	ssettm $0x1  }
0x91: {  	s18 =	sld [smem:$0x3FFB];
	_ =	sdelay $0x3  }
0x92: {  	_ =	strace s18  }
0x93: {  	s3 =	sld [smem:$0x3FFC];
	_ =	sdelay $0x3  }
0x94: {  	_ =	strace s3  }
0x95: {  	s3 =	sld [smem:$0x3FFD];
	_ =	sdelay $0x3  }
0x96: {  	_ =	strace s3  }
0x97: {  	_ =	strace $0x8FFFFFFF  }
0x98: {  	s19 =	sld [smem:$0x3FDB];
	_ =	sdelay $0x1  }
0x99: {  	s4 =	simm.s32 $_scs_section_size  }
0x9a: {  	s5 =	simm.s32 $_size__tile_overlayer_lowered;
	s6 =	simm.s32 $_tile_overlayer_lowered  }
0x9b: {  	s22 =	simm.s32 $0x1BFF;
	s21 =	sshll.u32 s6, $0x1;
	s3 =	sadd.s32 s4, s19  }
0x9c: {  	s7 =	simm.s32 $0x0;
	s20 =	sshll.u32 s5, $0x1;
	s5 =	sadd.s32 s21, s3  }
0x9d: {  	[timem:s7], [sflag:s22] =	dma.local [hbm:s5], s20  }
0x9e: {  	_ =	swait.ge [sflag:s22], s20  }
0x9f: {  	s4 =	ssub.s32 $0x0, s20;
	[sflag:s22] =	ssyncset.done $0x0  }
0xa0: {  	[sflag:s22] =	ssyncadd.s32 s4;
	_ =	sdelay $0x1  }
0xa1: {  	s23 =	simm.s32 $0x1B8B  }
0xa2: {  	_ =	swait.ge [sflag:s23], $0x1  }
0xa3: {  	[sflag:s23] =	ssyncset.done $0x0  }
0xa4: {  	s25 =	simm.s32 $0x1B8E;
	s24 =	sld [smem:$0x3FFE];
	[sflag:s23] =	ssyncadd.s32 $0xFFFFFFFF  }
0xa5: {  	s26 =	simm.s32 $execute0_lowered;
	[smem:$0x3FD2] =	sst s25  }
0xa6: {  	s5 =	sshll.u32 s26, $0x1;
	_ =	strace $0x80000046;
	[dreg:$0x1] =	wrdreg $0xFFFFFFFF  }
0xa7: {  	s28 =	simm.s32 $_size_execute0_lowered;
	s3 =	sadd.s32 s3, s5;
	[dreg:$0x0] =	wrdreg $0x0  }
0xa8: {  	s5 =	sshll.u32 s28, $0x1;
	[dreg:$0x2] =	wrdreg s3  }
0xa9: {  	[dreg:$0x3] =	wrdreg s5  }
0xaa: {  	[dreg:$0x4] =	wrdreg $0xC0  }
0xab: {  	_ =	task [dreg:s7], $0x5FFFF  }
0xac: {  	[dreg:$0x1] =	wrdreg $0xFFFFFFFF  }
0xad: {  	[dreg:$0x0] =	wrdreg $0x60  }
0xae: {  	[dreg:$0x2] =	wrdreg s2  }
0xaf: {  	[dreg:$0x3] =	wrdreg s24  }
0xb0: {  	[dreg:$0x4] =	wrdreg $0x9  }
0xb1: {  	_ =	task.clear_ibuf [dreg:s7], $0x5FFFF;
	_ =	strace $0x90000046  }
0xb2: {  	s29 =	simm.s32 $0x9;
	_ =	strace $0x80000048  }
0xb3: {  	_ =	swait.ge [sflag:s29], $0x1  }
0xb4: {  	[sflag:s29] =	ssyncadd.s32 $0xFFFFFFFF  }
0xb5: {  	_ =	strace $0x90000048  }
0xb6: {  	_ =	sfence  }
0xb7: {  	s30 =	sld [smem:$0x0];
	_ =	sdelay $0x2  }
0xb8: {  	s31 =	sshll.u32 s1, $0xD;
	s1 =	sshrl.u32 s1, $0x2  }
0xb9: {  	s3 =	sand.u32 $0x4000, s31;
	s1 =	sadd.s32 s1, s30  }
0xba: {  	s0 =	sor.u32 s3, s0;
	s1 =	sshll.u32 s1, $0x11  }
0xbb: {  	s0 =	sor.u32 s1, s0  }
0xbc: {  	s0 =	sadd.s32 $0x8F2B, s0  }
0xbd: {  	[sflag:s0] =	ssyncadd.remote.s32 $0x1  }
0xbe: {  	_ =	sfence.sel $0xFFFF  }
0xbf: {  	[dreg:$0x0] =	wrdreg $0xFFFFFFFF;
	(pc) =	sbr.abs _section_cstart, $3  }
0xc0: {  	[dreg:$0x1] =	wrdreg $0xFFFFFFFF  }
0xc1: {  	_ =	task.clear_ibuf [dreg:s7], $0x2FFFF;
	_ =	strace $0x9FFFFFFF  }
0xc2: {  	(tm) =	ssettm $0x7FFFFFFF  }
0xc3: {  	_ =	shalt  }
tec
execute0_lowered:
.L_overlay_start_1:
0x0: {  	(tag) =	ssettag $0x1  }
0x1: {  	s1 =	srdreg.scid;
	s0 =	stileid.u32  }
0x2: {  	s24 =	sand.u32 $0x1, s1;
	s30 =	sshll.u32 s0, $0x1  }
0x3: {  	s2 =	rddreg [dreg:$0x0];
	s16 =	sor.u32 s24, s30  }
0x4: {  	s15 =	rddreg [dreg:$0x1];
	s3 =	simm.s32 $0x0;
	s4 =	sshll.u32 s16, $0x6  }
0x5: {  	s5 =	simm.s32 $0x9;
	[smem:$0x7FF] =	sst s3;
	s4 =	sadd.s32 s4, s15  }
0x6: {  	s1 =	rddreg [dreg:$0x2];
	_ =	strace $0x80000047;
	s4 =	sadd.s32 $0x4A00, s4  }
0x7: {  	[tilespmem:s3], [sflag:$0x9] =	stream.linear.gather [hbm4b:s4+s3], $0x200, $0x38;
	[tilespmem:$0xA200] =	vst v63  }
0x8: {  	_ =	swait.ge [sflag:s5], $0x200  }
0x9: {  	[sflag:s5] =	ssyncset.done $0x0  }
0xa: {  	s6 =	simm.s32 $0x50;
	s7 =	simm.s32 $0x200;
	[sflag:s5] =	ssyncadd.s32 $0xFFFFFE00  }
0xb: {  	[tilespmem:s7], [sflag:$0x1] =	stream.indirect.gather [hbm4b:s2+s6], $0x80, s3, s6, $0xb8;
	[tilespmem:$0xA200] =	vst v63  }
0xc: {  	s8 =	simm.s32 $0x80;
	s9 =	simm.s32 $0x2A00  }
0xd: {  	[tilespmem:s9], [sflag:$0x2] =	stream.indirect.gather [hbm4b:s2+s6], $0x80, s8, s6, $0xb8;
	[tilespmem:$0xA200] =	vst v63  }
0xe: {  	s10 =	simm.s32 $0x100;
	s11 =	simm.s32 $0x5200  }
0xf: {  	[tilespmem:s11], [sflag:$0x3] =	stream.indirect.gather [hbm4b:s2+s6], $0x80, s10, s6, $0xb8;
	[tilespmem:$0xA200] =	vst v63  }
0x10: {  	s12 =	simm.s32 $0x180;
	s13 =	simm.s32 $0x7A00;
	s14 =	simm.s32 $0x1  }
0x11: {  	[tilespmem:s13], [sflag:$0x4] =	stream.indirect.gather [hbm4b:s2+s6], $0x80, s12, s6, $0xb8;
	[tilespmem:$0xA200] =	vst v63  }
0x12: {  	s17 =	smul.u32 $0x1400, s16;
	_ =	swait.ge [sflag:s14], $0x2800  }
0x13: {  	s18 =	sadd.s32 $0x5200, s15;
	s31 =	smul.u32 $0xA000, s16;
	[sflag:s14] =	ssyncset.done $0x0  }
0x14: {  	s16 =	simm.s32 $0x2;
	s15 =	sadd.s32 s18, s17;
	[sflag:s14] =	ssyncadd.s32 $0xFFFFD800  }
0x15: {  	[hbm4b:s15+s3] =	stream.linear.scatter [tilespmem:s7], [sflag:$0x5], $0x2800, $0x38;
	[tilespmem:$0xA200] =	vst v63  }
0x16: {  	s17 =	sshrl.u32 s31, $0x3;
	_ =	swait.ge [sflag:s16], $0x2800  }
0x17: {  	s21 =	sadd.s32 s18, s17;
	[sflag:s16] =	ssyncset.done $0x0  }
0x18: {  	s18 =	simm.s32 $0x3;
	s17 =	sadd.s32 $0x500, s21;
	[sflag:s16] =	ssyncadd.s32 $0xFFFFD800  }
0x19: {  	[hbm4b:s17+s3] =	stream.linear.scatter [tilespmem:s9], [sflag:$0x6], $0x2800, $0x38;
	[tilespmem:$0xA200] =	vst v63  }
0x1a: {  	_ =	swait.ge [sflag:s18], $0x2800  }
0x1b: {  	[sflag:s18] =	ssyncset.done $0x0  }
0x1c: {  	s20 =	simm.s32 $0x4;
	s19 =	sadd.s32 $0xA00, s21;
	[sflag:s18] =	ssyncadd.s32 $0xFFFFD800  }
0x1d: {  	[hbm4b:s19+s3] =	stream.linear.scatter [tilespmem:s11], [sflag:$0x7], $0x2800, $0x38;
	[tilespmem:$0xA200] =	vst v63  }
0x1e: {  	_ =	swait.ge [sflag:s20], $0x2800  }
0x1f: {  	[sflag:s20] =	ssyncset.done $0x0  }
0x20: {  	s22 =	simm.s32 $0x5;
	s21 =	sadd.s32 $0xF00, s21;
	[sflag:s20] =	ssyncadd.s32 $0xFFFFD800  }
0x21: {  	[hbm4b:s21+s3] =	stream.linear.scatter [tilespmem:s13], [sflag:$0x8], $0x2800, $0x38;
	[tilespmem:$0xA200] =	vst v63  }
0x22: {  	_ =	swait.ge [sflag:s22], $0x2800  }
0x23: {  	s25 =	ssub.s32 $0x2, s24;
	[sflag:s22] =	ssyncset.done $0x0  }
0x24: {  	s23 =	simm.s32 $0x6;
	s26 =	sshrl.u32 s25, $0x1;
	[sflag:s22] =	ssyncadd.s32 $0xFFFFD800  }
0x25: {  	s25 =	ssub.s32 s25, s26;
	_ =	swait.ge [sflag:s23], $0x2800  }
0x26: {  	s26 =	smax.u32 s25, $0x1;
	[sflag:s23] =	ssyncset.done $0x0  }
0x27: {  	s24 =	simm.s32 $0x7;
	p0 =	sne.s32 s26, $0x1;
	[sflag:s23] =	ssyncadd.s32 $0xFFFFD800  }
.Ltmp0:
0x28: {  	_ =	swait.ge [sflag:s24], $0x2800;
	(pc) =	sbr.rel @!p0 .LBB2_2-.Ltmp0, $4  }
0x29: {  	[sflag:s24] =	ssyncset.done $0x0  }
0x2a: {  	s25 =	simm.s32 $0x8;
	[sflag:s24] =	ssyncadd.s32 $0xFFFFD800  }
0x2b: {  	_ =	swait.ge [sflag:s25], $0x2800  }
0x2c: {  	s26 =	sadd.s32 $0xFFFFFFFF, s26;
	[sflag:s25] =	ssyncset.done $0x0  }
.LBB2_1:
0x2d: {  	p0 =	sne.s32 s26, $0x1;
	s26 =	sadd.s32 $0xFFFFFFFF, s26;
	[sflag:s25] =	ssyncadd.s32 $0xFFFFD800  }
0x2e: {  	[tilespmem:s3], [sflag:$0x9] =	stream.linear.gather [hbm4b:s4+s3], $0x200, $0x38;
	[tilespmem:$0xA200] =	vst v63  }
0x2f: {  	_ =	swait.ge [sflag:s5], $0x200  }
0x30: {  	[sflag:s5] =	ssyncset.done $0x0  }
0x31: {  	[sflag:s5] =	ssyncadd.s32 $0xFFFFFE00  }
0x32: {  	[tilespmem:s7], [sflag:$0x1] =	stream.indirect.gather [hbm4b:s2+s6], $0x80, s3, s6, $0xb8;
	[tilespmem:$0xA200] =	vst v63  }
0x33: {  	_ = 	snop  }
0x34: {  	[tilespmem:s9], [sflag:$0x2] =	stream.indirect.gather [hbm4b:s2+s6], $0x80, s8, s6, $0xb8;
	[tilespmem:$0xA200] =	vst v63  }
0x35: {  	_ = 	snop  }
0x36: {  	[tilespmem:s11], [sflag:$0x3] =	stream.indirect.gather [hbm4b:s2+s6], $0x80, s10, s6, $0xb8;
	[tilespmem:$0xA200] =	vst v63  }
0x37: {  	_ = 	snop  }
0x38: {  	[tilespmem:s13], [sflag:$0x4] =	stream.indirect.gather [hbm4b:s2+s6], $0x80, s12, s6, $0xb8;
	[tilespmem:$0xA200] =	vst v63  }
0x39: {  	_ =	swait.ge [sflag:s14], $0x2800  }
0x3a: {  	[sflag:s14] =	ssyncset.done $0x0  }
0x3b: {  	[sflag:s14] =	ssyncadd.s32 $0xFFFFD800  }
0x3c: {  	[hbm4b:s15+s3] =	stream.linear.scatter [tilespmem:s7], [sflag:$0x5], $0x2800, $0x38;
	[tilespmem:$0xA200] =	vst v63  }
0x3d: {  	_ =	swait.ge [sflag:s16], $0x2800  }
0x3e: {  	[sflag:s16] =	ssyncset.done $0x0  }
0x3f: {  	[sflag:s16] =	ssyncadd.s32 $0xFFFFD800  }
0x40: {  	[hbm4b:s17+s3] =	stream.linear.scatter [tilespmem:s9], [sflag:$0x6], $0x2800, $0x38;
	[tilespmem:$0xA200] =	vst v63  }
0x41: {  	_ =	swait.ge [sflag:s18], $0x2800  }
0x42: {  	[sflag:s18] =	ssyncset.done $0x0  }
0x43: {  	[sflag:s18] =	ssyncadd.s32 $0xFFFFD800  }
0x44: {  	[hbm4b:s19+s3] =	stream.linear.scatter [tilespmem:s11], [sflag:$0x7], $0x2800, $0x38;
	[tilespmem:$0xA200] =	vst v63  }
0x45: {  	_ =	swait.ge [sflag:s20], $0x2800  }
0x46: {  	[sflag:s20] =	ssyncset.done $0x0  }
0x47: {  	[sflag:s20] =	ssyncadd.s32 $0xFFFFD800  }
0x48: {  	[hbm4b:s21+s3] =	stream.linear.scatter [tilespmem:s13], [sflag:$0x8], $0x2800, $0x38;
	[tilespmem:$0xA200] =	vst v63  }
0x49: {  	_ =	swait.ge [sflag:s22], $0x2800  }
0x4a: {  	[sflag:s22] =	ssyncset.done $0x0  }
0x4b: {  	[sflag:s22] =	ssyncadd.s32 $0xFFFFD800  }
0x4c: {  	_ =	swait.ge [sflag:s23], $0x2800  }
0x4d: {  	[sflag:s23] =	ssyncset.done $0x0  }
0x4e: {  	[sflag:s23] =	ssyncadd.s32 $0xFFFFD800  }
.Ltmp1:
0x4f: {  	_ =	swait.ge [sflag:s24], $0x2800;
	(pc) =	sbr.rel @p0 .LBB2_1-.Ltmp1, $4  }
0x50: {  	[sflag:s24] =	ssyncset.done $0x0  }
0x51: {  	[sflag:s24] =	ssyncadd.s32 $0xFFFFD800  }
0x52: {  	_ =	swait.ge [sflag:s25], $0x2800  }
0x53: {  	[sflag:s25] =	ssyncset.done $0x0  }
.LBB2_2:
0x54: {  	[sflag:s25] =	ssyncadd.s32 $0xFFFFD800  }
0x55: {  	_ =	sfence.sel $0x180000  }
0x56: {  	[bflag:$0x0] =	sbarrier.arrive $0xFFFF  }
0x57: {  	p0 =	sne.s32 s0, $0x0;
	_ =	strace $0x90000047  }
0x58: {  	s0 =	sadd.s32 @!p0 $0x100000, s1;
	[bflag:$0x2] =	sbarrier.arrive $0xFFFF  }
0x59: {  	[sflag:s0] =	ssyncadd.tile.s32 @!p0 $0x1;
	_ =	shalt  }
.Lfunc_end2:
_tile_overlayer_lowered:
.L_overlay_start_2:
0x5a: {  	(tag) =	ssettag $0x2  }
0x5b: {  	s0 =	rddreg [dreg:$0x0];
	s2 =	stileid.u32  }
0x5c: {  	s1 =	rddreg [dreg:$0x1];
	p0 =	sne.s32 s2, $0x0  }
0x5d: {  	s3 =	rddreg [dreg:$0x2];
	[bflag:$0x3] =	sbarrier.arrive $0xFFFF;
	s2 =	simm.s32 @!p0 $0x1C09  }
0x5e: {  	[timem:s3], [sflag:s2] =	dma.local @!p0 [hbm:s0], s1  }
0x5f: {  	s0 =	simm.s32 @!p0 $0x9  }
0x60: {  	_ =	swait.ge @!p0 [sflag:s0], s1  }
0x61: {  	s1 =	ssub.s32 @!p0 $0x0, s1;
	[sflag:s0] =	ssyncset.done @!p0 $0x0  }
0x62: {  	[sflag:s0] =	ssyncadd.s32 @!p0 s1  }
0x63: {  	[bflag:$0x3] =	sbarrier.arrive $0xFFFF  }
0x64: {  	_ =	shalt  }

// kernel: kernel.9.cloned.1.call-start
scs
__scs_entry_jumppad:
0x0: {  	(pc) =	sbr.rel $0x88, $3  }
0x1: {  	(tag) =	ssettag $0x0;
	lr =	simm.s32 $0x1  }
0x2: {  	[smem:$0x3F85] =	sst lr;
	_ =	strace $0xD0000000  }
0x3: {  	_ = 	snop  }
0x4: {  	_ = 	snop  }
0x5: {  	_ = 	snop  }
0x6: {  	_ = 	snop  }
0x7: {  	_ = 	snop  }
__scs_overlays_trampoline_lowered:
0x8: {  	[smem:$0x3F94] =	sst s0  }
0x9: {  	[smem:$0x3F95] =	sst s1  }
0xa: {  	[smem:$0x3F96] =	sst s2  }
0xb: {  	[smem:$0x3F97] =	sst s3  }
0xc: {  	[smem:$0x3F98] =	sst s4  }
0xd: {  	[smem:$0x3F99] =	sst s5  }
0xe: {  	[smem:$0x3F9A] =	sst s6  }
0xf: {  	[smem:$0x3F9B] =	sst s7  }
0x10: {  	[smem:$0x3F9C] =	sst s8  }
0x11: {  	[smem:$0x3F9D] =	sst s9;
	s0 =	simm.s32 @!p0 $0x0  }
0x12: {  	s1 =	sld [smem:$0x3F83];
	s0 =	simm.s32 @p0 $0x1  }
0x13: {  	[smem:$0x3F9E] =	sst s0;
	s0 =	simm.s32 @!p1 $0x0  }
0x14: {  	s2 =	sld [smem:$0x3F82];
	s0 =	simm.s32 @p1 $0x1  }
0x15: {  	[smem:$0x3F9F] =	sst s0;
	s0 =	simm.s32 @!p2 $0x0  }
0x16: {  	s3 =	sld [smem:$0x3FDB];
	s0 =	simm.s32 @p2 $0x1  }
0x17: {  	s4 =	simm.s32 $0x1BF5;
	[smem:$0x3FA1] =	sst s0  }
0x18: {  	s0 =	sld [smem:$0x3F84];
	_ =	swait.ge [sflag:s4], $0x0  }
0x19: {  	s7 =	sld [smem:$0x3F85]  }
0x1a: {  	s8 =	sadd.s32 $0xFFFFE003, lr  }
0x1b: {  	s9 =	sadd.s32 $0xFFFFFEF7, lr;
	s5 =	simm.s32 $0xFFFFFFFF;
	p2 =	slt.u32 s8, $0xFFFFF086  }
0x1c: {  	p1 =	slt.u32 s9, $0xF7A;
	s5 =	simm.s32 @!p2 $0x0  }
0x1d: {  	s5 =	simm.s32 @p1 $0x1;
	p0 =	seq.s32 s7, s2  }
0x1e: {  	s7 =	smul.u32 @!p0 $0xF7A, s2;
	p2 =	seq.s32 @!p0 s5, $0x0  }
0x1f: {  	s9 =	smul.u32 $0xF7A, s1;
	s8 =	simm.s32 @!p0 $0x1BF5;
	p2 =	por !p2, p0  }
0x20: {  	[sflag:s8] =	ssyncset.s32 @!p0 $0xFFFFF086;
	s6 =	sadd.s32 @!p0 s3, s7;
	s7 =	simm.s32 @!p0 $0x108  }
0x21: {  	s3 =	sadd.s32 s3, s9;
	s6 =	sadd.s32 @!p0 $0x88, s6;
	s7 =	simm.s32 @p2 $0x1082  }
0x22: {  	[simem:s7], [sflag:s8] =	dma.local @!p0 [hbm:s6], $0xF7A  }
0x23: {  	s9 =	sor.u32 $0xD0000000, s2;
	s6 =	simm.s32 $0x108;
	_ =	swait.ge @!p0 [sflag:s8], $0x0  }
0x24: {  	s3 =	sadd.s32 $0x88, s3;
	s6 =	simm.s32 @!p1 $0x1082;
	[sflag:s4] =	ssyncset.s32 $0xFFFFF086  }
0x25: {  	[simem:s6], [sflag:s4] =	dma.local [hbm:s3], $0xF7A  }
0x26: {  	[smem:$0x3F85] =	sst s1;
	(tag) =	ssettag s2;
	_ =	strace s9  }
0x27: {  	s1 =	sld [smem:$0x3F95]  }
0x28: {  	s2 =	sld [smem:$0x3F96]  }
0x29: {  	s4 =	sld [smem:$0x3F98]  }
0x2a: {  	p0 =	seq.s32 s5, $0x0;
	s5 =	sld [smem:$0x3F99]  }
0x2b: {  	s6 =	sld [smem:$0x3F9A]  }
0x2c: {  	s7 =	sld [smem:$0x3F9B]  }
0x2d: {  	s3 =	simm.s32 $0x108;
	s8 =	sld [smem:$0x3F9C]  }
0x2e: {  	s3 =	simm.s32 @!p0 $0x1082;
	s9 =	sld [smem:$0x3F9D]  }
0x2f: {  	lr =	sadd.s32 s0, s3;
	s0 =	sld [smem:$0x3F94]  }
0x30: {  	s3 =	sld [smem:$0x3F97]  }
0x31: {  	[smem:$0x3FA0] =	sst s10  }
0x32: {  	s10 =	sld [smem:$0x3F9E];
	_ =	sdelay $0x3  }
0x33: {  	p0 =	seq.s32 s10, $0x1;
	s10 =	sld [smem:$0x3FA0];
	_ =	sdelay $0x3  }
0x34: {  	[smem:$0x3FA0] =	sst s10  }
0x35: {  	s10 =	sld [smem:$0x3F9F];
	_ =	sdelay $0x3  }
0x36: {  	p1 =	seq.s32 s10, $0x1;
	s10 =	sld [smem:$0x3FA0];
	_ =	sdelay $0x3  }
0x37: {  	[smem:$0x3FA0] =	sst s10  }
0x38: {  	s10 =	sld [smem:$0x3FA1]  }
0x39: {  	_ = 	snop;
	(pc) =	sbr.ind lr, $3  }
0x3a: {  	_ = 	snop  }
0x3b: {  	_ = 	snop  }
0x3c: {  	p2 =	seq.s32 s10, $0x1;
	s10 =	sld [smem:$0x3FA0]  }
0x3d: {  	_ =	shalt  }
0x3e: {  	_ =	shalt  }
0x3f: {  	_ =	shalt  }
0x40: {  	_ =	shalt  }
0x41: {  	_ =	shalt  }
0x42: {  	_ =	shalt  }
0x43: {  	_ =	shalt  }
0x44: {  	_ =	shalt  }
0x45: {  	_ =	shalt  }
0x46: {  	_ =	shalt  }
0x47: {  	_ =	shalt  }
0x48: {  	_ =	shalt  }
0x49: {  	_ =	shalt  }
0x4a: {  	_ =	shalt  }
0x4b: {  	_ =	shalt  }
0x4c: {  	_ =	shalt  }
0x4d: {  	_ =	shalt  }
0x4e: {  	_ =	shalt  }
0x4f: {  	_ =	shalt  }
0x50: {  	_ =	shalt  }
0x51: {  	_ =	shalt  }
0x52: {  	_ =	shalt  }
0x53: {  	_ =	shalt  }
0x54: {  	_ =	shalt  }
0x55: {  	_ =	shalt  }
0x56: {  	_ =	shalt  }
0x57: {  	_ =	shalt  }
0x58: {  	_ =	shalt  }
0x59: {  	_ =	shalt  }
0x5a: {  	_ =	shalt  }
0x5b: {  	_ =	shalt  }
0x5c: {  	_ =	shalt  }
0x5d: {  	_ =	shalt  }
0x5e: {  	_ =	shalt  }
0x5f: {  	_ =	shalt  }
0x60: {  	_ =	shalt  }
0x61: {  	_ =	shalt  }
0x62: {  	_ =	shalt  }
0x63: {  	_ =	shalt  }
0x64: {  	_ =	shalt  }
0x65: {  	_ =	shalt  }
0x66: {  	_ =	shalt  }
0x67: {  	_ =	shalt  }
0x68: {  	_ =	shalt  }
0x69: {  	_ =	shalt  }
0x6a: {  	_ =	shalt  }
0x6b: {  	_ =	shalt  }
0x6c: {  	_ =	shalt  }
0x6d: {  	_ =	shalt  }
0x6e: {  	_ =	shalt  }
0x6f: {  	_ =	shalt  }
0x70: {  	_ =	shalt  }
0x71: {  	_ =	shalt  }
0x72: {  	_ =	shalt  }
0x73: {  	_ =	shalt  }
0x74: {  	_ =	shalt  }
0x75: {  	_ =	shalt  }
0x76: {  	_ =	shalt  }
0x77: {  	_ =	shalt  }
0x78: {  	_ =	shalt  }
0x79: {  	_ =	shalt  }
0x7a: {  	_ =	shalt  }
0x7b: {  	_ =	shalt  }
0x7c: {  	_ =	shalt  }
0x7d: {  	_ =	shalt  }
0x7e: {  	_ =	shalt  }
0x7f: {  	_ =	shalt  }
0x80: {  	_ =	shalt  }
0x81: {  	_ =	shalt  }
0x82: {  	_ =	shalt  }
0x83: {  	_ =	shalt  }
0x84: {  	_ =	shalt  }
0x85: {  	_ =	shalt  }
0x86: {  	_ =	shalt  }
0x87: {  	_ =	shalt  }
.Lfunc_end0:
.L_simem_size_0:
called_computation.1_lowered:
.L_overlay_start_0:
0x88: {  	s2 =	sld [smem:$0x3FD9]  }
0x89: {  	s3 =	sld [smem:$0x3FFE];
	_ =	sdelay $0x1  }
0x8a: {  	s1 =	srdreg.scid  }
0x8b: {  	s0 =	sand.u32 $0x1, s1  }
0x8c: {  	s17 =	sshll.u32 s0, $0xA;
	s2 =	sadd.s32 s3, s2  }
0x8d: {  	s2 =	sadd.s32 s2, s17  }
0x8e: {  	[smem:$0x3FAC] =	sst s2  }
0x8f: {  	_ = 	snop  }
0x90: {  	s18 =	sld [smem:$0x3FC9]  }
0x91: {  	s4 =	sld [smem:$0x3FD0];
	(tm) =	ssettm $0x1  }
0x92: {  	s19 =	sld [smem:$0x3FFB];
	_ =	sdelay $0x3  }
0x93: {  	_ =	strace s19  }
0x94: {  	s2 =	sld [smem:$0x3FFC];
	_ =	sdelay $0x3  }
0x95: {  	_ =	strace s2  }
0x96: {  	s2 =	sld [smem:$0x3FFD];
	_ =	sdelay $0x3  }
0x97: {  	_ =	strace s2  }
0x98: {  	_ =	strace $0x8FFFFFFF  }
0x99: {  	s20 =	sld [smem:$0x3FDB];
	_ =	sdelay $0x1  }
0x9a: {  	s5 =	simm.s32 $_scs_section_size  }
0x9b: {  	s6 =	simm.s32 $_size__tile_overlayer_lowered;
	s7 =	simm.s32 $_tile_overlayer_lowered  }
0x9c: {  	s8 =	simm.s32 $0x1BFF;
	s21 =	sshll.u32 s7, $0x1;
	s5 =	sadd.s32 s5, s20  }
0x9d: {  	s22 =	simm.s32 $0x0;
	s6 =	sshll.u32 s6, $0x1;
	s7 =	sadd.s32 s21, s5  }
0x9e: {  	[timem:s22], [sflag:s8] =	dma.local [hbm:s7], s6  }
0x9f: {  	_ =	swait.ge [sflag:s8], s6  }
0xa0: {  	s6 =	ssub.s32 $0x0, s6;
	[sflag:s8] =	ssyncset.done $0x0  }
0xa1: {  	[sflag:s8] =	ssyncadd.s32 s6;
	_ =	sdelay $0x1  }
0xa2: {  	s23 =	simm.s32 $0x1B8B  }
0xa3: {  	_ =	swait.ge [sflag:s23], $0x1  }
0xa4: {  	[sflag:s23] =	ssyncset.done $0x0  }
0xa5: {  	[sflag:s23] =	ssyncadd.s32 $0xFFFFFFFF  }
0xa6: {  	s6 =	sld [smem:$0x0]  }
0xa7: {  	s7 =	sand.u32 $0xFFFFFFFE, s1  }
0xa8: {  	p0 =	sne.s32 s1, s7  }
0xa9: {  	s7 =	sshll.u32 @p0 s7, $0xE  }
0xaa: {  	s7 =	sadd.s32 @p0 $0x11B8D, s7;
	s8 =	sshll.u32 @p0 s6, $0x11  }
0xab: {  	s7 =	sor.u32 @p0 s8, s7  }
0xac: {  	[sflag:s7] =	ssyncadd.remote.s32 @p0 $0x1;
	_ =	sdelay $0x1  }
0xad: {  	s7 =	simm.s32 @p0 $0x1B8D  }
0xae: {  	_ =	swait.eq @p0 [sflag:s7], $0x1  }
0xaf: {  	[sflag:s7] =	ssyncadd.s32 @p0 $0xFFFFFFFF  }
0xb0: {  	s8 =	sshll.u32 @!p0 s1, $0xE  }
0xb1: {  	s8 =	sor.u32 @!p0 $0x4000, s8;
	s7 =	simm.s32 @!p0 $0x1B8D  }
0xb2: {  	s6 =	sshll.u32 @!p0 s6, $0x11;
	s8 =	sadd.s32 @!p0 $0x11B8D, s8;
	_ =	swait.eq @!p0 [sflag:s7], $0x1  }
0xb3: {  	s6 =	sor.u32 @!p0 s6, s8;
	[sflag:s7] =	ssyncadd.s32 @!p0 $0xFFFFFFFF  }
0xb4: {  	s25 =	simm.s32 $0x1B8E;
	s24 =	sld [smem:$0x3FFE];
	[sflag:s6] =	ssyncadd.remote.s32 @!p0 $0x1  }
0xb5: {  	s26 =	simm.s32 $execute0_lowered;
	[smem:$0x3FD2] =	sst s25  }
0xb6: {  	s7 =	sshll.u32 s26, $0x1;
	_ =	strace $0x8000004C;
	[dreg:$0x1] =	wrdreg $0xFFFFFFFF  }
0xb7: {  	s28 =	simm.s32 $_size_execute0_lowered;
	s5 =	sadd.s32 s5, s7;
	[dreg:$0x0] =	wrdreg $0x0  }
0xb8: {  	s7 =	sshll.u32 s28, $0x1;
	[dreg:$0x2] =	wrdreg s5  }
0xb9: {  	[dreg:$0x3] =	wrdreg s7  }
0xba: {  	[dreg:$0x4] =	wrdreg $0xC0  }
0xbb: {  	_ =	task [dreg:s22], $0x5FFFF  }
0xbc: {  	[dreg:$0x1] =	wrdreg $0xFFFFFFFF  }
0xbd: {  	[dreg:$0x0] =	wrdreg $0x60  }
0xbe: {  	[dreg:$0x2] =	wrdreg s18  }
0xbf: {  	[dreg:$0x3] =	wrdreg s4  }
0xc0: {  	[dreg:$0x4] =	wrdreg s24  }
0xc1: {  	[dreg:$0x5] =	wrdreg $0xA  }
0xc2: {  	_ =	task.clear_ibuf [dreg:s22], $0x6FFFF;
	_ =	strace $0x9000004C  }
0xc3: {  	s29 =	simm.s32 $0xA;
	_ =	strace $0x8000004E  }
0xc4: {  	_ =	swait.ge [sflag:s29], $0x1  }
0xc5: {  	[sflag:s29] =	ssyncadd.s32 $0xFFFFFFFF  }
0xc6: {  	_ =	strace $0x9000004E  }
0xc7: {  	_ =	sfence  }
0xc8: {  	s30 =	sld [smem:$0x0];
	_ =	sdelay $0x2  }
0xc9: {  	s31 =	sshll.u32 s1, $0xD;
	s1 =	sshrl.u32 s1, $0x2  }
0xca: {  	s4 =	sand.u32 $0x4000, s31;
	s1 =	sadd.s32 s1, s30  }
0xcb: {  	s0 =	sor.u32 s4, s0;
	s1 =	sshll.u32 s1, $0x11  }
0xcc: {  	s0 =	sor.u32 s1, s0  }
0xcd: {  	s0 =	sadd.s32 $0x8F2B, s0  }
0xce: {  	[sflag:s0] =	ssyncadd.remote.s32 $0x1  }
0xcf: {  	_ =	sfence.sel $0xFFFF  }
0xd0: {  	[dreg:$0x0] =	wrdreg $0xFFFFFFFF;
	(pc) =	sbr.abs _section_cstart, $3  }
0xd1: {  	[dreg:$0x1] =	wrdreg $0xFFFFFFFF  }
0xd2: {  	_ =	task.clear_ibuf [dreg:s22], $0x2FFFF;
	_ =	strace $0x9FFFFFFF  }
0xd3: {  	(tm) =	ssettm $0x7FFFFFFF  }
tec
execute0_lowered:
.L_overlay_start_1:
0x0: {  	(tag) =	ssettag $0x1  }
0x1: {  	s1 =	rddreg [dreg:$0x0]  }
0x2: {  	s0 =	srdreg.scid;
	s2 =	rddreg [dreg:$0x1]  }
0x3: {  	s9 =	stileid.u32;
	s5 =	rddreg [dreg:$0x2]  }
0x4: {  	s22 =	simm.s32 $0x78;
	s10 =	simm.s32 $0x1B800;
	s23 =	simm.s32 $0x1400  }
0x5: {  	s11 =	simm.s32 $0x1;
	s24 =	simm.s32 $0x5000;
	s12 =	simm.s32 $0x2  }
0x6: {  	s25 =	simm.s32 $0x8C00;
	s13 =	simm.s32 $0x3;
	s26 =	simm.s32 $0xC800  }
0x7: {  	s14 =	simm.s32 $0x4;
	s0 =	sand.u32 $0x1, s0;
	s3 =	sshll.u32 s9, $0x1  }
0x8: {  	s29 =	simm.s32 $0x10400;
	s6 =	sor.u32 s0, s3;
	s3 =	simm.s32 $0x0  }
0x9: {  	s15 =	simm.s32 $0x5;
	s30 =	simm.s32 $0x14000;
	[smem:$0x7FF] =	sst s3  }
0xa: {  	s16 =	simm.s32 $0x6;
	_ =	strace $0x8000004D;
	[dreg:$0x4] =	wrdreg s22  }
0xb: {  	s31 =	simm.s32 $0x17C00;
	s17 =	simm.s32 $0x7;
	[dreg:$0x5] =	wrdreg s23  }
0xc: {  	s18 =	simm.s32 $0x8;
	s9 =	smul.u32 $0x25800, s9;
	[dreg:$0x6] =	wrdreg s24  }
0xd: {  	s7 =	ssub.s32 $0x2, s0;
	s0 =	smul.u32 $0x12C00, s0;
	[dreg:$0x7] =	wrdreg s25  }
0xe: {  	s28 =	simm.s32 $0x0;
	s4 =	smul.u32 $0x12C0, s6;
	[dreg:$0x8] =	wrdreg s26  }
0xf: {  	s5 =	sadd.s32 $0x28F200, s5;
	s6 =	smul.u32 $0x280, s6;
	[dreg:$0x9] =	wrdreg s29  }
0x10: {  	s8 =	sshrl.u32 s7, $0x1;
	s21 =	sadd.s32 s9, s5;
	[dreg:$0xa] =	wrdreg s30  }
0x11: {  	s7 =	ssub.s32 s7, s8;
	[dreg:$0xb] =	wrdreg s31;
	s2 =	sadd.s32 s2, s6  }
0x12: {  	s8 =	sadd.s32 s0, s21;
	s20 =	smax.u32 s7, $0x1;
	[dreg:$0xc] =	wrdreg s2  }
0x13: {  	s25 =	simm.s32 $0xF;
	s26 =	simm.s32 $0x10;
	[dreg:$0xd] =	wrdreg s20  }
.LBB2_1:
0x14: {  	s0 =	rddreg [dreg:$0xc];
	s7 =	simm.s32 $0x11  }
0x15: {  	[tilespmem:s3], [sflag:$0x11] =	stream.linear.gather [hbm4b:s0+s3], $0x1400, $0x38;
	[tilespmem:$0x1F400] =	vst v63  }
0x16: {  	_ =	swait.ge [sflag:s7], $0x1400  }
0x17: {  	p0 =	por $0x0, $0x0;
	[sflag:s7] =	ssyncset.done $0x0  }
0x18: {  	s0 =	simm.s32 @p0 $0x9;
	[sflag:s7] =	ssyncadd.s32 $0xFFFFEC00  }
0x19: {  	_ =	swait.ge @p0 [sflag:s0], $0x3C00  }
0x1a: {  	s2 =	simm.s32 @p0 $0x1400;
	s6 =	simm.s32 @p0 $0xA;
	[sflag:s0] =	ssyncset.done @p0 $0x0  }
0x1b: {  	s7 =	simm.s32 @p0 $0x78;
	[sflag:s0] =	ssyncadd.s32 @p0 $0xFFFFC400;
	s0 =	simm.s32 @p0 $0x0  }
0x1c: {  	[tilespmem:s2], [sflag:$0x1] =	stream.indirect.gather @p0 [hbm4b:s1+s7], $0x80, s0, s7, $0xb8;
	[tilespmem:$0x1F400] =	vst v63  }
0x1d: {  	_ =	swait.ge @p0 [sflag:s6], $0x3C00  }
0x1e: {  	s0 =	simm.s32 @p0 $0x80;
	[sflag:s6] =	ssyncset.done @p0 $0x0  }
0x1f: {  	s2 =	simm.s32 @p0 $0x5000;
	[sflag:s6] =	ssyncadd.s32 @p0 $0xFFFFC400;
	s6 =	simm.s32 @p0 $0xB  }
0x20: {  	[tilespmem:s2], [sflag:$0x2] =	stream.indirect.gather @p0 [hbm4b:s1+s7], $0x80, s0, s7, $0xb8;
	[tilespmem:$0x1F400] =	vst v63  }
0x21: {  	_ =	swait.ge @p0 [sflag:s6], $0x3C00  }
0x22: {  	s0 =	simm.s32 @p0 $0x100;
	[sflag:s6] =	ssyncset.done @p0 $0x0  }
0x23: {  	s2 =	simm.s32 @p0 $0x8C00;
	[sflag:s6] =	ssyncadd.s32 @p0 $0xFFFFC400;
	s6 =	simm.s32 @p0 $0xC  }
0x24: {  	[tilespmem:s2], [sflag:$0x3] =	stream.indirect.gather @p0 [hbm4b:s1+s7], $0x80, s0, s7, $0xb8;
	[tilespmem:$0x1F400] =	vst v63  }
0x25: {  	_ =	swait.ge @p0 [sflag:s6], $0x3C00  }
0x26: {  	s0 =	simm.s32 @p0 $0x180;
	[sflag:s6] =	ssyncset.done @p0 $0x0  }
0x27: {  	s2 =	simm.s32 @p0 $0xC800;
	[sflag:s6] =	ssyncadd.s32 @p0 $0xFFFFC400;
	s6 =	simm.s32 @p0 $0xD  }
0x28: {  	[tilespmem:s2], [sflag:$0x4] =	stream.indirect.gather @p0 [hbm4b:s1+s7], $0x80, s0, s7, $0xb8;
	[tilespmem:$0x1F400] =	vst v63  }
0x29: {  	_ =	swait.ge @p0 [sflag:s6], $0x3C00  }
0x2a: {  	s0 =	simm.s32 @p0 $0x200;
	[sflag:s6] =	ssyncset.done @p0 $0x0  }
0x2b: {  	s2 =	simm.s32 @p0 $0x10400;
	[sflag:s6] =	ssyncadd.s32 @p0 $0xFFFFC400;
	s6 =	simm.s32 @p0 $0xE  }
0x2c: {  	[tilespmem:s2], [sflag:$0x5] =	stream.indirect.gather @p0 [hbm4b:s1+s7], $0x80, s0, s7, $0xb8;
	[tilespmem:$0x1F400] =	vst v63  }
0x2d: {  	_ =	swait.ge @p0 [sflag:s6], $0x3C00  }
0x2e: {  	s0 =	simm.s32 @p0 $0x280;
	[sflag:s6] =	ssyncset.done @p0 $0x0  }
0x2f: {  	s2 =	simm.s32 @p0 $0x14000;
	[sflag:s6] =	ssyncadd.s32 @p0 $0xFFFFC400;
	s6 =	simm.s32 @p0 $0xF  }
0x30: {  	[tilespmem:s2], [sflag:$0x6] =	stream.indirect.gather @p0 [hbm4b:s1+s7], $0x80, s0, s7, $0xb8;
	[tilespmem:$0x1F400] =	vst v63  }
0x31: {  	_ =	swait.ge @p0 [sflag:s6], $0x3C00  }
0x32: {  	s0 =	simm.s32 @p0 $0x300;
	[sflag:s6] =	ssyncset.done @p0 $0x0  }
0x33: {  	s2 =	simm.s32 @p0 $0x17C00;
	[sflag:s6] =	ssyncadd.s32 @p0 $0xFFFFC400;
	s6 =	simm.s32 @p0 $0x10  }
0x34: {  	[tilespmem:s2], [sflag:$0x7] =	stream.indirect.gather @p0 [hbm4b:s1+s7], $0x80, s0, s7, $0xb8;
	[tilespmem:$0x1F400] =	vst v63  }
0x35: {  	_ =	swait.ge @p0 [sflag:s6], $0x3C00  }
0x36: {  	s0 =	simm.s32 @!p0 $0x1400;
	[sflag:s6] =	ssyncset.done @p0 $0x0  }
0x37: {  	s2 =	simm.s32 @!p0 $0x78;
	[sflag:s6] =	ssyncadd.s32 @p0 $0xFFFFC400;
	s6 =	simm.s32 @!p0 $0x0  }
0x38: {  	[tilespmem:s0], [sflag:$0x1] =	stream.indirect.gather @!p0 [hbm4b:s1+s2], $0x80, s6, s2, $0xb8;
	[tilespmem:$0x1F400] =	vst v63  }
0x39: {  	s0 =	simm.s32 @!p0 $0x80;
	s6 =	simm.s32 @!p0 $0x5000  }
0x3a: {  	[tilespmem:s6], [sflag:$0x2] =	stream.indirect.gather @!p0 [hbm4b:s1+s2], $0x80, s0, s2, $0xb8;
	[tilespmem:$0x1F400] =	vst v63  }
0x3b: {  	s0 =	simm.s32 @!p0 $0x100;
	s6 =	simm.s32 @!p0 $0x8C00  }
0x3c: {  	[tilespmem:s6], [sflag:$0x3] =	stream.indirect.gather @!p0 [hbm4b:s1+s2], $0x80, s0, s2, $0xb8;
	[tilespmem:$0x1F400] =	vst v63  }
0x3d: {  	s0 =	simm.s32 @!p0 $0x180;
	s6 =	simm.s32 @!p0 $0xC800  }
0x3e: {  	[tilespmem:s6], [sflag:$0x4] =	stream.indirect.gather @!p0 [hbm4b:s1+s2], $0x80, s0, s2, $0xb8;
	[tilespmem:$0x1F400] =	vst v63  }
0x3f: {  	s0 =	simm.s32 @!p0 $0x200;
	s6 =	simm.s32 @!p0 $0x10400  }
0x40: {  	[tilespmem:s6], [sflag:$0x5] =	stream.indirect.gather @!p0 [hbm4b:s1+s2], $0x80, s0, s2, $0xb8;
	[tilespmem:$0x1F400] =	vst v63  }
0x41: {  	s0 =	simm.s32 @!p0 $0x280;
	s6 =	simm.s32 @!p0 $0x14000  }
0x42: {  	[tilespmem:s6], [sflag:$0x6] =	stream.indirect.gather @!p0 [hbm4b:s1+s2], $0x80, s0, s2, $0xb8;
	[tilespmem:$0x1F400] =	vst v63  }
0x43: {  	s0 =	simm.s32 @!p0 $0x300;
	s6 =	simm.s32 @!p0 $0x17C00  }
0x44: {  	[tilespmem:s6], [sflag:$0x7] =	stream.indirect.gather @!p0 [hbm4b:s1+s2], $0x80, s0, s2, $0xb8;
	[tilespmem:$0x1F400] =	vst v63  }
0x45: {  	s19 =	simm.s32 $0x380;
	s9 =	rddreg [dreg:$0x4]  }
0x46: {  	[tilespmem:s10], [sflag:$0x8] =	stream.indirect.gather [hbm4b:s1+s9], $0x80, s19, s9, $0xb8;
	[tilespmem:$0x1F400] =	vst v63  }
0x47: {  	_ =	swait.ge [sflag:s11], $0x3C00  }
0x48: {  	s2 =	simm.s32 @p0 $0x78;
	[sflag:s11] =	ssyncset.done $0x0  }
0x49: {  	s2 =	simm.s32 @!p0 $0x78;
	s20 =	rddreg [dreg:$0x5];
	[sflag:s11] =	ssyncadd.s32 $0xFFFFC400  }
0x4a: {  	[hbm4b:s8+s3] =	stream.linear.scatter [tilespmem:s20], [sflag:$0x9], $0x3C00, $0x38;
	[tilespmem:$0x1F400] =	vst v63  }
0x4b: {  	s6 =	simm.s32 @p0 $0xF0;
	s21 =	sadd.s32 s4, s2;
	_ =	swait.ge [sflag:s12], $0x3C00  }
0x4c: {  	s6 =	simm.s32 @!p0 $0xF0;
	s0 =	sshll.u32 s21, $0x4;
	[sflag:s12] =	ssyncset.done $0x0  }
0x4d: {  	s0 =	sadd.s32 s5, s0;
	s22 =	rddreg [dreg:$0x6];
	[sflag:s12] =	ssyncadd.s32 $0xFFFFC400  }
0x4e: {  	[hbm4b:s0+s3] =	stream.linear.scatter [tilespmem:s22], [sflag:$0xA], $0x3C00, $0x38;
	[tilespmem:$0x1F400] =	vst v63  }
0x4f: {  	s23 =	sadd.s32 s4, s6;
	s6 =	simm.s32 @p0 $0x168;
	_ =	swait.ge [sflag:s13], $0x3C00  }
0x50: {  	s6 =	simm.s32 @!p0 $0x168;
	s0 =	sshll.u32 s23, $0x4;
	[sflag:s13] =	ssyncset.done $0x0  }
0x51: {  	s0 =	sadd.s32 s5, s0;
	s24 =	rddreg [dreg:$0x7];
	[sflag:s13] =	ssyncadd.s32 $0xFFFFC400  }
0x52: {  	[hbm4b:s0+s3] =	stream.linear.scatter [tilespmem:s24], [sflag:$0xB], $0x3C00, $0x38;
	[tilespmem:$0x1F400] =	vst v63  }
0x53: {  	s7 =	sadd.s32 s4, s6;
	s6 =	simm.s32 @p0 $0x1E0;
	_ =	swait.ge [sflag:s14], $0x3C00  }
0x54: {  	s6 =	simm.s32 @!p0 $0x1E0;
	s0 =	sshll.u32 s7, $0x4;
	[sflag:s14] =	ssyncset.done $0x0  }
0x55: {  	s0 =	sadd.s32 s5, s0;
	s9 =	rddreg [dreg:$0x8];
	[sflag:s14] =	ssyncadd.s32 $0xFFFFC400  }
0x56: {  	[hbm4b:s0+s3] =	stream.linear.scatter [tilespmem:s9], [sflag:$0xC], $0x3C00, $0x38;
	[tilespmem:$0x1F400] =	vst v63  }
0x57: {  	s19 =	sadd.s32 s4, s6;
	s6 =	simm.s32 @p0 $0x258;
	_ =	swait.ge [sflag:s15], $0x3C00  }
0x58: {  	s6 =	simm.s32 @!p0 $0x258;
	s0 =	sshll.u32 s19, $0x4;
	[sflag:s15] =	ssyncset.done $0x0  }
0x59: {  	s0 =	sadd.s32 s5, s0;
	s20 =	rddreg [dreg:$0x9];
	[sflag:s15] =	ssyncadd.s32 $0xFFFFC400  }
0x5a: {  	[hbm4b:s0+s3] =	stream.linear.scatter [tilespmem:s20], [sflag:$0xD], $0x3C00, $0x38;
	[tilespmem:$0x1F400] =	vst v63  }
0x5b: {  	s21 =	sadd.s32 s4, s6;
	s6 =	simm.s32 $0x2D0;
	_ =	swait.ge [sflag:s16], $0x3C00  }
0x5c: {  	s6 =	simm.s32 @!p0 $0x2D0;
	s0 =	sshll.u32 s21, $0x4;
	[sflag:s16] =	ssyncset.done $0x0  }
0x5d: {  	s0 =	sadd.s32 s5, s0;
	s22 =	rddreg [dreg:$0xa];
	[sflag:s16] =	ssyncadd.s32 $0xFFFFC400  }
0x5e: {  	[hbm4b:s0+s3] =	stream.linear.scatter [tilespmem:s22], [sflag:$0xE], $0x3C00, $0x38;
	[tilespmem:$0x1F400] =	vst v63  }
0x5f: {  	s31 =	simm.s32 $0x1000;
	s23 =	sadd.s32 s4, s6;
	_ =	swait.ge [sflag:s17], $0x3C00  }
0x60: {  	s29 =	sadd.s32 $0x3C00, s8;
	s0 =	sshll.u32 s23, $0x4;
	[sflag:s17] =	ssyncset.done $0x0  }
0x61: {  	s0 =	sadd.s32 s5, s0;
	s24 =	rddreg [dreg:$0xb];
	[sflag:s17] =	ssyncadd.s32 $0xFFFFC400  }
0x62: {  	[hbm4b:s0+s3] =	stream.linear.scatter [tilespmem:s24], [sflag:$0xF], $0x3C00, $0x38;
	[tilespmem:$0x1F400] =	vst v63  }
0x63: {  	s30 =	simm.s32 $0x690;
	s2 =	simm.s32 $0x2000;
	_ =	swait.ge [sflag:s18], $0x3C00  }
0x64: {  	p0 =	por $0x1, $0x1;
	s7 =	sadd.s32 $0x3480, s8;
	[sflag:s18] =	ssyncset.done $0x0  }
.LBB2_2:
0x65: {  	s9 =	simm.s32 @p0 $0x9;
	[sflag:s18] =	ssyncadd.s32 $0xFFFFC400  }
0x66: {  	[hbm4b:s7+s3] =	stream.linear.scatter [tilespmem:s10], [sflag:$0x10], $0x3C00, $0x38;
	[tilespmem:$0x1F400] =	vst v63  }
0x67: {  	_ =	swait.ge @p0 [sflag:s9], $0x3C00  }
0x68: {  	s19 =	simm.s32 @p0 $0x1400;
	s20 =	simm.s32 @p0 $0xA;
	[sflag:s9] =	ssyncset.done @p0 $0x0  }
0x69: {  	s7 =	simm.s32 @p0 $0x78;
	[sflag:s9] =	ssyncadd.s32 @p0 $0xFFFFC400;
	s9 =	sshra.s32 @p0 s31, $0x2  }
0x6a: {  	[tilespmem:s19], [sflag:$0x1] =	stream.indirect.gather @p0 [hbm4b:s1+s7], $0x80, s9, s7, $0xb8;
	[tilespmem:$0x1F400] =	vst v63  }
0x6b: {  	_ =	swait.ge @p0 [sflag:s20], $0x3C00  }
0x6c: {  	s24 =	simm.s32 @p0 $0xB;
	[sflag:s20] =	ssyncset.done @p0 $0x0  }
0x6d: {  	s19 =	sadd.s32 @p0 $0x80, s9;
	[sflag:s20] =	ssyncadd.s32 @p0 $0xFFFFC400;
	s20 =	simm.s32 @p0 $0x5000  }
0x6e: {  	[tilespmem:s20], [sflag:$0x2] =	stream.indirect.gather @p0 [hbm4b:s1+s7], $0x80, s19, s7, $0xb8;
	[tilespmem:$0x1F400] =	vst v63  }
0x6f: {  	_ =	swait.ge @p0 [sflag:s24], $0x3C00  }
0x70: {  	s21 =	sadd.s32 @p0 $0x100, s9;
	[sflag:s24] =	ssyncset.done @p0 $0x0  }
0x71: {  	s20 =	simm.s32 @p0 $0x8C00;
	[sflag:s24] =	ssyncadd.s32 @p0 $0xFFFFC400;
	s24 =	simm.s32 @p0 $0xC  }
0x72: {  	[tilespmem:s20], [sflag:$0x3] =	stream.indirect.gather @p0 [hbm4b:s1+s7], $0x80, s21, s7, $0xb8;
	[tilespmem:$0x1F400] =	vst v63  }
0x73: {  	_ =	swait.ge @p0 [sflag:s24], $0x3C00  }
0x74: {  	s22 =	sadd.s32 @p0 $0x180, s9;
	[sflag:s24] =	ssyncset.done @p0 $0x0  }
0x75: {  	s20 =	simm.s32 @p0 $0xC800;
	s21 =	simm.s32 @p0 $0xD;
	[sflag:s24] =	ssyncadd.s32 @p0 $0xFFFFC400  }
0x76: {  	[tilespmem:s20], [sflag:$0x4] =	stream.indirect.gather @p0 [hbm4b:s1+s7], $0x80, s22, s7, $0xb8;
	[tilespmem:$0x1F400] =	vst v63  }
0x77: {  	_ =	swait.ge @p0 [sflag:s21], $0x3C00  }
0x78: {  	s23 =	sadd.s32 @p0 $0x200, s9;
	[sflag:s21] =	ssyncset.done @p0 $0x0  }
0x79: {  	s20 =	simm.s32 @p0 $0x10400;
	[sflag:s21] =	ssyncadd.s32 @p0 $0xFFFFC400;
	s21 =	simm.s32 @p0 $0xE  }
0x7a: {  	[tilespmem:s20], [sflag:$0x5] =	stream.indirect.gather @p0 [hbm4b:s1+s7], $0x80, s23, s7, $0xb8;
	[tilespmem:$0x1F400] =	vst v63  }
0x7b: {  	_ =	swait.ge @p0 [sflag:s21], $0x3C00  }
0x7c: {  	s19 =	sadd.s32 @p0 $0x280, s9;
	[sflag:s21] =	ssyncset.done @p0 $0x0  }
0x7d: {  	s20 =	simm.s32 @p0 $0x14000;
	[sflag:s21] =	ssyncadd.s32 @p0 $0xFFFFC400;
	s21 =	simm.s32 @p0 $0xF  }
0x7e: {  	[tilespmem:s20], [sflag:$0x6] =	stream.indirect.gather @p0 [hbm4b:s1+s7], $0x80, s19, s7, $0xb8;
	[tilespmem:$0x1F400] =	vst v63  }
0x7f: {  	_ =	swait.ge @p0 [sflag:s21], $0x3C00  }
0x80: {  	s9 =	sadd.s32 @p0 $0x300, s9;
	[sflag:s21] =	ssyncset.done @p0 $0x0  }
0x81: {  	s19 =	simm.s32 @p0 $0x17C00;
	s20 =	simm.s32 @p0 $0x10;
	[sflag:s21] =	ssyncadd.s32 @p0 $0xFFFFC400  }
0x82: {  	[tilespmem:s19], [sflag:$0x7] =	stream.indirect.gather @p0 [hbm4b:s1+s7], $0x80, s9, s7, $0xb8;
	[tilespmem:$0x1F400] =	vst v63  }
0x83: {  	_ =	swait.ge @p0 [sflag:s20], $0x3C00  }
0x84: {  	s7 =	simm.s32 @!p0 $0x1400;
	[sflag:s20] =	ssyncset.done @p0 $0x0  }
0x85: {  	s9 =	simm.s32 @!p0 $0x78;
	s19 =	simm.s32 @!p0 $0x0;
	[sflag:s20] =	ssyncadd.s32 @p0 $0xFFFFC400  }
0x86: {  	[tilespmem:s7], [sflag:$0x1] =	stream.indirect.gather @!p0 [hbm4b:s1+s9], $0x80, s19, s9, $0xb8;
	[tilespmem:$0x1F400] =	vst v63  }
0x87: {  	s7 =	simm.s32 @!p0 $0x80;
	s19 =	simm.s32 @!p0 $0x5000  }
0x88: {  	[tilespmem:s19], [sflag:$0x2] =	stream.indirect.gather @!p0 [hbm4b:s1+s9], $0x80, s7, s9, $0xb8;
	[tilespmem:$0x1F400] =	vst v63  }
0x89: {  	s7 =	simm.s32 @!p0 $0x100;
	s19 =	simm.s32 @!p0 $0x8C00  }
0x8a: {  	[tilespmem:s19], [sflag:$0x3] =	stream.indirect.gather @!p0 [hbm4b:s1+s9], $0x80, s7, s9, $0xb8;
	[tilespmem:$0x1F400] =	vst v63  }
0x8b: {  	s7 =	simm.s32 @!p0 $0x180;
	s19 =	simm.s32 @!p0 $0xC800  }
0x8c: {  	[tilespmem:s19], [sflag:$0x4] =	stream.indirect.gather @!p0 [hbm4b:s1+s9], $0x80, s7, s9, $0xb8;
	[tilespmem:$0x1F400] =	vst v63  }
0x8d: {  	s7 =	simm.s32 @!p0 $0x200;
	s19 =	simm.s32 @!p0 $0x10400  }
0x8e: {  	[tilespmem:s19], [sflag:$0x5] =	stream.indirect.gather @!p0 [hbm4b:s1+s9], $0x80, s7, s9, $0xb8;
	[tilespmem:$0x1F400] =	vst v63  }
0x8f: {  	s7 =	simm.s32 @!p0 $0x280;
	s19 =	simm.s32 @!p0 $0x14000  }
0x90: {  	[tilespmem:s19], [sflag:$0x6] =	stream.indirect.gather @!p0 [hbm4b:s1+s9], $0x80, s7, s9, $0xb8;
	[tilespmem:$0x1F400] =	vst v63  }
0x91: {  	s23 =	sshra.s32 s31, $0x2;
	s7 =	simm.s32 @!p0 $0x300;
	s19 =	simm.s32 @!p0 $0x17C00  }
0x92: {  	[tilespmem:s19], [sflag:$0x7] =	stream.indirect.gather @!p0 [hbm4b:s1+s9], $0x80, s7, s9, $0xb8;
	[tilespmem:$0x1F400] =	vst v63  }
0x93: {  	s6 =	smov.u32 s2;
	s24 =	rddreg [dreg:$0x4];
	s19 =	sadd.s32 $0x380, s23  }
0x94: {  	[tilespmem:s10], [sflag:$0x8] =	stream.indirect.gather [hbm4b:s1+s24], $0x80, s19, s24, $0xb8;
	[tilespmem:$0x1F400] =	vst v63  }
0x95: {  	s31 =	smov.u32 s6;
	s7 =	sadd.s32 @p0 $0xFFFFFDA8, s30;
	_ =	swait.ge [sflag:s11], $0x3C00  }
0x96: {  	s9 =	sadd.s32 @p0 $0xFFFFFE20, s30;
	s7 =	simm.s32 @!p0 $0x78;
	[sflag:s11] =	ssyncset.done $0x0  }
0x97: {  	s9 =	simm.s32 @!p0 $0xF0;
	s20 =	rddreg [dreg:$0x5];
	[sflag:s11] =	ssyncadd.s32 $0xFFFFC400  }
0x98: {  	[hbm4b:s29+s3] =	stream.linear.scatter [tilespmem:s20], [sflag:$0x9], $0x3C00, $0x38;
	[tilespmem:$0x1F400] =	vst v63  }
0x99: {  	s21 =	sadd.s32 s4, s7;
	s23 =	sadd.s32 s4, s9;
	_ =	swait.ge [sflag:s12], $0x3C00  }
0x9a: {  	s9 =	sadd.s32 @p0 $0xFFFFFE98, s30;
	s6 =	sshll.u32 s21, $0x4;
	[sflag:s12] =	ssyncset.done $0x0  }
0x9b: {  	s6 =	sadd.s32 s5, s6;
	s22 =	rddreg [dreg:$0x6];
	[sflag:s12] =	ssyncadd.s32 $0xFFFFC400  }
0x9c: {  	[hbm4b:s6+s3] =	stream.linear.scatter [tilespmem:s22], [sflag:$0xA], $0x3C00, $0x38;
	[tilespmem:$0x1F400] =	vst v63  }
0x9d: {  	s9 =	simm.s32 @!p0 $0x168;
	_ =	swait.ge [sflag:s13], $0x3C00  }
0x9e: {  	s9 =	sadd.s32 s4, s9;
	s6 =	sshll.u32 s23, $0x4;
	[sflag:s13] =	ssyncset.done $0x0  }
0x9f: {  	s6 =	sadd.s32 s5, s6;
	s24 =	rddreg [dreg:$0x7];
	[sflag:s13] =	ssyncadd.s32 $0xFFFFC400  }
0xa0: {  	[hbm4b:s6+s3] =	stream.linear.scatter [tilespmem:s24], [sflag:$0xB], $0x3C00, $0x38;
	[tilespmem:$0x1F400] =	vst v63  }
0xa1: {  	s6 =	sshll.u32 s9, $0x4;
	_ =	swait.ge [sflag:s14], $0x3C00  }
0xa2: {  	s9 =	sadd.s32 @p0 $0xFFFFFF10, s30;
	s6 =	sadd.s32 s5, s6;
	[sflag:s14] =	ssyncset.done $0x0  }
0xa3: {  	s9 =	simm.s32 @!p0 $0x1E0;
	s19 =	rddreg [dreg:$0x8];
	[sflag:s14] =	ssyncadd.s32 $0xFFFFC400  }
0xa4: {  	[hbm4b:s6+s3] =	stream.linear.scatter [tilespmem:s19], [sflag:$0xC], $0x3C00, $0x38;
	[tilespmem:$0x1F400] =	vst v63  }
0xa5: {  	s20 =	sadd.s32 s4, s9;
	s9 =	sadd.s32 @p0 $0xFFFFFF88, s30;
	_ =	swait.ge [sflag:s15], $0x3C00  }
0xa6: {  	s9 =	simm.s32 @!p0 $0x258;
	s6 =	sshll.u32 s20, $0x4;
	[sflag:s15] =	ssyncset.done $0x0  }
0xa7: {  	s6 =	sadd.s32 s5, s6;
	s21 =	rddreg [dreg:$0x9];
	[sflag:s15] =	ssyncadd.s32 $0xFFFFC400  }
0xa8: {  	[hbm4b:s6+s3] =	stream.linear.scatter [tilespmem:s21], [sflag:$0xD], $0x3C00, $0x38;
	[tilespmem:$0x1F400] =	vst v63  }
0xa9: {  	s22 =	sadd.s32 s4, s9;
	_ =	swait.ge [sflag:s16], $0x3C00  }
0xaa: {  	s6 =	sshll.u32 s22, $0x4;
	[sflag:s16] =	ssyncset.done $0x0  }
0xab: {  	s6 =	sadd.s32 s5, s6;
	s23 =	rddreg [dreg:$0xa];
	[sflag:s16] =	ssyncadd.s32 $0xFFFFC400  }
0xac: {  	[hbm4b:s6+s3] =	stream.linear.scatter [tilespmem:s23], [sflag:$0xE], $0x3C00, $0x38;
	[tilespmem:$0x1F400] =	vst v63  }
0xad: {  	s6 =	smov.u32 s30  }
0xae: {  	s2 =	sadd.s32 $0x1000, s2;
	s0 =	smov.u32 s29;
	s6 =	simm.s32 @!p0 $0x2D0  }
0xaf: {  	p1 =	sne.s32 s2, $0x5000;
	_ =	swait.ge [sflag:s17], $0x3C00;
	s6 =	sadd.s32 s4, s6  }
.Ltmp0:
0xb0: {  	[sflag:s17] =	ssyncset.done $0x0;
	s6 =	sshll.u32 s6, $0x4;
	(pc) =	sbr.rel @p1 .LBB2_2-.Ltmp0, $4  }
0xb1: {  	s24 =	rddreg [dreg:$0xb];
	[sflag:s17] =	ssyncadd.s32 $0xFFFFC400;
	s6 =	sadd.s32 s5, s6  }
0xb2: {  	[hbm4b:s6+s3] =	stream.linear.scatter [tilespmem:s24], [sflag:$0xF], $0x3C00, $0x38;
	[tilespmem:$0x1F400] =	vst v63  }
0xb3: {  	s7 =	sadd.s32 $0x3480, s0;
	s29 =	sadd.s32 $0x3C00, s29;
	_ =	swait.ge [sflag:s18], $0x3C00  }
0xb4: {  	s30 =	sadd.s32 $0x3C0, s30;
	p0 =	sne.s32 s31, $0x0;
	[sflag:s18] =	ssyncset.done $0x0  }
0xb5: {  	s0 =	simm.s32 @p0 $0x9;
	[sflag:s18] =	ssyncadd.s32 $0xFFFFC400  }
0xb6: {  	[hbm4b:s7+s3] =	stream.linear.scatter [tilespmem:s10], [sflag:$0x10], $0x3C00, $0x38;
	[tilespmem:$0x1F400] =	vst v63  }
0xb7: {  	_ =	swait.ge @p0 [sflag:s0], $0x3C00  }
0xb8: {  	s2 =	simm.s32 @p0 $0x1400;
	s6 =	simm.s32 @p0 $0xA;
	[sflag:s0] =	ssyncset.done @p0 $0x0  }
0xb9: {  	s7 =	simm.s32 @p0 $0x78;
	[sflag:s0] =	ssyncadd.s32 @p0 $0xFFFFC400;
	s0 =	sshra.s32 @p0 s31, $0x2  }
0xba: {  	[tilespmem:s2], [sflag:$0x1] =	stream.indirect.gather @p0 [hbm4b:s1+s7], $0x80, s0, s7, $0xb8;
	[tilespmem:$0x1F400] =	vst v63  }
0xbb: {  	_ =	swait.ge @p0 [sflag:s6], $0x3C00  }
0xbc: {  	[sflag:s6] =	ssyncset.done @p0 $0x0  }
0xbd: {  	s2 =	sadd.s32 @p0 $0x80, s0;
	[sflag:s6] =	ssyncadd.s32 @p0 $0xFFFFC400;
	s6 =	simm.s32 @p0 $0x5000  }
0xbe: {  	[tilespmem:s6], [sflag:$0x2] =	stream.indirect.gather @p0 [hbm4b:s1+s7], $0x80, s2, s7, $0xb8;
	[tilespmem:$0x1F400] =	vst v63  }
0xbf: {  	s2 =	simm.s32 @p0 $0xB  }
0xc0: {  	_ =	swait.ge @p0 [sflag:s2], $0x3C00  }
0xc1: {  	[sflag:s2] =	ssyncset.done @p0 $0x0  }
0xc2: {  	s6 =	sadd.s32 @p0 $0x100, s0;
	[sflag:s2] =	ssyncadd.s32 @p0 $0xFFFFC400;
	s2 =	simm.s32 @p0 $0x8C00  }
0xc3: {  	[tilespmem:s2], [sflag:$0x3] =	stream.indirect.gather @p0 [hbm4b:s1+s7], $0x80, s6, s7, $0xb8;
	[tilespmem:$0x1F400] =	vst v63  }
0xc4: {  	s2 =	simm.s32 @p0 $0xC  }
0xc5: {  	_ =	swait.ge @p0 [sflag:s2], $0x3C00  }
0xc6: {  	[sflag:s2] =	ssyncset.done @p0 $0x0  }
0xc7: {  	s6 =	sadd.s32 @p0 $0x180, s0;
	[sflag:s2] =	ssyncadd.s32 @p0 $0xFFFFC400;
	s2 =	simm.s32 @p0 $0xC800  }
0xc8: {  	[tilespmem:s2], [sflag:$0x4] =	stream.indirect.gather @p0 [hbm4b:s1+s7], $0x80, s6, s7, $0xb8;
	[tilespmem:$0x1F400] =	vst v63  }
0xc9: {  	s2 =	simm.s32 @p0 $0xD  }
0xca: {  	_ =	swait.ge @p0 [sflag:s2], $0x3C00  }
0xcb: {  	[sflag:s2] =	ssyncset.done @p0 $0x0  }
0xcc: {  	s6 =	sadd.s32 @p0 $0x200, s0;
	[sflag:s2] =	ssyncadd.s32 @p0 $0xFFFFC400;
	s2 =	simm.s32 @p0 $0x10400  }
0xcd: {  	[tilespmem:s2], [sflag:$0x5] =	stream.indirect.gather @p0 [hbm4b:s1+s7], $0x80, s6, s7, $0xb8;
	[tilespmem:$0x1F400] =	vst v63  }
0xce: {  	s2 =	simm.s32 @p0 $0xE  }
0xcf: {  	_ =	swait.ge @p0 [sflag:s2], $0x3C00  }
0xd0: {  	[sflag:s2] =	ssyncset.done @p0 $0x0  }
0xd1: {  	s6 =	sadd.s32 @p0 $0x280, s0;
	[sflag:s2] =	ssyncadd.s32 @p0 $0xFFFFC400;
	s2 =	simm.s32 @p0 $0x14000  }
0xd2: {  	[tilespmem:s2], [sflag:$0x6] =	stream.indirect.gather @p0 [hbm4b:s1+s7], $0x80, s6, s7, $0xb8;
	[tilespmem:$0x1F400] =	vst v63  }
0xd3: {  	s2 =	simm.s32 @p0 $0xF  }
0xd4: {  	_ =	swait.ge @p0 [sflag:s2], $0x3C00  }
0xd5: {  	[sflag:s2] =	ssyncset.done @p0 $0x0  }
0xd6: {  	s0 =	sadd.s32 @p0 $0x300, s0;
	[sflag:s2] =	ssyncadd.s32 @p0 $0xFFFFC400;
	s2 =	simm.s32 @p0 $0x17C00  }
0xd7: {  	[tilespmem:s2], [sflag:$0x7] =	stream.indirect.gather @p0 [hbm4b:s1+s7], $0x80, s0, s7, $0xb8;
	[tilespmem:$0x1F400] =	vst v63  }
0xd8: {  	s0 =	simm.s32 @p0 $0x10  }
0xd9: {  	_ =	swait.ge @p0 [sflag:s0], $0x3C00  }
0xda: {  	s6 =	simm.s32 @!p0 $0x0;
	[sflag:s0] =	ssyncset.done @p0 $0x0  }
0xdb: {  	s2 =	simm.s32 @!p0 $0x1400;
	[sflag:s0] =	ssyncadd.s32 @p0 $0xFFFFC400;
	s0 =	simm.s32 @!p0 $0x78  }
0xdc: {  	[tilespmem:s2], [sflag:$0x1] =	stream.indirect.gather @!p0 [hbm4b:s1+s0], $0x80, s6, s0, $0xb8;
	[tilespmem:$0x1F400] =	vst v63  }
0xdd: {  	s2 =	simm.s32 @!p0 $0x80;
	s6 =	simm.s32 @!p0 $0x5000  }
0xde: {  	[tilespmem:s6], [sflag:$0x2] =	stream.indirect.gather @!p0 [hbm4b:s1+s0], $0x80, s2, s0, $0xb8;
	[tilespmem:$0x1F400] =	vst v63  }
0xdf: {  	s2 =	simm.s32 @!p0 $0x100;
	s6 =	simm.s32 @!p0 $0x8C00  }
0xe0: {  	[tilespmem:s6], [sflag:$0x3] =	stream.indirect.gather @!p0 [hbm4b:s1+s0], $0x80, s2, s0, $0xb8;
	[tilespmem:$0x1F400] =	vst v63  }
0xe1: {  	s2 =	simm.s32 @!p0 $0x180;
	s6 =	simm.s32 @!p0 $0xC800  }
0xe2: {  	[tilespmem:s6], [sflag:$0x4] =	stream.indirect.gather @!p0 [hbm4b:s1+s0], $0x80, s2, s0, $0xb8;
	[tilespmem:$0x1F400] =	vst v63  }
0xe3: {  	s2 =	simm.s32 @!p0 $0x200;
	s6 =	simm.s32 @!p0 $0x10400  }
0xe4: {  	[tilespmem:s6], [sflag:$0x5] =	stream.indirect.gather @!p0 [hbm4b:s1+s0], $0x80, s2, s0, $0xb8;
	[tilespmem:$0x1F400] =	vst v63  }
0xe5: {  	s2 =	simm.s32 @!p0 $0x280;
	s6 =	simm.s32 @!p0 $0x14000  }
0xe6: {  	[tilespmem:s6], [sflag:$0x6] =	stream.indirect.gather @!p0 [hbm4b:s1+s0], $0x80, s2, s0, $0xb8;
	[tilespmem:$0x1F400] =	vst v63  }
0xe7: {  	s20 =	sshra.s32 s31, $0x2;
	s2 =	simm.s32 @!p0 $0x300;
	s6 =	simm.s32 @!p0 $0x17C00  }
0xe8: {  	[tilespmem:s6], [sflag:$0x7] =	stream.indirect.gather @!p0 [hbm4b:s1+s0], $0x80, s2, s0, $0xb8;
	[tilespmem:$0x1F400] =	vst v63  }
0xe9: {  	s19 =	rddreg [dreg:$0x4];
	s2 =	sadd.s32 $0x380, s20  }
0xea: {  	[tilespmem:s10], [sflag:$0x8] =	stream.indirect.gather [hbm4b:s1+s19], $0x80, s2, s19, $0xb8;
	[tilespmem:$0x1F400] =	vst v63  }
0xeb: {  	_ =	swait.ge [sflag:s11], $0x3C00  }
0xec: {  	s2 =	sadd.s32 @p0 $0xFFFFFDA8, s30;
	[sflag:s11] =	ssyncset.done $0x0  }
0xed: {  	s2 =	simm.s32 @!p0 $0x78;
	s21 =	rddreg [dreg:$0x5];
	[sflag:s11] =	ssyncadd.s32 $0xFFFFC400  }
0xee: {  	[hbm4b:s29+s3] =	stream.linear.scatter [tilespmem:s21], [sflag:$0x9], $0x3C00, $0x38;
	[tilespmem:$0x1F400] =	vst v63  }
0xef: {  	s22 =	sadd.s32 s4, s2;
	_ =	swait.ge [sflag:s12], $0x3C00  }
0xf0: {  	s0 =	sshll.u32 s22, $0x4;
	[sflag:s12] =	ssyncset.done $0x0  }
0xf1: {  	s0 =	sadd.s32 s5, s0;
	s23 =	rddreg [dreg:$0x6];
	[sflag:s12] =	ssyncadd.s32 $0xFFFFC400  }
0xf2: {  	[hbm4b:s0+s3] =	stream.linear.scatter [tilespmem:s23], [sflag:$0xA], $0x3C00, $0x38;
	[tilespmem:$0x1F400] =	vst v63  }
0xf3: {  	s0 =	sadd.s32 @p0 $0xFFFFFE20, s30  }
0xf4: {  	s0 =	simm.s32 @!p0 $0xF0  }
0xf5: {  	_ =	swait.ge [sflag:s13], $0x3C00;
	s0 =	sadd.s32 s4, s0  }
0xf6: {  	[sflag:s13] =	ssyncset.done $0x0;
	s0 =	sshll.u32 s0, $0x4  }
0xf7: {  	s24 =	rddreg [dreg:$0x7];
	[sflag:s13] =	ssyncadd.s32 $0xFFFFC400;
	s0 =	sadd.s32 s5, s0  }
0xf8: {  	[hbm4b:s0+s3] =	stream.linear.scatter [tilespmem:s24], [sflag:$0xB], $0x3C00, $0x38;
	[tilespmem:$0x1F400] =	vst v63  }
0xf9: {  	s0 =	sadd.s32 @p0 $0xFFFFFE98, s30  }
0xfa: {  	s0 =	simm.s32 @!p0 $0x168  }
0xfb: {  	_ =	swait.ge [sflag:s14], $0x3C00;
	s0 =	sadd.s32 s4, s0  }
0xfc: {  	[sflag:s14] =	ssyncset.done $0x0;
	s0 =	sshll.u32 s0, $0x4  }
0xfd: {  	s31 =	rddreg [dreg:$0x8];
	[sflag:s14] =	ssyncadd.s32 $0xFFFFC400;
	s0 =	sadd.s32 s5, s0  }
0xfe: {  	[hbm4b:s0+s3] =	stream.linear.scatter [tilespmem:s31], [sflag:$0xC], $0x3C00, $0x38;
	[tilespmem:$0x1F400] =	vst v63  }
0xff: {  	s0 =	sadd.s32 @p0 $0xFFFFFF10, s30  }
0x100: {  	s0 =	simm.s32 @!p0 $0x1E0  }
0x101: {  	_ =	swait.ge [sflag:s15], $0x3C00;
	s0 =	sadd.s32 s4, s0  }
0x102: {  	[sflag:s15] =	ssyncset.done $0x0;
	s0 =	sshll.u32 s0, $0x4  }
0x103: {  	s6 =	rddreg [dreg:$0x9];
	[sflag:s15] =	ssyncadd.s32 $0xFFFFC400;
	s0 =	sadd.s32 s5, s0  }
0x104: {  	[hbm4b:s0+s3] =	stream.linear.scatter [tilespmem:s6], [sflag:$0xD], $0x3C00, $0x38;
	[tilespmem:$0x1F400] =	vst v63  }
0x105: {  	s0 =	sadd.s32 @p0 $0xFFFFFF88, s30  }
0x106: {  	s0 =	simm.s32 @!p0 $0x258  }
0x107: {  	_ =	swait.ge [sflag:s16], $0x3C00;
	s0 =	sadd.s32 s4, s0  }
0x108: {  	s30 =	simm.s32 @!p0 $0x2D0;
	[sflag:s16] =	ssyncset.done $0x0;
	s0 =	sshll.u32 s0, $0x4  }
0x109: {  	s7 =	rddreg [dreg:$0xa];
	[sflag:s16] =	ssyncadd.s32 $0xFFFFC400;
	s0 =	sadd.s32 s5, s0  }
0x10a: {  	[hbm4b:s0+s3] =	stream.linear.scatter [tilespmem:s7], [sflag:$0xE], $0x3C00, $0x38;
	[tilespmem:$0x1F400] =	vst v63  }
0x10b: {  	s9 =	sadd.s32 s4, s30;
	_ =	swait.ge [sflag:s17], $0x3C00  }
0x10c: {  	s0 =	sshll.u32 s9, $0x4;
	[sflag:s17] =	ssyncset.done $0x0  }
0x10d: {  	s0 =	sadd.s32 s5, s0;
	s19 =	rddreg [dreg:$0xb];
	[sflag:s17] =	ssyncadd.s32 $0xFFFFC400  }
0x10e: {  	[hbm4b:s0+s3] =	stream.linear.scatter [tilespmem:s19], [sflag:$0xF], $0x3C00, $0x38;
	[tilespmem:$0x1F400] =	vst v63  }
0x10f: {  	_ =	swait.ge [sflag:s18], $0x3C00  }
0x110: {  	[sflag:s18] =	ssyncset.done $0x0  }
0x111: {  	s20 =	sadd.s32 $0x3480, s29;
	s21 =	simm.s32 $0x9;
	[sflag:s18] =	ssyncadd.s32 $0xFFFFC400  }
0x112: {  	[hbm4b:s20+s3] =	stream.linear.scatter [tilespmem:s10], [sflag:$0x10], $0x3C00, $0x38;
	[tilespmem:$0x1F400] =	vst v63  }
0x113: {  	_ =	swait.ge [sflag:s21], $0x3C00  }
0x114: {  	[sflag:s21] =	ssyncset.done $0x0  }
0x115: {  	s22 =	simm.s32 $0xA;
	[sflag:s21] =	ssyncadd.s32 $0xFFFFC400  }
0x116: {  	_ =	swait.ge [sflag:s22], $0x3C00  }
0x117: {  	[sflag:s22] =	ssyncset.done $0x0  }
0x118: {  	s23 =	simm.s32 $0xB;
	[sflag:s22] =	ssyncadd.s32 $0xFFFFC400  }
0x119: {  	_ =	swait.ge [sflag:s23], $0x3C00  }
0x11a: {  	[sflag:s23] =	ssyncset.done $0x0  }
0x11b: {  	s24 =	simm.s32 $0xC;
	[sflag:s23] =	ssyncadd.s32 $0xFFFFC400  }
0x11c: {  	_ =	swait.ge [sflag:s24], $0x3C00  }
0x11d: {  	[sflag:s24] =	ssyncset.done $0x0  }
0x11e: {  	s29 =	simm.s32 $0xD;
	[sflag:s24] =	ssyncadd.s32 $0xFFFFC400  }
0x11f: {  	_ =	swait.ge [sflag:s29], $0x3C00  }
0x120: {  	[sflag:s29] =	ssyncset.done $0x0  }
0x121: {  	s30 =	simm.s32 $0xE;
	[sflag:s29] =	ssyncadd.s32 $0xFFFFC400  }
0x122: {  	_ =	swait.ge [sflag:s30], $0x3C00  }
0x123: {  	[sflag:s30] =	ssyncset.done $0x0  }
0x124: {  	[sflag:s30] =	ssyncadd.s32 $0xFFFFC400  }
0x125: {  	_ =	swait.ge [sflag:s25], $0x3C00  }
0x126: {  	[sflag:s25] =	ssyncset.done $0x0  }
0x127: {  	[sflag:s25] =	ssyncadd.s32 $0xFFFFC400  }
0x128: {  	_ =	swait.ge [sflag:s26], $0x3C00  }
0x129: {  	s28 =	sadd.s32 $0x1, s28;
	s31 =	rddreg [dreg:$0xd]  }
0x12a: {  	p0 =	sne.s32 s28, s31  }
.Ltmp1:
0x12b: {  	_ = 	snop;
	(pc) =	sbr.rel @p0 .LBB2_1-.Ltmp1, $3  }
0x12c: {  	_ =	sdelay $0x1  }
0x12d: {  	[sflag:s26] =	ssyncset.done $0x0  }
0x12e: {  	[sflag:s26] =	ssyncadd.s32 $0xFFFFC400  }
0x12f: {  	_ =	sfence.sel $0x180000  }
0x130: {  	[bflag:$0x0] =	sbarrier.arrive $0xFFFF  }
0x131: {  	_ =	strace $0x9000004D  }
0x132: {  	s0 =	stileid.u32;
	[bflag:$0x2] =	sbarrier.arrive $0xFFFF  }
0x133: {  	p0 =	sne.s32 s0, $0x0;
	s0 =	rddreg [dreg:$0x3]  }
0x134: {  	s0 =	sadd.s32 @!p0 $0x100000, s0  }
0x135: {  	[sflag:s0] =	ssyncadd.tile.s32 @!p0 $0x1;
	_ =	shalt  }
.Lfunc_end2:
_tile_overlayer_lowered:
.L_overlay_start_2:
0x136: {  	(tag) =	ssettag $0x2  }
0x137: {  	s0 =	rddreg [dreg:$0x0];
	s2 =	stileid.u32  }
0x138: {  	s1 =	rddreg [dreg:$0x1];
	p0 =	sne.s32 s2, $0x0  }
0x139: {  	s3 =	rddreg [dreg:$0x2];
	[bflag:$0x3] =	sbarrier.arrive $0xFFFF;
	s2 =	simm.s32 @!p0 $0x1C11  }
0x13a: {  	[timem:s3], [sflag:s2] =	dma.local @!p0 [hbm:s0], s1  }
0x13b: {  	s0 =	simm.s32 @!p0 $0x11  }
0x13c: {  	_ =	swait.ge @!p0 [sflag:s0], s1  }
0x13d: {  	s1 =	ssub.s32 @!p0 $0x0, s1;
	[sflag:s0] =	ssyncset.done @!p0 $0x0  }
0x13e: {  	[sflag:s0] =	ssyncadd.s32 @!p0 s1  }
0x13f: {  	[bflag:$0x3] =	sbarrier.arrive $0xFFFF  }
0x140: {  	_ =	shalt  }

</sc_bundles>
